<compile_context>
chip_gen: v7x
topology: tpu7x:2x2x1
jax: 0.10.2.dev20260603
libtpu: 0.0.44.dev20260713+nightly
codegen_flags: <defaults>
</compile_context>

<pallas_src>
import jax
import jax.numpy as jnp
from jax import lax
from jax.experimental import pallas as pl
from jax.experimental.pallas import tpu as pltpu
from jax.experimental.pallas import tpu_sc as plsc

IMG = 608.0
NCLS = 80
NFM = 3
A = 3
FM = (19.0, 38.0, 76.0)
LAST = (0, 1083, 5415)
SCALED_ANCH = (
    ((3.625, 2.8125), (4.875, 6.1875), (11.65625, 10.1875)),
    ((1.875, 3.8125), (3.875, 2.8125), (3.6875, 7.4375)),
    ((1.25, 1.625), (2.0, 2.875), (4.125, 2.875)),
)
NT = 50
NPAD = 64
BS = 16
NANCH = 22743
NALL = BS * NANCH
APAD = 23552
BA = 1024
NHIT = A * NFM * NPAD


def _assign_vec(t1, t2, t3, t4, use_floor):
    best = None
    best_pos = None
    bases = []
    ious = []
    for m in range(NFM):
        fm = FM[m]
        gw = t3 * fm
        gh = t4 * fm
        if use_floor:
            gi = jnp.floor(t1 * fm).astype(jnp.int32)
            gj = jnp.floor(t2 * fm).astype(jnp.int32)
        else:
            gi = (t1 * fm).astype(jnp.int32)
            gj = (t2 * fm).astype(jnp.int32)
        base = LAST[m] + A * (gi * gj)
        bases.append(base)
        row = []
        for i in range(A):
            aw, ah = SCALED_ANCH[m][i]
            inter = jnp.minimum(gw, aw) * jnp.minimum(gh, ah)
            union = gw * gh + (aw * ah) - inter
            iou = inter / (union + 1e-16)
            row.append(iou)
            cand_pos = base + i
            if best is None:
                best, best_pos = iou, cand_pos
            else:
                upd = iou > best
                best = jnp.where(upd, iou, best)
                best_pos = jnp.where(upd, cand_pos, best_pos)
        ious.append(row)
    return best_pos, bases, best, ious



def _extract_kernel(targets_ref, pred_ref, conf_ref, cand_ref, s1p_ref):
    g = pl.program_id(0)
    f32 = jnp.float32
    data = pred_ref[...]
    a_iota = lax.broadcasted_iota(jnp.int32, (BS, BA), 1) + g * BA
    valid_a = a_iota < NANCH
    lane3 = lax.broadcasted_iota(jnp.int32, data.shape, 2)
    conf = jnp.sum(jnp.where(lane3 == 4, data, 0.0), axis=2)
    conf_m = jnp.where(valid_a, conf, 0.0)
    conf_ref[...] = conf_m.reshape(BS, BA // 128, 128)

    clipv = lambda p: jnp.clip(p, 1e-7, 1.0 - 1e-7)
    terms = jnp.where(valid_a, -jnp.log(1.0 - clipv(conf)), 0.0)
    t3 = terms.reshape(BS, BA // 128, 128)
    psum = jnp.sum(t3, axis=(0, 1))
    p8 = jnp.broadcast_to(psum[None, :], (8, 128)) * f32(0.125)

    targets_p = [targets_ref[c] for c in range(5)]
    pos, _, _, _ = _assign_vec(targets_p[1], targets_p[2], targets_p[3],
                               targets_p[4], True)

    a3 = lax.broadcasted_iota(jnp.int32, data.shape, 1) + g * BA
    dmask = jnp.where(a3 < NANCH, data, 0.0)

    @pl.when(g == 0)
    def _init():
        cand_ref[...] = jnp.zeros((BS, NPAD, 85), f32)
        s1p_ref[...] = jnp.zeros((8, 128), f32)

    s1p_ref[...] += p8
    a_row3 = lax.broadcasted_iota(jnp.int32, (BS, NPAD, BA), 2) + g * BA
    onehot = (a_row3 == pos[:, :, None]).astype(f32)
    cand_ref[...] += lax.dot_general(
        onehot, dmask,
        (((2,), (1,)), ((0,), (0,))),
        preferred_element_type=f32)


def _extract(targets_t, prediction):
    grid = -(-NANCH // BA)
    return pl.pallas_call(
        _extract_kernel,
        grid=(grid,),
        in_specs=[
            pl.BlockSpec((5, BS, NPAD), lambda g: (0, 0, 0)),
            pl.BlockSpec((BS, BA, 85), lambda g: (0, g, 0)),
        ],
        out_specs=[
            pl.BlockSpec((BS, BA // 128, 128), lambda g: (0, g, 0)),
            pl.BlockSpec((BS, NPAD, 85), lambda g: (0, 0, 0)),
            pl.BlockSpec((8, 128), lambda g: (0, 0)),
        ],
        out_shape=[
            jax.ShapeDtypeStruct((BS, APAD // 128, 128), jnp.float32),
            jax.ShapeDtypeStruct((BS, NPAD, 85), jnp.float32),
            jax.ShapeDtypeStruct((8, 128), jnp.float32),
        ],
    )(targets_t, prediction)



def _sc_gather_kernel(conf_hbm, targets_hbm, hitconf_out,
                      tgt_v, hitw_idx_v, hitw_v, sem):
    wid = lax.axis_index("s") * 2 + lax.axis_index("c")

    @pl.when(wid < BS)
    def _sparse():
        b = wid
        pltpu.sync_copy(targets_hbm.at[:, b, :], tgt_v)
        word0 = b * APAD
        pad = jnp.full((16,), 0, jnp.int32)
        for kpad in range(NHIT, 640, 16):
            hitw_idx_v[pl.ds(kpad, 16)] = pad
        for chunk in range(NPAD // 16):
            sl = pl.ds(chunk * 16, 16)
            t1 = tgt_v[1, sl]
            t2 = tgt_v[2, sl]
            t3 = tgt_v[3, sl]
            t4 = tgt_v[4, sl]
            _, bases, _, _ = _assign_vec(t1, t2, t3, t4, False)
            for m in range(NFM):
                for i in range(A):
                    k = (m * A + i) * NPAD + chunk * 16
                    hitw_idx_v[pl.ds(k, 16)] = (
                        word0 + jnp.clip(bases[m] + i, 0, NANCH - 1))
        pltpu.async_copy(conf_hbm.at[hitw_idx_v], hitw_v, sem).wait()
        pltpu.sync_copy(hitw_v, hitconf_out.at[b])


def _sc_gather(conf_flat, targets_t):
    mesh = plsc.VectorSubcoreMesh(core_axis_name="c", subcore_axis_name="s")
    kfn = pl.kernel(
        _sc_gather_kernel,
        mesh=mesh,
        compiler_params=pltpu.CompilerParams(use_tc_tiling_on_sc=False),
        out_type=[
            jax.ShapeDtypeStruct((BS, 640), jnp.float32),
        ],
        scratch_types=[
            pltpu.VMEM((5, NPAD), jnp.float32),
            pltpu.VMEM((640,), jnp.int32),
            pltpu.VMEM((640,), jnp.float32),
            pltpu.SemaphoreType.DMA,
        ],
    )
    return kfn(conf_flat, targets_t)



def _reduce_kernel(targets_ref, cand_ref, hitconf_ref, s1p_ref, out_ref):
    f32 = jnp.float32
    targets_p = [targets_ref[c] for c in range(5)]
    valid = (targets_p[0] + targets_p[1] + targets_p[2] +
             targets_p[3] + targets_p[4]) != 0.0
    pos, bases, tconf, ious = _assign_vec(
        targets_p[1], targets_p[2], targets_p[3], targets_p[4], True)
    cls = targets_p[0].astype(jnp.int32)

    clipv = lambda p: jnp.clip(p, 1e-7, 1.0 - 1e-7)
    C0 = -jnp.log(f32(1.0) - clipv(f32(0.0)))
    Nf = f32(NALL)

    n_iota2 = lax.broadcasted_iota(jnp.int32, (BS, NPAD, NPAD), 2)
    n_iota1 = lax.broadcasted_iota(jnp.int32, (BS, NPAD, NPAD), 1)
    eqpos = pos[:, :, None] == pos[:, None, :]
    overw = eqpos & (n_iota2 > n_iota1) & valid[:, None, :]
    is_last = valid & jnp.logical_not(jnp.any(overw, axis=2))
    eqcls = cls[:, :, None] == cls[:, None, :]
    earlier_same = eqpos & eqcls & (n_iota2 < n_iota1) & valid[:, None, :]
    cls_first = valid & jnp.logical_not(jnp.any(earlier_same, axis=2))
    wl = is_last.astype(f32)
    wcf = cls_first.astype(f32)

    cand = cand_ref[...]
    lane = lax.broadcasted_iota(jnp.int32, cand.shape, 2)
    pick = lambda c: jnp.sum(jnp.where(lane == c, cand, 0.0), axis=2)
    xg, yg, wg, hg, cg = pick(0), pick(1), pick(2), pick(3), pick(4)

    wwh = 2.0 - targets_p[3] * targets_p[4]
    tx = targets_p[1] * IMG
    ty = targets_p[2] * IMG
    tw = targets_p[3] * IMG
    th = targets_p[4] * IMG
    sxywh = jnp.sum(wl * ((xg * wwh - tx * wwh) ** 2 +
                          (yg * wwh - ty * wwh) ** 2 +
                          (wg * wwh - tw * wwh) ** 2 +
                          (hg * wwh - th * wwh) ** 2))

    cgc = clipv(cg)
    mask_corr = jnp.sum(wl * (-(tconf * jnp.log(cgc) +
                                (1.0 - tconf) * jnp.log(1.0 - cgc)) - C0))

    pc = clipv(cand)
    l1m = jnp.log(1.0 - pc)
    rowsum = jnp.sum(jnp.where(lane >= 5, -l1m, 0.0), axis=2)
    selmask = lane == (5 + cls)[:, :, None]
    selterm = jnp.sum(jnp.where(selmask, l1m - jnp.log(pc), 0.0), axis=2)
    clsnum = jnp.sum(wl * rowsum) + jnp.sum(wcf * selterm)
    nmask = jnp.sum(wl)

    S1 = jnp.sum(s1p_ref[...])

    noobj_corr = f32(0.0)
    for m in range(NFM):
        hitk = jnp.concatenate(
            [((ious[m][i] > 0.5) & valid).astype(jnp.int32)
             for i in range(A)], axis=1) > 0
        idxk = jnp.concatenate(
            [bases[m] + i for i in range(A)], axis=1)
        K = A * NPAD
        k2 = lax.broadcasted_iota(jnp.int32, (BS, K, K), 2)
        k1 = lax.broadcasted_iota(jnp.int32, (BS, K, K), 1)
        eqi = idxk[:, :, None] == idxk[:, None, :]
        earlier_hit = eqi & (k2 < k1) & hitk[:, None, :]
        hit_keep = hitk & jnp.logical_not(jnp.any(earlier_hit, axis=2))
        hconf = jnp.concatenate(
            [hitconf_ref[:, (m * A + i) * NPAD:(m * A + i + 1) * NPAD]
             for i in range(A)], axis=1)
        noobj_corr = noobj_corr + jnp.sum(
            hit_keep.astype(f32) * (C0 + jnp.log(1.0 - clipv(hconf))))

    loss = (sxywh / Nf
            + (Nf * C0 + mask_corr) / Nf
            + 0.5 * (S1 + noobj_corr) / Nf
            + clsnum / (nmask * NCLS))
    out_ref[...] = jnp.full((8, 128), loss, jnp.float32)


def _reduce(targets_t, cand, hitconf, s1p):
    return pl.pallas_call(
        _reduce_kernel,
        out_shape=jax.ShapeDtypeStruct((8, 128), jnp.float32),
    )(targets_t, cand, hitconf, s1p)


def kernel(prediction, targets, stride):
    targets_p = jnp.pad(targets, ((0, 0), (0, NPAD - NT), (0, 0)))
    targets_t = jnp.transpose(targets_p, (2, 0, 1))
    conf3, cand, s1p = _extract(targets_t, prediction)
    conf_flat = conf3.reshape(BS * APAD)
    hitconf, = _sc_gather(conf_flat, targets_t)
    out = _reduce(targets_t, cand, hitconf, s1p)
    return out[0, 0]

# --- scband reference (transcript-rebuilt; emitter-appended) ---
"""Pipeline reference for scband-yolo3-loss-35708358099423 (READ-ONLY COPY).

The authoritative reference and input builder live on the scoring server;
editing this copy changes nothing except your own understanding.
"""

import jax, jax.numpy as jnp
import numpy as np

ANCHORS = [[[116.0, 90.0], [156.0, 198.0], [373.0, 326.0]], [[30.0, 61.0], [62.0, 45.0], [59.0, 119.0]], [[10.0, 13.0], [16.0, 23.0], [33.0, 23.0]]]
STRIDES = [32.0, 16.0, 8.0]
SCALED = [[[a[0] / s, a[1] / s] for a in grp] for grp, s in zip(ANCHORS, STRIDES)]
NUM_CLASSES = 80
IMG_SIZE = 608
IGNORE_THRESHOLD = 0.5


def get_target_np(target, total_anchors, bs, fm_list):
    nfm = len(SCALED)
    mask = np.zeros((bs, total_anchors), np.float32)
    noobj = np.ones((bs, total_anchors), np.float32)
    tx = np.zeros((bs, total_anchors), np.float32)
    ty = np.zeros((bs, total_anchors), np.float32)
    tw = np.zeros((bs, total_anchors), np.float32)
    th = np.zeros((bs, total_anchors), np.float32)
    wwh = np.zeros((bs, total_anchors), np.float32)
    tconf = np.zeros((bs, total_anchors), np.float32)
    tcls = np.zeros((bs, total_anchors, NUM_CLASSES), np.float32)
    last = [0]
    for i in range(nfm - 1):
        last.append(last[i] + len(SCALED[i]) * fm_list[i] ** 2)
    for b in range(bs):
        for n in range(target.shape[1]):
            if target[b, n].sum() == 0:
                continue
            best_iou_list = []
            best_idx_list = []
            gij = []
            for m in range(nfm):
                gw = target[b, n, 3] * fm_list[m]
                gh = target[b, n, 4] * fm_list[m]
                gi = int(target[b, n, 1] * fm_list[m])
                gj = int(target[b, n, 2] * fm_list[m])
                gij.append((gi, gj))
                anch = np.array(SCALED[m], dtype=np.float64)
                inter = np.minimum(gw, anch[:, 0]) * np.minimum(gh, anch[:, 1])
                union = gw * gh + anch[:, 0] * anch[:, 1] - inter
                ious = inter / (union + 1e-16)
                A = len(SCALED[m])
                for i in range(A):
                    if ious[i] > IGNORE_THRESHOLD:
                        noobj[b, last[m] + A * gi * gj + i] = 0
                best_iou_list.append(float(ious.max()))
                best_idx_list.append(int(ious.argmax()))
            f = int(np.argmax(best_iou_list))
            bi = best_idx_list[f]
            A_last = len(SCALED[nfm - 1])
            pos = last[f] + A_last * gij[f][0] * gij[f][1] + bi
            mask[b, pos] = 1
            tx[b, pos] = target[b, n, 1] * IMG_SIZE
            ty[b, pos] = target[b, n, 2] * IMG_SIZE
            tw[b, pos] = target[b, n, 3] * IMG_SIZE
            th[b, pos] = target[b, n, 4] * IMG_SIZE
            wwh[b, pos] = 2.0 - target[b, n, 3] * target[b, n, 4]
            tconf[b, pos] = float(np.max(best_iou_list))
            tcls[b, pos, int(target[b, n, 0])] = 1
    return mask, noobj, tx, ty, tw, th, wwh, tconf, tcls


def _bce(p, t):
    p = jnp.clip(p, 1e-7, 1.0 - 1e-7)
    return jnp.mean(-(t * jnp.log(p) + (1.0 - t) * jnp.log(1.0 - p)))


def setup_inputs(seed: int = 0):
    key = jax.random.key(seed)
    k1, k2, k3 = jax.random.split(key, 3)
    stride = 32
    fm_list = [int(IMG_SIZE / stride * 2 ** i) for i in range(len(SCALED))]
    total_anchors = sum(len(SCALED[m]) * fm_list[m] ** 2 for m in range(len(SCALED)))
    bs = 16
    n_tgt = 50
    prediction = jax.random.uniform(k1, (bs, total_anchors, 5 + NUM_CLASSES), dtype=jnp.float32, minval=0.001, maxval=0.999)
    cls_col = jax.random.randint(k2, (bs, n_tgt, 1), 0, NUM_CLASSES).astype(jnp.float32)
    coords = jax.random.uniform(k3, (bs, n_tgt, 4), dtype=jnp.float32, minval=0.01, maxval=0.99)
    targets = jnp.concatenate([cls_col, coords], axis=-1)
    return {"prediction": prediction, "targets": targets, "stride": stride}


def reference(prediction, targets, stride):
    bs = prediction.shape[0]
    total_anchors = prediction.shape[1]
    nfm = len(SCALED)
    A = len(SCALED[0])
    fm = (IMG_SIZE / stride) * jnp.asarray([2.0 ** i for i in range(nfm)], jnp.float32)
    fm = fm.astype(jnp.float32)
    fm_i = fm.astype(jnp.int32)
    seg = A * fm_i * fm_i
    last = jnp.concatenate([jnp.zeros((1,), jnp.int32), jnp.cumsum(seg)[:-1].astype(jnp.int32)])
    anch = jnp.asarray(SCALED, jnp.float32)
    rows = jnp.arange(bs)

    def step(carry, t):
        mask, noobj, tx, ty, tw, th, wwh, tconf, tcls = carry
        valid = jnp.sum(t, axis=1) != 0.0
        gw = t[:, 3:4] * fm[None, :]
        gh = t[:, 4:5] * fm[None, :]
        gi = jnp.floor(t[:, 1:2] * fm[None, :]).astype(jnp.int32)
        gj = jnp.floor(t[:, 2:3] * fm[None, :]).astype(jnp.int32)
        inter = jnp.minimum(gw[:, :, None], anch[None, :, :, 0]) * jnp.minimum(gh[:, :, None], anch[None, :, :, 1])
        union = gw[:, :, None] * gh[:, :, None] + (anch[:, :, 0] * anch[:, :, 1])[None, :, :] - inter
        ious = inter / (union + 1e-16)
        idx = last[None, :, None] + A * (gi * gj)[:, :, None] + jnp.arange(A, dtype=jnp.int32)[None, None, :]
        hit = (ious > IGNORE_THRESHOLD) & valid[:, None, None]
        r3 = jnp.broadcast_to(rows[:, None, None], idx.shape)
        noobj = noobj.at[r3, idx].min(jnp.where(hit, 0.0, 1.0))
        best_iou = jnp.max(ious, axis=2)
        best_idx = jnp.argmax(ious, axis=2)
        f = jnp.argmax(best_iou, axis=1)
        bi = best_idx[rows, f]
        pos = last[f] + A * gi[rows, f] * gj[rows, f] + bi

        def put(arr, val):
            old = arr[rows, pos]
            return arr.at[rows, pos].set(jnp.where(valid, val, old))

        mask = put(mask, jnp.ones((bs,), jnp.float32))
        tx = put(tx, t[:, 1] * IMG_SIZE)
        ty = put(ty, t[:, 2] * IMG_SIZE)
        tw = put(tw, t[:, 3] * IMG_SIZE)
        th = put(th, t[:, 4] * IMG_SIZE)
        wwh = put(wwh, 2.0 - t[:, 3] * t[:, 4])
        tconf = put(tconf, jnp.max(best_iou, axis=1))
        cls = t[:, 0].astype(jnp.int32)
        oldc = tcls[rows, pos, cls]
        tcls = tcls.at[rows, pos, cls].set(jnp.where(valid, 1.0, oldc))
        return (mask, noobj, tx, ty, tw, th, wwh, tconf, tcls), None

    carry0 = (
        jnp.zeros((bs, total_anchors), jnp.float32),
        jnp.ones((bs, total_anchors), jnp.float32),
        jnp.zeros((bs, total_anchors), jnp.float32),
        jnp.zeros((bs, total_anchors), jnp.float32),
        jnp.zeros((bs, total_anchors), jnp.float32),
        jnp.zeros((bs, total_anchors), jnp.float32),
        jnp.zeros((bs, total_anchors), jnp.float32),
        jnp.zeros((bs, total_anchors), jnp.float32),
        jnp.zeros((bs, total_anchors, NUM_CLASSES), jnp.float32),
    )
    (mask, noobj, tx, ty, tw, th, wwh, tconf, tcls), _ = jax.lax.scan(step, carry0, jnp.swapaxes(targets, 0, 1))
    x = prediction[..., 0]
    y = prediction[..., 1]
    w = prediction[..., 2]
    h = prediction[..., 3]
    conf = prediction[..., 4]
    pred_cls = prediction[..., 5:]
    loss_x = jnp.mean((x * mask * wwh - tx * wwh) ** 2)
    loss_y = jnp.mean((y * mask * wwh - ty * wwh) ** 2)
    loss_w = jnp.mean((w * mask * wwh - tw * wwh) ** 2)
    loss_h = jnp.mean((h * mask * wwh - th * wwh) ** 2)
    loss_conf = _bce(conf * mask, tconf) + 0.5 * _bce(conf * noobj, noobj * 0.0)
    p_cls = jnp.clip(pred_cls, 1e-7, 1.0 - 1e-7)
    cls_el = -(tcls * jnp.log(p_cls) + (1.0 - tcls) * jnp.log(1.0 - p_cls))
    loss_cls = jnp.sum(cls_el * mask[..., None]) / (jnp.sum(mask) * NUM_CLASSES)
    return loss_x + loss_y + loss_w + loss_h + loss_conf + loss_cls

if __name__ == "__main__":
    import jax
    _d = setup_inputs()
    print(jax.jit(kernel)(*tuple(_d.values())))

</pallas_src>

<mosaic_0001>
#map = affine_map<(d0, d1) -> (0)>
#map1 = affine_map<(d0, d1) -> (0, 0, 0)>
#map2 = affine_map<(d0, d1) -> (0, 0)>
module attributes {stable_mosaic.version = 14 : i64} {
  func.func @_sc_gather_kernel(%arg0: i32, %arg1: i32, %arg2: memref<376832xf32, #tpu.memory_space<hbm>>, %arg3: memref<5x16x64xf32, #tpu.memory_space<hbm>>, %arg4: memref<16x640xf32, #tpu.memory_space<hbm>>, %arg5: memref<5x64xf32, #tpu.memory_space<vmem>>, %arg6: memref<640xi32, #tpu.memory_space<vmem>>, %arg7: memref<640xf32, #tpu.memory_space<vmem>>, %arg8: memref<!tpu.dma_semaphore, #tpu.memory_space<semaphore_mem>>) attributes {dimension_semantics = [#tpu.dimension_semantics<core_parallel>, #tpu.dimension_semantics<subcore_parallel>], iteration_bounds = array<i64: 2, 16>, scalar_prefetch = 0 : i64, scratch_operands = 4 : i64, tpu.core_type = #tpu.core_type<sc_vector_subcore>, window_params = [{transform_indices = #map}, {transform_indices = #map1}, {transform_indices = #map2}]} {
    %mul3A = arith.constant 2 : i32
    %mul3A_0 = arith.muli %arg1, %mul3A : i32
    %add3A = arith.addi %mul3A_0, %arg0 : i32
    %lt3A = arith.constant 16 : i32
    %lt3A_1 = arith.cmpi slt, %add3A, %lt3A : i32
    %convert_element_type3A = arith.extui %lt3A_1 : i1 to i32
    %cond3A = arith.constant 0 : i32
    %cond3A_2 = arith.cmpi ne, %convert_element_type3A, %cond3A : i32
    scf.if %cond3A_2 {
      "tpu.region"() ({
        %run_scoped3A = tpu.sem_alloc : memref<!tpu.dma_semaphore, #tpu.memory_space<semaphore_mem>>
        %dma_start3A_1667 = arith.constant 0 : i32
        %dma_start3A_1668 = arith.constant 0 : i32
        %dma_start3A_1669 = tpu.memref_slice %arg3[%dma_start3A_1667, %add3A, %dma_start3A_1668] : memref<5x16x64xf32, #tpu.memory_space<hbm>> -> memref<5x1x64xf32, #tpu.memory_space<hbm>>
        %dma_start3A_1670 = tpu.memref_squeeze %dma_start3A_1669 : memref<5x1x64xf32, #tpu.memory_space<hbm>> -> memref<5x64xf32, #tpu.memory_space<hbm>>
        %dma_start3A_1671 = arith.constant 0 : i32
        %dma_start3A_1672 = arith.constant 0 : i32
        %dma_start3A_1673 = tpu.memref_slice %arg3[%dma_start3A_1671, %add3A, %dma_start3A_1672] : memref<5x16x64xf32, #tpu.memory_space<hbm>> -> memref<5x1x64xf32, #tpu.memory_space<hbm>>
        %dma_start3A_1674 = tpu.memref_squeeze %dma_start3A_1673 : memref<5x1x64xf32, #tpu.memory_space<hbm>> -> memref<5x64xf32, #tpu.memory_space<hbm>>
        tpu.enqueue_dma source(%dma_start3A_1674 : memref<5x64xf32, #tpu.memory_space<hbm>>) target(%arg5 : memref<5x64xf32, #tpu.memory_space<vmem>>) target_semaphore(%run_scoped3A : memref<!tpu.dma_semaphore, #tpu.memory_space<semaphore_mem>>)
        %dma_wait3A_1675 = arith.constant 0 : i32
        %dma_wait3A_1676 = arith.constant 0 : i32
        %dma_wait3A_1677 = tpu.memref_slice %arg3[%dma_wait3A_1675, %add3A, %dma_wait3A_1676] : memref<5x16x64xf32, #tpu.memory_space<hbm>> -> memref<5x1x64xf32, #tpu.memory_space<hbm>>
        %dma_wait3A_1678 = tpu.memref_squeeze %dma_wait3A_1677 : memref<5x1x64xf32, #tpu.memory_space<hbm>> -> memref<5x64xf32, #tpu.memory_space<hbm>>
        %dma_wait3A_1679 = arith.constant 0 : i32
        %dma_wait3A_1680 = arith.constant 0 : i32
        %dma_wait3A_1681 = tpu.memref_slice %arg3[%dma_wait3A_1679, %add3A, %dma_wait3A_1680] : memref<5x16x64xf32, #tpu.memory_space<hbm>> -> memref<5x1x64xf32, #tpu.memory_space<hbm>>
        %dma_wait3A_1682 = tpu.memref_squeeze %dma_wait3A_1681 : memref<5x1x64xf32, #tpu.memory_space<hbm>> -> memref<5x64xf32, #tpu.memory_space<hbm>>
        tpu.wait_dma2 semaphore(%run_scoped3A : memref<!tpu.dma_semaphore, #tpu.memory_space<semaphore_mem>>) src(%dma_wait3A_1682 : memref<5x64xf32, #tpu.memory_space<hbm>>) dst(%arg5 : memref<5x64xf32, #tpu.memory_space<vmem>>)
        tpu.yield
      }) : () -> ()
      %mul3A_3 = arith.constant 23552 : i32
      %mul3A_4 = arith.muli %add3A, %mul3A_3 : i32
      %broadcast_in_dim3A = arith.constant 0 : i32
      %broadcast_in_dim3A_5 = vector.broadcast %broadcast_in_dim3A : i32 to vector<16xi32>
      %swap3A = arith.constant 576 : index
      %swap3A_6 = tpu.vector_load %arg6[%swap3A] {strides = array<i32>} : memref<640xi32, #tpu.memory_space<vmem>>, vector<16xi32>,
      %swap3A_7 = vector.shape_cast %swap3A_6 : vector<16xi32> to vector<16xi32>
      %swap3A_8 = vector.shape_cast %broadcast_in_dim3A_5 : vector<16xi32> to vector<16xi32>
      tpu.vector_store %arg6[%swap3A], %swap3A_8 {strides = array<i32>} : memref<640xi32, #tpu.memory_space<vmem>>, vector<16xi32>,
      %swap3A_9 = arith.constant 592 : index
      %swap3A_10 = tpu.vector_load %arg6[%swap3A_9] {strides = array<i32>} : memref<640xi32, #tpu.memory_space<vmem>>, vector<16xi32>,
      %swap3A_11 = vector.shape_cast %swap3A_10 : vector<16xi32> to vector<16xi32>
      %swap3A_12 = vector.shape_cast %broadcast_in_dim3A_5 : vector<16xi32> to vector<16xi32>
      tpu.vector_store %arg6[%swap3A_9], %swap3A_12 {strides = array<i32>} : memref<640xi32, #tpu.memory_space<vmem>>, vector<16xi32>,
      %swap3A_13 = arith.constant 608 : index
      %swap3A_14 = tpu.vector_load %arg6[%swap3A_13] {strides = array<i32>} : memref<640xi32, #tpu.memory_space<vmem>>, vector<16xi32>,
      %swap3A_15 = vector.shape_cast %swap3A_14 : vector<16xi32> to vector<16xi32>
      %swap3A_16 = vector.shape_cast %broadcast_in_dim3A_5 : vector<16xi32> to vector<16xi32>
      tpu.vector_store %arg6[%swap3A_13], %swap3A_16 {strides = array<i32>} : memref<640xi32, #tpu.memory_space<vmem>>, vector<16xi32>,
      %swap3A_17 = arith.constant 624 : index
      %swap3A_18 = tpu.vector_load %arg6[%swap3A_17] {strides = array<i32>} : memref<640xi32, #tpu.memory_space<vmem>>, vector<16xi32>,
      %swap3A_19 = vector.shape_cast %swap3A_18 : vector<16xi32> to vector<16xi32>
      %swap3A_20 = vector.shape_cast %broadcast_in_dim3A_5 : vector<16xi32> to vector<16xi32>
      tpu.vector_store %arg6[%swap3A_17], %swap3A_20 {strides = array<i32>} : memref<640xi32, #tpu.memory_space<vmem>>, vector<16xi32>,
      %get3A = arith.constant 1 : i32
      %get3A_21 = arith.index_cast %get3A : i32 to index
      %get3A_22 = arith.constant 0 : index
      %get3A_23 = tpu.vector_load %arg5[%get3A_21, %get3A_22] {strides = array<i32>} : memref<5x64xf32, #tpu.memory_space<vmem>>, vector<1x16xf32>,
      %get3A_24 = vector.shape_cast %get3A_23 : vector<1x16xf32> to vector<16xf32>
      %get3A_25 = arith.constant 2 : i32
      %get3A_26 = arith.index_cast %get3A_25 : i32 to index
      %get3A_27 = arith.constant 0 : index
      %get3A_28 = tpu.vector_load %arg5[%get3A_26, %get3A_27] {strides = array<i32>} : memref<5x64xf32, #tpu.memory_space<vmem>>, vector<1x16xf32>,
      %get3A_29 = vector.shape_cast %get3A_28 : vector<1x16xf32> to vector<16xf32>
      %get3A_30 = arith.constant 3 : i32
      %get3A_31 = arith.index_cast %get3A_30 : i32 to index
      %get3A_32 = arith.constant 0 : index
      %get3A_33 = tpu.vector_load %arg5[%get3A_31, %get3A_32] {strides = array<i32>} : memref<5x64xf32, #tpu.memory_space<vmem>>, vector<1x16xf32>,
      %get3A_34 = vector.shape_cast %get3A_33 : vector<1x16xf32> to vector<16xf32>
      %get3A_35 = arith.constant 4 : i32
      %get3A_36 = arith.index_cast %get3A_35 : i32 to index
      %get3A_37 = arith.constant 0 : index
      %get3A_38 = tpu.vector_load %arg5[%get3A_36, %get3A_37] {strides = array<i32>} : memref<5x64xf32, #tpu.memory_space<vmem>>, vector<1x16xf32>,
      %get3A_39 = vector.shape_cast %get3A_38 : vector<1x16xf32> to vector<16xf32>
      %mul3A_40 = arith.constant 1.900000e+01 : f32
      %mul3A_41 = vector.broadcast %mul3A_40 : f32 to vector<16xf32>
      %mul3A_42 = arith.mulf %get3A_34, %mul3A_41 : vector<16xf32>
      %mul3A_43 = arith.constant 1.900000e+01 : f32
      %mul3A_44 = vector.broadcast %mul3A_43 : f32 to vector<16xf32>
      %mul3A_45 = arith.mulf %get3A_39, %mul3A_44 : vector<16xf32>
      %mul3A_46 = arith.constant 1.900000e+01 : f32
      %mul3A_47 = vector.broadcast %mul3A_46 : f32 to vector<16xf32>
      %mul3A_48 = arith.mulf %get3A_24, %mul3A_47 : vector<16xf32>
      %convert_element_type3A_49 = arith.fptosi %mul3A_48 : vector<16xf32> to vector<16xi32>
      %mul3A_50 = arith.constant 1.900000e+01 : f32
      %mul3A_51 = vector.broadcast %mul3A_50 : f32 to vector<16xf32>
      %mul3A_52 = arith.mulf %get3A_29, %mul3A_51 : vector<16xf32>
      %convert_element_type3A_53 = arith.fptosi %mul3A_52 : vector<16xf32> to vector<16xi32>
      %mul3A_54 = arith.muli %convert_element_type3A_49, %convert_element_type3A_53 : vector<16xi32>
      %mul3A_55 = arith.constant 3 : i32
      %mul3A_56 = vector.broadcast %mul3A_55 : i32 to vector<16xi32>
      %mul3A_57 = arith.muli %mul3A_56, %mul3A_54 : vector<16xi32>
      %add3A_58 = arith.constant 0 : i32
      %add3A_59 = vector.broadcast %add3A_58 : i32 to vector<16xi32>
      %add3A_60 = arith.addi %add3A_59, %mul3A_57 : vector<16xi32>
      %min3A = arith.constant 3.625000e+00 : f32
      %min3A_61 = vector.broadcast %min3A : f32 to vector<16xf32>
      %min3A_62 = arith.minimumf %mul3A_42, %min3A_61 : vector<16xf32>
      %min3A_63 = arith.constant 2.812500e+00 : f32
      %min3A_64 = vector.broadcast %min3A_63 : f32 to vector<16xf32>
      %min3A_65 = arith.minimumf %mul3A_45, %min3A_64 : vector<16xf32>
      %mul3A_66 = arith.mulf %min3A_62, %min3A_65 : vector<16xf32>
      %mul3A_67 = arith.mulf %mul3A_42, %mul3A_45 : vector<16xf32>
      %add3A_68 = arith.constant 10.1953125 : f32
      %add3A_69 = vector.broadcast %add3A_68 : f32 to vector<16xf32>
      %add3A_70 = arith.addf %mul3A_67, %add3A_69 : vector<16xf32>
      %sub3A = arith.subf %add3A_70, %mul3A_66 : vector<16xf32>
      %add3A_71 = arith.constant 1.000000e-16 : f32
      %add3A_72 = vector.broadcast %add3A_71 : f32 to vector<16xf32>
      %add3A_73 = arith.addf %sub3A, %add3A_72 : vector<16xf32>
      %div3A = arith.divf %mul3A_66, %add3A_73 : vector<16xf32>
      %add3A_74 = arith.constant 0 : i32
      %add3A_75 = vector.broadcast %add3A_74 : i32 to vector<16xi32>
      %add3A_76 = arith.addi %add3A_60, %add3A_75 : vector<16xi32>
      %min3A_77 = arith.constant 4.875000e+00 : f32
      %min3A_78 = vector.broadcast %min3A_77 : f32 to vector<16xf32>
      %min3A_79 = arith.minimumf %mul3A_42, %min3A_78 : vector<16xf32>
      %min3A_80 = arith.constant 6.187500e+00 : f32
      %min3A_81 = vector.broadcast %min3A_80 : f32 to vector<16xf32>
      %min3A_82 = arith.minimumf %mul3A_45, %min3A_81 : vector<16xf32>
      %mul3A_83 = arith.mulf %min3A_79, %min3A_82 : vector<16xf32>
      %mul3A_84 = arith.mulf %mul3A_42, %mul3A_45 : vector<16xf32>
      %add3A_85 = arith.constant 30.1640625 : f32
      %add3A_86 = vector.broadcast %add3A_85 : f32 to vector<16xf32>
      %add3A_87 = arith.addf %mul3A_84, %add3A_86 : vector<16xf32>
      %sub3A_88 = arith.subf %add3A_87, %mul3A_83 : vector<16xf32>
      %add3A_89 = arith.constant 1.000000e-16 : f32
      %add3A_90 = vector.broadcast %add3A_89 : f32 to vector<16xf32>
      %add3A_91 = arith.addf %sub3A_88, %add3A_90 : vector<16xf32>
      %div3A_92 = arith.divf %mul3A_83, %add3A_91 : vector<16xf32>
      %add3A_93 = arith.constant 1 : i32
      %add3A_94 = vector.broadcast %add3A_93 : i32 to vector<16xi32>
      %add3A_95 = arith.addi %add3A_60, %add3A_94 : vector<16xi32>
      %gt3A = arith.cmpf ogt, %div3A_92, %div3A : vector<16xf32>
      %select_n3A = arith.select %gt3A, %div3A_92, %div3A : vector<16xi1>, vector<16xf32>
      %select_n3A_96 = arith.select %gt3A, %add3A_95, %add3A_76 : vector<16xi1>, vector<16xi32>
      %min3A_97 = arith.constant 11.65625 : f32
      %min3A_98 = vector.broadcast %min3A_97 : f32 to vector<16xf32>
      %min3A_99 = arith.minimumf %mul3A_42, %min3A_98 : vector<16xf32>
      %min3A_100 = arith.constant 1.018750e+01 : f32
      %min3A_101 = vector.broadcast %min3A_100 : f32 to vector<16xf32>
      %min3A_102 = arith.minimumf %mul3A_45, %min3A_101 : vector<16xf32>
      %mul3A_103 = arith.mulf %min3A_99, %min3A_102 : vector<16xf32>
      %mul3A_104 = arith.mulf %mul3A_42, %mul3A_45 : vector<16xf32>
      %add3A_105 = arith.constant 118.748047 : f32
      %add3A_106 = vector.broadcast %add3A_105 : f32 to vector<16xf32>
      %add3A_107 = arith.addf %mul3A_104, %add3A_106 : vector<16xf32>
      %sub3A_108 = arith.subf %add3A_107, %mul3A_103 : vector<16xf32>
      %add3A_109 = arith.constant 1.000000e-16 : f32
      %add3A_110 = vector.broadcast %add3A_109 : f32 to vector<16xf32>
      %add3A_111 = arith.addf %sub3A_108, %add3A_110 : vector<16xf32>
      %div3A_112 = arith.divf %mul3A_103, %add3A_111 : vector<16xf32>
      %add3A_113 = arith.constant 2 : i32
      %add3A_114 = vector.broadcast %add3A_113 : i32 to vector<16xi32>
      %add3A_115 = arith.addi %add3A_60, %add3A_114 : vector<16xi32>
      %gt3A_116 = arith.cmpf ogt, %div3A_112, %select_n3A : vector<16xf32>
      %select_n3A_117 = arith.select %gt3A_116, %div3A_112, %select_n3A : vector<16xi1>, vector<16xf32>
      %select_n3A_118 = arith.select %gt3A_116, %add3A_115, %select_n3A_96 : vector<16xi1>, vector<16xi32>
      %mul3A_119 = arith.constant 3.800000e+01 : f32
      %mul3A_120 = vector.broadcast %mul3A_119 : f32 to vector<16xf32>
      %mul3A_121 = arith.mulf %get3A_34, %mul3A_120 : vector<16xf32>
      %mul3A_122 = arith.constant 3.800000e+01 : f32
      %mul3A_123 = vector.broadcast %mul3A_122 : f32 to vector<16xf32>
      %mul3A_124 = arith.mulf %get3A_39, %mul3A_123 : vector<16xf32>
      %mul3A_125 = arith.constant 3.800000e+01 : f32
      %mul3A_126 = vector.broadcast %mul3A_125 : f32 to vector<16xf32>
      %mul3A_127 = arith.mulf %get3A_24, %mul3A_126 : vector<16xf32>
      %convert_element_type3A_128 = arith.fptosi %mul3A_127 : vector<16xf32> to vector<16xi32>
      %mul3A_129 = arith.constant 3.800000e+01 : f32
      %mul3A_130 = vector.broadcast %mul3A_129 : f32 to vector<16xf32>
      %mul3A_131 = arith.mulf %get3A_29, %mul3A_130 : vector<16xf32>
      %convert_element_type3A_132 = arith.fptosi %mul3A_131 : vector<16xf32> to vector<16xi32>
      %mul3A_133 = arith.muli %convert_element_type3A_128, %convert_element_type3A_132 : vector<16xi32>
      %mul3A_134 = arith.constant 3 : i32
      %mul3A_135 = vector.broadcast %mul3A_134 : i32 to vector<16xi32>
      %mul3A_136 = arith.muli %mul3A_135, %mul3A_133 : vector<16xi32>
      %add3A_137 = arith.constant 1083 : i32
      %add3A_138 = vector.broadcast %add3A_137 : i32 to vector<16xi32>
      %add3A_139 = arith.addi %add3A_138, %mul3A_136 : vector<16xi32>
      %min3A_140 = arith.constant 1.875000e+00 : f32
      %min3A_141 = vector.broadcast %min3A_140 : f32 to vector<16xf32>
      %min3A_142 = arith.minimumf %mul3A_121, %min3A_141 : vector<16xf32>
      %min3A_143 = arith.constant 3.812500e+00 : f32
      %min3A_144 = vector.broadcast %min3A_143 : f32 to vector<16xf32>
      %min3A_145 = arith.minimumf %mul3A_124, %min3A_144 : vector<16xf32>
      %mul3A_146 = arith.mulf %min3A_142, %min3A_145 : vector<16xf32>
      %mul3A_147 = arith.mulf %mul3A_121, %mul3A_124 : vector<16xf32>
      %add3A_148 = arith.constant 7.1484375 : f32
      %add3A_149 = vector.broadcast %add3A_148 : f32 to vector<16xf32>
      %add3A_150 = arith.addf %mul3A_147, %add3A_149 : vector<16xf32>
      %sub3A_151 = arith.subf %add3A_150, %mul3A_146 : vector<16xf32>
      %add3A_152 = arith.constant 1.000000e-16 : f32
      %add3A_153 = vector.broadcast %add3A_152 : f32 to vector<16xf32>
      %add3A_154 = arith.addf %sub3A_151, %add3A_153 : vector<16xf32>
      %div3A_155 = arith.divf %mul3A_146, %add3A_154 : vector<16xf32>
      %add3A_156 = arith.constant 0 : i32
      %add3A_157 = vector.broadcast %add3A_156 : i32 to vector<16xi32>
      %add3A_158 = arith.addi %add3A_139, %add3A_157 : vector<16xi32>
      %gt3A_159 = arith.cmpf ogt, %div3A_155, %select_n3A_117 : vector<16xf32>
      %select_n3A_160 = arith.select %gt3A_159, %div3A_155, %select_n3A_117 : vector<16xi1>, vector<16xf32>
      %select_n3A_161 = arith.select %gt3A_159, %add3A_158, %select_n3A_118 : vector<16xi1>, vector<16xi32>
      %min3A_162 = arith.constant 3.875000e+00 : f32
      %min3A_163 = vector.broadcast %min3A_162 : f32 to vector<16xf32>
      %min3A_164 = arith.minimumf %mul3A_121, %min3A_163 : vector<16xf32>
      %min3A_165 = arith.constant 2.812500e+00 : f32
      %min3A_166 = vector.broadcast %min3A_165 : f32 to vector<16xf32>
      %min3A_167 = arith.minimumf %mul3A_124, %min3A_166 : vector<16xf32>
      %mul3A_168 = arith.mulf %min3A_164, %min3A_167 : vector<16xf32>
      %mul3A_169 = arith.mulf %mul3A_121, %mul3A_124 : vector<16xf32>
      %add3A_170 = arith.constant 10.8984375 : f32
      %add3A_171 = vector.broadcast %add3A_170 : f32 to vector<16xf32>
      %add3A_172 = arith.addf %mul3A_169, %add3A_171 : vector<16xf32>
      %sub3A_173 = arith.subf %add3A_172, %mul3A_168 : vector<16xf32>
      %add3A_174 = arith.constant 1.000000e-16 : f32
      %add3A_175 = vector.broadcast %add3A_174 : f32 to vector<16xf32>
      %add3A_176 = arith.addf %sub3A_173, %add3A_175 : vector<16xf32>
      %div3A_177 = arith.divf %mul3A_168, %add3A_176 : vector<16xf32>
      %add3A_178 = arith.constant 1 : i32
      %add3A_179 = vector.broadcast %add3A_178 : i32 to vector<16xi32>
      %add3A_180 = arith.addi %add3A_139, %add3A_179 : vector<16xi32>
      %gt3A_181 = arith.cmpf ogt, %div3A_177, %select_n3A_160 : vector<16xf32>
      %select_n3A_182 = arith.select %gt3A_181, %div3A_177, %select_n3A_160 : vector<16xi1>, vector<16xf32>
      %select_n3A_183 = arith.select %gt3A_181, %add3A_180, %select_n3A_161 : vector<16xi1>, vector<16xi32>
      %min3A_184 = arith.constant 3.687500e+00 : f32
      %min3A_185 = vector.broadcast %min3A_184 : f32 to vector<16xf32>
      %min3A_186 = arith.minimumf %mul3A_121, %min3A_185 : vector<16xf32>
      %min3A_187 = arith.constant 7.437500e+00 : f32
      %min3A_188 = vector.broadcast %min3A_187 : f32 to vector<16xf32>
      %min3A_189 = arith.minimumf %mul3A_124, %min3A_188 : vector<16xf32>
      %mul3A_190 = arith.mulf %min3A_186, %min3A_189 : vector<16xf32>
      %mul3A_191 = arith.mulf %mul3A_121, %mul3A_124 : vector<16xf32>
      %add3A_192 = arith.constant 27.4257813 : f32
      %add3A_193 = vector.broadcast %add3A_192 : f32 to vector<16xf32>
      %add3A_194 = arith.addf %mul3A_191, %add3A_193 : vector<16xf32>
      %sub3A_195 = arith.subf %add3A_194, %mul3A_190 : vector<16xf32>
      %add3A_196 = arith.constant 1.000000e-16 : f32
      %add3A_197 = vector.broadcast %add3A_196 : f32 to vector<16xf32>
      %add3A_198 = arith.addf %sub3A_195, %add3A_197 : vector<16xf32>
      %div3A_199 = arith.divf %mul3A_190, %add3A_198 : vector<16xf32>
      %add3A_200 = arith.constant 2 : i32
      %add3A_201 = vector.broadcast %add3A_200 : i32 to vector<16xi32>
      %add3A_202 = arith.addi %add3A_139, %add3A_201 : vector<16xi32>
      %gt3A_203 = arith.cmpf ogt, %div3A_199, %select_n3A_182 : vector<16xf32>
      %select_n3A_204 = arith.select %gt3A_203, %div3A_199, %select_n3A_182 : vector<16xi1>, vector<16xf32>
      %select_n3A_205 = arith.select %gt3A_203, %add3A_202, %select_n3A_183 : vector<16xi1>, vector<16xi32>
      %mul3A_206 = arith.constant 7.600000e+01 : f32
      %mul3A_207 = vector.broadcast %mul3A_206 : f32 to vector<16xf32>
      %mul3A_208 = arith.mulf %get3A_34, %mul3A_207 : vector<16xf32>
      %mul3A_209 = arith.constant 7.600000e+01 : f32
      %mul3A_210 = vector.broadcast %mul3A_209 : f32 to vector<16xf32>
      %mul3A_211 = arith.mulf %get3A_39, %mul3A_210 : vector<16xf32>
      %mul3A_212 = arith.constant 7.600000e+01 : f32
      %mul3A_213 = vector.broadcast %mul3A_212 : f32 to vector<16xf32>
      %mul3A_214 = arith.mulf %get3A_24, %mul3A_213 : vector<16xf32>
      %convert_element_type3A_215 = arith.fptosi %mul3A_214 : vector<16xf32> to vector<16xi32>
      %mul3A_216 = arith.constant 7.600000e+01 : f32
      %mul3A_217 = vector.broadcast %mul3A_216 : f32 to vector<16xf32>
      %mul3A_218 = arith.mulf %get3A_29, %mul3A_217 : vector<16xf32>
      %convert_element_type3A_219 = arith.fptosi %mul3A_218 : vector<16xf32> to vector<16xi32>
      %mul3A_220 = arith.muli %convert_element_type3A_215, %convert_element_type3A_219 : vector<16xi32>
      %mul3A_221 = arith.constant 3 : i32
      %mul3A_222 = vector.broadcast %mul3A_221 : i32 to vector<16xi32>
      %mul3A_223 = arith.muli %mul3A_222, %mul3A_220 : vector<16xi32>
      %add3A_224 = arith.constant 5415 : i32
      %add3A_225 = vector.broadcast %add3A_224 : i32 to vector<16xi32>
      %add3A_226 = arith.addi %add3A_225, %mul3A_223 : vector<16xi32>
      %min3A_227 = arith.constant 1.250000e+00 : f32
      %min3A_228 = vector.broadcast %min3A_227 : f32 to vector<16xf32>
      %min3A_229 = arith.minimumf %mul3A_208, %min3A_228 : vector<16xf32>
      %min3A_230 = arith.constant 1.625000e+00 : f32
      %min3A_231 = vector.broadcast %min3A_230 : f32 to vector<16xf32>
      %min3A_232 = arith.minimumf %mul3A_211, %min3A_231 : vector<16xf32>
      %mul3A_233 = arith.mulf %min3A_229, %min3A_232 : vector<16xf32>
      %mul3A_234 = arith.mulf %mul3A_208, %mul3A_211 : vector<16xf32>
      %add3A_235 = arith.constant 2.031250e+00 : f32
      %add3A_236 = vector.broadcast %add3A_235 : f32 to vector<16xf32>
      %add3A_237 = arith.addf %mul3A_234, %add3A_236 : vector<16xf32>
      %sub3A_238 = arith.subf %add3A_237, %mul3A_233 : vector<16xf32>
      %add3A_239 = arith.constant 1.000000e-16 : f32
      %add3A_240 = vector.broadcast %add3A_239 : f32 to vector<16xf32>
      %add3A_241 = arith.addf %sub3A_238, %add3A_240 : vector<16xf32>
      %div3A_242 = arith.divf %mul3A_233, %add3A_241 : vector<16xf32>
      %add3A_243 = arith.constant 0 : i32
      %add3A_244 = vector.broadcast %add3A_243 : i32 to vector<16xi32>
      %add3A_245 = arith.addi %add3A_226, %add3A_244 : vector<16xi32>
      %gt3A_246 = arith.cmpf ogt, %div3A_242, %select_n3A_204 : vector<16xf32>
      %select_n3A_247 = arith.select %gt3A_246, %div3A_242, %select_n3A_204 : vector<16xi1>, vector<16xf32>
      %select_n3A_248 = arith.select %gt3A_246, %add3A_245, %select_n3A_205 : vector<16xi1>, vector<16xi32>
      %min3A_249 = arith.constant 2.000000e+00 : f32
      %min3A_250 = vector.broadcast %min3A_249 : f32 to vector<16xf32>
      %min3A_251 = arith.minimumf %mul3A_208, %min3A_250 : vector<16xf32>
      %min3A_252 = arith.constant 2.875000e+00 : f32
      %min3A_253 = vector.broadcast %min3A_252 : f32 to vector<16xf32>
      %min3A_254 = arith.minimumf %mul3A_211, %min3A_253 : vector<16xf32>
      %mul3A_255 = arith.mulf %min3A_251, %min3A_254 : vector<16xf32>
      %mul3A_256 = arith.mulf %mul3A_208, %mul3A_211 : vector<16xf32>
      %add3A_257 = arith.constant 5.750000e+00 : f32
      %add3A_258 = vector.broadcast %add3A_257 : f32 to vector<16xf32>
      %add3A_259 = arith.addf %mul3A_256, %add3A_258 : vector<16xf32>
      %sub3A_260 = arith.subf %add3A_259, %mul3A_255 : vector<16xf32>
      %add3A_261 = arith.constant 1.000000e-16 : f32
      %add3A_262 = vector.broadcast %add3A_261 : f32 to vector<16xf32>
      %add3A_263 = arith.addf %sub3A_260, %add3A_262 : vector<16xf32>
      %div3A_264 = arith.divf %mul3A_255, %add3A_263 : vector<16xf32>
      %add3A_265 = arith.constant 1 : i32
      %add3A_266 = vector.broadcast %add3A_265 : i32 to vector<16xi32>
      %add3A_267 = arith.addi %add3A_226, %add3A_266 : vector<16xi32>
      %gt3A_268 = arith.cmpf ogt, %div3A_264, %select_n3A_247 : vector<16xf32>
      %select_n3A_269 = arith.select %gt3A_268, %div3A_264, %select_n3A_247 : vector<16xi1>, vector<16xf32>
      %select_n3A_270 = arith.select %gt3A_268, %add3A_267, %select_n3A_248 : vector<16xi1>, vector<16xi32>
      %min3A_271 = arith.constant 4.125000e+00 : f32
      %min3A_272 = vector.broadcast %min3A_271 : f32 to vector<16xf32>
      %min3A_273 = arith.minimumf %mul3A_208, %min3A_272 : vector<16xf32>
      %min3A_274 = arith.constant 2.875000e+00 : f32
      %min3A_275 = vector.broadcast %min3A_274 : f32 to vector<16xf32>
      %min3A_276 = arith.minimumf %mul3A_211, %min3A_275 : vector<16xf32>
      %mul3A_277 = arith.mulf %min3A_273, %min3A_276 : vector<16xf32>
      %mul3A_278 = arith.mulf %mul3A_208, %mul3A_211 : vector<16xf32>
      %add3A_279 = arith.constant 11.859375 : f32
      %add3A_280 = vector.broadcast %add3A_279 : f32 to vector<16xf32>
      %add3A_281 = arith.addf %mul3A_278, %add3A_280 : vector<16xf32>
      %sub3A_282 = arith.subf %add3A_281, %mul3A_277 : vector<16xf32>
      %add3A_283 = arith.constant 1.000000e-16 : f32
      %add3A_284 = vector.broadcast %add3A_283 : f32 to vector<16xf32>
      %add3A_285 = arith.addf %sub3A_282, %add3A_284 : vector<16xf32>
      %div3A_286 = arith.divf %mul3A_277, %add3A_285 : vector<16xf32>
      %add3A_287 = arith.constant 2 : i32
      %add3A_288 = vector.broadcast %add3A_287 : i32 to vector<16xi32>
      %add3A_289 = arith.addi %add3A_226, %add3A_288 : vector<16xi32>
      %gt3A_290 = arith.cmpf ogt, %div3A_286, %select_n3A_269 : vector<16xf32>
      %select_n3A_291 = arith.select %gt3A_290, %div3A_286, %select_n3A_269 : vector<16xi1>, vector<16xf32>
      %select_n3A_292 = arith.select %gt3A_290, %add3A_289, %select_n3A_270 : vector<16xi1>, vector<16xi32>
      %add3A_293 = arith.constant 0 : i32
      %add3A_294 = vector.broadcast %add3A_293 : i32 to vector<16xi32>
      %add3A_295 = arith.addi %add3A_60, %add3A_294 : vector<16xi32>
      %jit3A = arith.constant 0 : i32
      %jit3A_296 = arith.constant 22742 : i32
      %max3A = vector.broadcast %jit3A : i32 to vector<16xi32>
      %max3A_297 = arith.maxsi %max3A, %add3A_295 : vector<16xi32>
      %min3A_298 = vector.broadcast %jit3A_296 : i32 to vector<16xi32>
      %min3A_299 = arith.minsi %min3A_298, %max3A_297 : vector<16xi32>
      %add3A_300 = vector.broadcast %mul3A_4 : i32 to vector<16xi32>
      %add3A_301 = arith.addi %add3A_300, %min3A_299 : vector<16xi32>
      %swap3A_302 = arith.constant 0 : index
      %swap3A_303 = tpu.vector_load %arg6[%swap3A_302] {strides = array<i32>} : memref<640xi32, #tpu.memory_space<vmem>>, vector<16xi32>,
      %swap3A_304 = vector.shape_cast %swap3A_303 : vector<16xi32> to vector<16xi32>
      %swap3A_305 = vector.shape_cast %add3A_301 : vector<16xi32> to vector<16xi32>
      tpu.vector_store %arg6[%swap3A_302], %swap3A_305 {strides = array<i32>} : memref<640xi32, #tpu.memory_space<vmem>>, vector<16xi32>,
      %add3A_306 = arith.constant 1 : i32
      %add3A_307 = vector.broadcast %add3A_306 : i32 to vector<16xi32>
      %add3A_308 = arith.addi %add3A_60, %add3A_307 : vector<16xi32>
      %jit3A_309 = arith.constant 0 : i32
      %jit3A_310 = arith.constant 22742 : i32
      %max3A_311 = vector.broadcast %jit3A_309 : i32 to vector<16xi32>
      %max3A_312 = arith.maxsi %max3A_311, %add3A_308 : vector<16xi32>
      %min3A_313 = vector.broadcast %jit3A_310 : i32 to vector<16xi32>
      %min3A_314 = arith.minsi %min3A_313, %max3A_312 : vector<16xi32>
      %add3A_315 = vector.broadcast %mul3A_4 : i32 to vector<16xi32>
      %add3A_316 = arith.addi %add3A_315, %min3A_314 : vector<16xi32>
      %swap3A_317 = arith.constant 64 : index
      %swap3A_318 = tpu.vector_load %arg6[%swap3A_317] {strides = array<i32>} : memref<640xi32, #tpu.memory_space<vmem>>, vector<16xi32>,
      %swap3A_319 = vector.shape_cast %swap3A_318 : vector<16xi32> to vector<16xi32>
      %swap3A_320 = vector.shape_cast %add3A_316 : vector<16xi32> to vector<16xi32>
      tpu.vector_store %arg6[%swap3A_317], %swap3A_320 {strides = array<i32>} : memref<640xi32, #tpu.memory_space<vmem>>, vector<16xi32>,
      %add3A_321 = arith.constant 2 : i32
      %add3A_322 = vector.broadcast %add3A_321 : i32 to vector<16xi32>
      %add3A_323 = arith.addi %add3A_60, %add3A_322 : vector<16xi32>
      %jit3A_324 = arith.constant 0 : i32
      %jit3A_325 = arith.constant 22742 : i32
      %max3A_326 = vector.broadcast %jit3A_324 : i32 to vector<16xi32>
      %max3A_327 = arith.maxsi %max3A_326, %add3A_323 : vector<16xi32>
      %min3A_328 = vector.broadcast %jit3A_325 : i32 to vector<16xi32>
      %min3A_329 = arith.minsi %min3A_328, %max3A_327 : vector<16xi32>
      %add3A_330 = vector.broadcast %mul3A_4 : i32 to vector<16xi32>
      %add3A_331 = arith.addi %add3A_330, %min3A_329 : vector<16xi32>
      %swap3A_332 = arith.constant 128 : index
      %swap3A_333 = tpu.vector_load %arg6[%swap3A_332] {strides = array<i32>} : memref<640xi32, #tpu.memory_space<vmem>>, vector<16xi32>,
      %swap3A_334 = vector.shape_cast %swap3A_333 : vector<16xi32> to vector<16xi32>
      %swap3A_335 = vector.shape_cast %add3A_331 : vector<16xi32> to vector<16xi32>
      tpu.vector_store %arg6[%swap3A_332], %swap3A_335 {strides = array<i32>} : memref<640xi32, #tpu.memory_space<vmem>>, vector<16xi32>,
      %add3A_336 = arith.constant 0 : i32
      %add3A_337 = vector.broadcast %add3A_336 : i32 to vector<16xi32>
      %add3A_338 = arith.addi %add3A_139, %add3A_337 : vector<16xi32>
      %jit3A_339 = arith.constant 0 : i32
      %jit3A_340 = arith.constant 22742 : i32
      %max3A_341 = vector.broadcast %jit3A_339 : i32 to vector<16xi32>
      %max3A_342 = arith.maxsi %max3A_341, %add3A_338 : vector<16xi32>
      %min3A_343 = vector.broadcast %jit3A_340 : i32 to vector<16xi32>
      %min3A_344 = arith.minsi %min3A_343, %max3A_342 : vector<16xi32>
      %add3A_345 = vector.broadcast %mul3A_4 : i32 to vector<16xi32>
      %add3A_346 = arith.addi %add3A_345, %min3A_344 : vector<16xi32>
      %swap3A_347 = arith.constant 192 : index
      %swap3A_348 = tpu.vector_load %arg6[%swap3A_347] {strides = array<i32>} : memref<640xi32, #tpu.memory_space<vmem>>, vector<16xi32>,
      %swap3A_349 = vector.shape_cast %swap3A_348 : vector<16xi32> to vector<16xi32>
      %swap3A_350 = vector.shape_cast %add3A_346 : vector<16xi32> to vector<16xi32>
      tpu.vector_store %arg6[%swap3A_347], %swap3A_350 {strides = array<i32>} : memref<640xi32, #tpu.memory_space<vmem>>, vector<16xi32>,
      %add3A_351 = arith.constant 1 : i32
      %add3A_352 = vector.broadcast %add3A_351 : i32 to vector<16xi32>
      %add3A_353 = arith.addi %add3A_139, %add3A_352 : vector<16xi32>
      %jit3A_354 = arith.constant 0 : i32
      %jit3A_355 = arith.constant 22742 : i32
      %max3A_356 = vector.broadcast %jit3A_354 : i32 to vector<16xi32>
      %max3A_357 = arith.maxsi %max3A_356, %add3A_353 : vector<16xi32>
      %min3A_358 = vector.broadcast %jit3A_355 : i32 to vector<16xi32>
      %min3A_359 = arith.minsi %min3A_358, %max3A_357 : vector<16xi32>
      %add3A_360 = vector.broadcast %mul3A_4 : i32 to vector<16xi32>
      %add3A_361 = arith.addi %add3A_360, %min3A_359 : vector<16xi32>
      %swap3A_362 = arith.constant 256 : index
      %swap3A_363 = tpu.vector_load %arg6[%swap3A_362] {strides = array<i32>} : memref<640xi32, #tpu.memory_space<vmem>>, vector<16xi32>,
      %swap3A_364 = vector.shape_cast %swap3A_363 : vector<16xi32> to vector<16xi32>
      %swap3A_365 = vector.shape_cast %add3A_361 : vector<16xi32> to vector<16xi32>
      tpu.vector_store %arg6[%swap3A_362], %swap3A_365 {strides = array<i32>} : memref<640xi32, #tpu.memory_space<vmem>>, vector<16xi32>,
      %add3A_366 = arith.constant 2 : i32
      %add3A_367 = vector.broadcast %add3A_366 : i32 to vector<16xi32>
      %add3A_368 = arith.addi %add3A_139, %add3A_367 : vector<16xi32>
      %jit3A_369 = arith.constant 0 : i32
      %jit3A_370 = arith.constant 22742 : i32
      %max3A_371 = vector.broadcast %jit3A_369 : i32 to vector<16xi32>
      %max3A_372 = arith.maxsi %max3A_371, %add3A_368 : vector<16xi32>
      %min3A_373 = vector.broadcast %jit3A_370 : i32 to vector<16xi32>
      %min3A_374 = arith.minsi %min3A_373, %max3A_372 : vector<16xi32>
      %add3A_375 = vector.broadcast %mul3A_4 : i32 to vector<16xi32>
      %add3A_376 = arith.addi %add3A_375, %min3A_374 : vector<16xi32>
      %swap3A_377 = arith.constant 320 : index
      %swap3A_378 = tpu.vector_load %arg6[%swap3A_377] {strides = array<i32>} : memref<640xi32, #tpu.memory_space<vmem>>, vector<16xi32>,
      %swap3A_379 = vector.shape_cast %swap3A_378 : vector<16xi32> to vector<16xi32>
      %swap3A_380 = vector.shape_cast %add3A_376 : vector<16xi32> to vector<16xi32>
      tpu.vector_store %arg6[%swap3A_377], %swap3A_380 {strides = array<i32>} : memref<640xi32, #tpu.memory_space<vmem>>, vector<16xi32>,
      %add3A_381 = arith.constant 0 : i32
      %add3A_382 = vector.broadcast %add3A_381 : i32 to vector<16xi32>
      %add3A_383 = arith.addi %add3A_226, %add3A_382 : vector<16xi32>
      %jit3A_384 = arith.constant 0 : i32
      %jit3A_385 = arith.constant 22742 : i32
      %max3A_386 = vector.broadcast %jit3A_384 : i32 to vector<16xi32>
      %max3A_387 = arith.maxsi %max3A_386, %add3A_383 : vector<16xi32>
      %min3A_388 = vector.broadcast %jit3A_385 : i32 to vector<16xi32>
      %min3A_389 = arith.minsi %min3A_388, %max3A_387 : vector<16xi32>
      %add3A_390 = vector.broadcast %mul3A_4 : i32 to vector<16xi32>
      %add3A_391 = arith.addi %add3A_390, %min3A_389 : vector<16xi32>
      %swap3A_392 = arith.constant 384 : index
      %swap3A_393 = tpu.vector_load %arg6[%swap3A_392] {strides = array<i32>} : memref<640xi32, #tpu.memory_space<vmem>>, vector<16xi32>,
      %swap3A_394 = vector.shape_cast %swap3A_393 : vector<16xi32> to vector<16xi32>
      %swap3A_395 = vector.shape_cast %add3A_391 : vector<16xi32> to vector<16xi32>
      tpu.vector_store %arg6[%swap3A_392], %swap3A_395 {strides = array<i32>} : memref<640xi32, #tpu.memory_space<vmem>>, vector<16xi32>,
      %add3A_396 = arith.constant 1 : i32
      %add3A_397 = vector.broadcast %add3A_396 : i32 to vector<16xi32>
      %add3A_398 = arith.addi %add3A_226, %add3A_397 : vector<16xi32>
      %jit3A_399 = arith.constant 0 : i32
      %jit3A_400 = arith.constant 22742 : i32
      %max3A_401 = vector.broadcast %jit3A_399 : i32 to vector<16xi32>
      %max3A_402 = arith.maxsi %max3A_401, %add3A_398 : vector<16xi32>
      %min3A_403 = vector.broadcast %jit3A_400 : i32 to vector<16xi32>
      %min3A_404 = arith.minsi %min3A_403, %max3A_402 : vector<16xi32>
      %add3A_405 = vector.broadcast %mul3A_4 : i32 to vector<16xi32>
      %add3A_406 = arith.addi %add3A_405, %min3A_404 : vector<16xi32>
      %swap3A_407 = arith.constant 448 : index
      %swap3A_408 = tpu.vector_load %arg6[%swap3A_407] {strides = array<i32>} : memref<640xi32, #tpu.memory_space<vmem>>, vector<16xi32>,
      %swap3A_409 = vector.shape_cast %swap3A_408 : vector<16xi32> to vector<16xi32>
      %swap3A_410 = vector.shape_cast %add3A_406 : vector<16xi32> to vector<16xi32>
      tpu.vector_store %arg6[%swap3A_407], %swap3A_410 {strides = array<i32>} : memref<640xi32, #tpu.memory_space<vmem>>, vector<16xi32>,
      %add3A_411 = arith.constant 2 : i32
      %add3A_412 = vector.broadcast %add3A_411 : i32 to vector<16xi32>
      %add3A_413 = arith.addi %add3A_226, %add3A_412 : vector<16xi32>
      %jit3A_414 = arith.constant 0 : i32
      %jit3A_415 = arith.constant 22742 : i32
      %max3A_416 = vector.broadcast %jit3A_414 : i32 to vector<16xi32>
      %max3A_417 = arith.maxsi %max3A_416, %add3A_413 : vector<16xi32>
      %min3A_418 = vector.broadcast %jit3A_415 : i32 to vector<16xi32>
      %min3A_419 = arith.minsi %min3A_418, %max3A_417 : vector<16xi32>
      %add3A_420 = vector.broadcast %mul3A_4 : i32 to vector<16xi32>
      %add3A_421 = arith.addi %add3A_420, %min3A_419 : vector<16xi32>
      %swap3A_422 = arith.constant 512 : index
      %swap3A_423 = tpu.vector_load %arg6[%swap3A_422] {strides = array<i32>} : memref<640xi32, #tpu.memory_space<vmem>>, vector<16xi32>,
      %swap3A_424 = vector.shape_cast %swap3A_423 : vector<16xi32> to vector<16xi32>
      %swap3A_425 = vector.shape_cast %add3A_421 : vector<16xi32> to vector<16xi32>
      tpu.vector_store %arg6[%swap3A_422], %swap3A_425 {strides = array<i32>} : memref<640xi32, #tpu.memory_space<vmem>>, vector<16xi32>,
      %get3A_426 = arith.constant 1 : i32
      %get3A_427 = arith.index_cast %get3A_426 : i32 to index
      %get3A_428 = arith.constant 16 : index
      %get3A_429 = tpu.vector_load %arg5[%get3A_427, %get3A_428] {strides = array<i32>} : memref<5x64xf32, #tpu.memory_space<vmem>>, vector<1x16xf32>,
      %get3A_430 = vector.shape_cast %get3A_429 : vector<1x16xf32> to vector<16xf32>
      %get3A_431 = arith.constant 2 : i32
      %get3A_432 = arith.index_cast %get3A_431 : i32 to index
      %get3A_433 = arith.constant 16 : index
      %get3A_434 = tpu.vector_load %arg5[%get3A_432, %get3A_433] {strides = array<i32>} : memref<5x64xf32, #tpu.memory_space<vmem>>, vector<1x16xf32>,
      %get3A_435 = vector.shape_cast %get3A_434 : vector<1x16xf32> to vector<16xf32>
      %get3A_436 = arith.constant 3 : i32
      %get3A_437 = arith.index_cast %get3A_436 : i32 to index
      %get3A_438 = arith.constant 16 : index
      %get3A_439 = tpu.vector_load %arg5[%get3A_437, %get3A_438] {strides = array<i32>} : memref<5x64xf32, #tpu.memory_space<vmem>>, vector<1x16xf32>,
      %get3A_440 = vector.shape_cast %get3A_439 : vector<1x16xf32> to vector<16xf32>
      %get3A_441 = arith.constant 4 : i32
      %get3A_442 = arith.index_cast %get3A_441 : i32 to index
      %get3A_443 = arith.constant 16 : index
      %get3A_444 = tpu.vector_load %arg5[%get3A_442, %get3A_443] {strides = array<i32>} : memref<5x64xf32, #tpu.memory_space<vmem>>, vector<1x16xf32>,
      %get3A_445 = vector.shape_cast %get3A_444 : vector<1x16xf32> to vector<16xf32>
      %mul3A_446 = arith.constant 1.900000e+01 : f32
      %mul3A_447 = vector.broadcast %mul3A_446 : f32 to vector<16xf32>
      %mul3A_448 = arith.mulf %get3A_440, %mul3A_447 : vector<16xf32>
      %mul3A_449 = arith.constant 1.900000e+01 : f32
      %mul3A_450 = vector.broadcast %mul3A_449 : f32 to vector<16xf32>
      %mul3A_451 = arith.mulf %get3A_445, %mul3A_450 : vector<16xf32>
      %mul3A_452 = arith.constant 1.900000e+01 : f32
      %mul3A_453 = vector.broadcast %mul3A_452 : f32 to vector<16xf32>
      %mul3A_454 = arith.mulf %get3A_430, %mul3A_453 : vector<16xf32>
      %convert_element_type3A_455 = arith.fptosi %mul3A_454 : vector<16xf32> to vector<16xi32>
      %mul3A_456 = arith.constant 1.900000e+01 : f32
      %mul3A_457 = vector.broadcast %mul3A_456 : f32 to vector<16xf32>
      %mul3A_458 = arith.mulf %get3A_435, %mul3A_457 : vector<16xf32>
      %convert_element_type3A_459 = arith.fptosi %mul3A_458 : vector<16xf32> to vector<16xi32>
      %mul3A_460 = arith.muli %convert_element_type3A_455, %convert_element_type3A_459 : vector<16xi32>
      %mul3A_461 = arith.constant 3 : i32
      %mul3A_462 = vector.broadcast %mul3A_461 : i32 to vector<16xi32>
      %mul3A_463 = arith.muli %mul3A_462, %mul3A_460 : vector<16xi32>
      %add3A_464 = arith.constant 0 : i32
      %add3A_465 = vector.broadcast %add3A_464 : i32 to vector<16xi32>
      %add3A_466 = arith.addi %add3A_465, %mul3A_463 : vector<16xi32>
      %min3A_467 = arith.constant 3.625000e+00 : f32
      %min3A_468 = vector.broadcast %min3A_467 : f32 to vector<16xf32>
      %min3A_469 = arith.minimumf %mul3A_448, %min3A_468 : vector<16xf32>
      %min3A_470 = arith.constant 2.812500e+00 : f32
      %min3A_471 = vector.broadcast %min3A_470 : f32 to vector<16xf32>
      %min3A_472 = arith.minimumf %mul3A_451, %min3A_471 : vector<16xf32>
      %mul3A_473 = arith.mulf %min3A_469, %min3A_472 : vector<16xf32>
      %mul3A_474 = arith.mulf %mul3A_448, %mul3A_451 : vector<16xf32>
      %add3A_475 = arith.constant 10.1953125 : f32
      %add3A_476 = vector.broadcast %add3A_475 : f32 to vector<16xf32>
      %add3A_477 = arith.addf %mul3A_474, %add3A_476 : vector<16xf32>
      %sub3A_478 = arith.subf %add3A_477, %mul3A_473 : vector<16xf32>
      %add3A_479 = arith.constant 1.000000e-16 : f32
      %add3A_480 = vector.broadcast %add3A_479 : f32 to vector<16xf32>
      %add3A_481 = arith.addf %sub3A_478, %add3A_480 : vector<16xf32>
      %div3A_482 = arith.divf %mul3A_473, %add3A_481 : vector<16xf32>
      %add3A_483 = arith.constant 0 : i32
      %add3A_484 = vector.broadcast %add3A_483 : i32 to vector<16xi32>
      %add3A_485 = arith.addi %add3A_466, %add3A_484 : vector<16xi32>
      %min3A_486 = arith.constant 4.875000e+00 : f32
      %min3A_487 = vector.broadcast %min3A_486 : f32 to vector<16xf32>
      %min3A_488 = arith.minimumf %mul3A_448, %min3A_487 : vector<16xf32>
      %min3A_489 = arith.constant 6.187500e+00 : f32
      %min3A_490 = vector.broadcast %min3A_489 : f32 to vector<16xf32>
      %min3A_491 = arith.minimumf %mul3A_451, %min3A_490 : vector<16xf32>
      %mul3A_492 = arith.mulf %min3A_488, %min3A_491 : vector<16xf32>
      %mul3A_493 = arith.mulf %mul3A_448, %mul3A_451 : vector<16xf32>
      %add3A_494 = arith.constant 30.1640625 : f32
      %add3A_495 = vector.broadcast %add3A_494 : f32 to vector<16xf32>
      %add3A_496 = arith.addf %mul3A_493, %add3A_495 : vector<16xf32>
      %sub3A_497 = arith.subf %add3A_496, %mul3A_492 : vector<16xf32>
      %add3A_498 = arith.constant 1.000000e-16 : f32
      %add3A_499 = vector.broadcast %add3A_498 : f32 to vector<16xf32>
      %add3A_500 = arith.addf %sub3A_497, %add3A_499 : vector<16xf32>
      %div3A_501 = arith.divf %mul3A_492, %add3A_500 : vector<16xf32>
      %add3A_502 = arith.constant 1 : i32
      %add3A_503 = vector.broadcast %add3A_502 : i32 to vector<16xi32>
      %add3A_504 = arith.addi %add3A_466, %add3A_503 : vector<16xi32>
      %gt3A_505 = arith.cmpf ogt, %div3A_501, %div3A_482 : vector<16xf32>
      %select_n3A_506 = arith.select %gt3A_505, %div3A_501, %div3A_482 : vector<16xi1>, vector<16xf32>
      %select_n3A_507 = arith.select %gt3A_505, %add3A_504, %add3A_485 : vector<16xi1>, vector<16xi32>
      %min3A_508 = arith.constant 11.65625 : f32
      %min3A_509 = vector.broadcast %min3A_508 : f32 to vector<16xf32>
      %min3A_510 = arith.minimumf %mul3A_448, %min3A_509 : vector<16xf32>
      %min3A_511 = arith.constant 1.018750e+01 : f32
      %min3A_512 = vector.broadcast %min3A_511 : f32 to vector<16xf32>
      %min3A_513 = arith.minimumf %mul3A_451, %min3A_512 : vector<16xf32>
      %mul3A_514 = arith.mulf %min3A_510, %min3A_513 : vector<16xf32>
      %mul3A_515 = arith.mulf %mul3A_448, %mul3A_451 : vector<16xf32>
      %add3A_516 = arith.constant 118.748047 : f32
      %add3A_517 = vector.broadcast %add3A_516 : f32 to vector<16xf32>
      %add3A_518 = arith.addf %mul3A_515, %add3A_517 : vector<16xf32>
      %sub3A_519 = arith.subf %add3A_518, %mul3A_514 : vector<16xf32>
      %add3A_520 = arith.constant 1.000000e-16 : f32
      %add3A_521 = vector.broadcast %add3A_520 : f32 to vector<16xf32>
      %add3A_522 = arith.addf %sub3A_519, %add3A_521 : vector<16xf32>
      %div3A_523 = arith.divf %mul3A_514, %add3A_522 : vector<16xf32>
      %add3A_524 = arith.constant 2 : i32
      %add3A_525 = vector.broadcast %add3A_524 : i32 to vector<16xi32>
      %add3A_526 = arith.addi %add3A_466, %add3A_525 : vector<16xi32>
      %gt3A_527 = arith.cmpf ogt, %div3A_523, %select_n3A_506 : vector<16xf32>
      %select_n3A_528 = arith.select %gt3A_527, %div3A_523, %select_n3A_506 : vector<16xi1>, vector<16xf32>
      %select_n3A_529 = arith.select %gt3A_527, %add3A_526, %select_n3A_507 : vector<16xi1>, vector<16xi32>
      %mul3A_530 = arith.constant 3.800000e+01 : f32
      %mul3A_531 = vector.broadcast %mul3A_530 : f32 to vector<16xf32>
      %mul3A_532 = arith.mulf %get3A_440, %mul3A_531 : vector<16xf32>
      %mul3A_533 = arith.constant 3.800000e+01 : f32
      %mul3A_534 = vector.broadcast %mul3A_533 : f32 to vector<16xf32>
      %mul3A_535 = arith.mulf %get3A_445, %mul3A_534 : vector<16xf32>
      %mul3A_536 = arith.constant 3.800000e+01 : f32
      %mul3A_537 = vector.broadcast %mul3A_536 : f32 to vector<16xf32>
      %mul3A_538 = arith.mulf %get3A_430, %mul3A_537 : vector<16xf32>
      %convert_element_type3A_539 = arith.fptosi %mul3A_538 : vector<16xf32> to vector<16xi32>
      %mul3A_540 = arith.constant 3.800000e+01 : f32
      %mul3A_541 = vector.broadcast %mul3A_540 : f32 to vector<16xf32>
      %mul3A_542 = arith.mulf %get3A_435, %mul3A_541 : vector<16xf32>
      %convert_element_type3A_543 = arith.fptosi %mul3A_542 : vector<16xf32> to vector<16xi32>
      %mul3A_544 = arith.muli %convert_element_type3A_539, %convert_element_type3A_543 : vector<16xi32>
      %mul3A_545 = arith.constant 3 : i32
      %mul3A_546 = vector.broadcast %mul3A_545 : i32 to vector<16xi32>
      %mul3A_547 = arith.muli %mul3A_546, %mul3A_544 : vector<16xi32>
      %add3A_548 = arith.constant 1083 : i32
      %add3A_549 = vector.broadcast %add3A_548 : i32 to vector<16xi32>
      %add3A_550 = arith.addi %add3A_549, %mul3A_547 : vector<16xi32>
      %min3A_551 = arith.constant 1.875000e+00 : f32
      %min3A_552 = vector.broadcast %min3A_551 : f32 to vector<16xf32>
      %min3A_553 = arith.minimumf %mul3A_532, %min3A_552 : vector<16xf32>
      %min3A_554 = arith.constant 3.812500e+00 : f32
      %min3A_555 = vector.broadcast %min3A_554 : f32 to vector<16xf32>
      %min3A_556 = arith.minimumf %mul3A_535, %min3A_555 : vector<16xf32>
      %mul3A_557 = arith.mulf %min3A_553, %min3A_556 : vector<16xf32>
      %mul3A_558 = arith.mulf %mul3A_532, %mul3A_535 : vector<16xf32>
      %add3A_559 = arith.constant 7.1484375 : f32
      %add3A_560 = vector.broadcast %add3A_559 : f32 to vector<16xf32>
      %add3A_561 = arith.addf %mul3A_558, %add3A_560 : vector<16xf32>
      %sub3A_562 = arith.subf %add3A_561, %mul3A_557 : vector<16xf32>
      %add3A_563 = arith.constant 1.000000e-16 : f32
      %add3A_564 = vector.broadcast %add3A_563 : f32 to vector<16xf32>
      %add3A_565 = arith.addf %sub3A_562, %add3A_564 : vector<16xf32>
      %div3A_566 = arith.divf %mul3A_557, %add3A_565 : vector<16xf32>
      %add3A_567 = arith.constant 0 : i32
      %add3A_568 = vector.broadcast %add3A_567 : i32 to vector<16xi32>
      %add3A_569 = arith.addi %add3A_550, %add3A_568 : vector<16xi32>
      %gt3A_570 = arith.cmpf ogt, %div3A_566, %select_n3A_528 : vector<16xf32>
      %select_n3A_571 = arith.select %gt3A_570, %div3A_566, %select_n3A_528 : vector<16xi1>, vector<16xf32>
      %select_n3A_572 = arith.select %gt3A_570, %add3A_569, %select_n3A_529 : vector<16xi1>, vector<16xi32>
      %min3A_573 = arith.constant 3.875000e+00 : f32
      %min3A_574 = vector.broadcast %min3A_573 : f32 to vector<16xf32>
      %min3A_575 = arith.minimumf %mul3A_532, %min3A_574 : vector<16xf32>
      %min3A_576 = arith.constant 2.812500e+00 : f32
      %min3A_577 = vector.broadcast %min3A_576 : f32 to vector<16xf32>
      %min3A_578 = arith.minimumf %mul3A_535, %min3A_577 : vector<16xf32>
      %mul3A_579 = arith.mulf %min3A_575, %min3A_578 : vector<16xf32>
      %mul3A_580 = arith.mulf %mul3A_532, %mul3A_535 : vector<16xf32>
      %add3A_581 = arith.constant 10.8984375 : f32
      %add3A_582 = vector.broadcast %add3A_581 : f32 to vector<16xf32>
      %add3A_583 = arith.addf %mul3A_580, %add3A_582 : vector<16xf32>
      %sub3A_584 = arith.subf %add3A_583, %mul3A_579 : vector<16xf32>
      %add3A_585 = arith.constant 1.000000e-16 : f32
      %add3A_586 = vector.broadcast %add3A_585 : f32 to vector<16xf32>
      %add3A_587 = arith.addf %sub3A_584, %add3A_586 : vector<16xf32>
      %div3A_588 = arith.divf %mul3A_579, %add3A_587 : vector<16xf32>
      %add3A_589 = arith.constant 1 : i32
      %add3A_590 = vector.broadcast %add3A_589 : i32 to vector<16xi32>
      %add3A_591 = arith.addi %add3A_550, %add3A_590 : vector<16xi32>
      %gt3A_592 = arith.cmpf ogt, %div3A_588, %select_n3A_571 : vector<16xf32>
      %select_n3A_593 = arith.select %gt3A_592, %div3A_588, %select_n3A_571 : vector<16xi1>, vector<16xf32>
      %select_n3A_594 = arith.select %gt3A_592, %add3A_591, %select_n3A_572 : vector<16xi1>, vector<16xi32>
      %min3A_595 = arith.constant 3.687500e+00 : f32
      %min3A_596 = vector.broadcast %min3A_595 : f32 to vector<16xf32>
      %min3A_597 = arith.minimumf %mul3A_532, %min3A_596 : vector<16xf32>
      %min3A_598 = arith.constant 7.437500e+00 : f32
      %min3A_599 = vector.broadcast %min3A_598 : f32 to vector<16xf32>
      %min3A_600 = arith.minimumf %mul3A_535, %min3A_599 : vector<16xf32>
      %mul3A_601 = arith.mulf %min3A_597, %min3A_600 : vector<16xf32>
      %mul3A_602 = arith.mulf %mul3A_532, %mul3A_535 : vector<16xf32>
      %add3A_603 = arith.constant 27.4257813 : f32
      %add3A_604 = vector.broadcast %add3A_603 : f32 to vector<16xf32>
      %add3A_605 = arith.addf %mul3A_602, %add3A_604 : vector<16xf32>
      %sub3A_606 = arith.subf %add3A_605, %mul3A_601 : vector<16xf32>
      %add3A_607 = arith.constant 1.000000e-16 : f32
      %add3A_608 = vector.broadcast %add3A_607 : f32 to vector<16xf32>
      %add3A_609 = arith.addf %sub3A_606, %add3A_608 : vector<16xf32>
      %div3A_610 = arith.divf %mul3A_601, %add3A_609 : vector<16xf32>
      %add3A_611 = arith.constant 2 : i32
      %add3A_612 = vector.broadcast %add3A_611 : i32 to vector<16xi32>
      %add3A_613 = arith.addi %add3A_550, %add3A_612 : vector<16xi32>
      %gt3A_614 = arith.cmpf ogt, %div3A_610, %select_n3A_593 : vector<16xf32>
      %select_n3A_615 = arith.select %gt3A_614, %div3A_610, %select_n3A_593 : vector<16xi1>, vector<16xf32>
      %select_n3A_616 = arith.select %gt3A_614, %add3A_613, %select_n3A_594 : vector<16xi1>, vector<16xi32>
      %mul3A_617 = arith.constant 7.600000e+01 : f32
      %mul3A_618 = vector.broadcast %mul3A_617 : f32 to vector<16xf32>
      %mul3A_619 = arith.mulf %get3A_440, %mul3A_618 : vector<16xf32>
      %mul3A_620 = arith.constant 7.600000e+01 : f32
      %mul3A_621 = vector.broadcast %mul3A_620 : f32 to vector<16xf32>
      %mul3A_622 = arith.mulf %get3A_445, %mul3A_621 : vector<16xf32>
      %mul3A_623 = arith.constant 7.600000e+01 : f32
      %mul3A_624 = vector.broadcast %mul3A_623 : f32 to vector<16xf32>
      %mul3A_625 = arith.mulf %get3A_430, %mul3A_624 : vector<16xf32>
      %convert_element_type3A_626 = arith.fptosi %mul3A_625 : vector<16xf32> to vector<16xi32>
      %mul3A_627 = arith.constant 7.600000e+01 : f32
      %mul3A_628 = vector.broadcast %mul3A_627 : f32 to vector<16xf32>
      %mul3A_629 = arith.mulf %get3A_435, %mul3A_628 : vector<16xf32>
      %convert_element_type3A_630 = arith.fptosi %mul3A_629 : vector<16xf32> to vector<16xi32>
      %mul3A_631 = arith.muli %convert_element_type3A_626, %convert_element_type3A_630 : vector<16xi32>
      %mul3A_632 = arith.constant 3 : i32
      %mul3A_633 = vector.broadcast %mul3A_632 : i32 to vector<16xi32>
      %mul3A_634 = arith.muli %mul3A_633, %mul3A_631 : vector<16xi32>
      %add3A_635 = arith.constant 5415 : i32
      %add3A_636 = vector.broadcast %add3A_635 : i32 to vector<16xi32>
      %add3A_637 = arith.addi %add3A_636, %mul3A_634 : vector<16xi32>
      %min3A_638 = arith.constant 1.250000e+00 : f32
      %min3A_639 = vector.broadcast %min3A_638 : f32 to vector<16xf32>
      %min3A_640 = arith.minimumf %mul3A_619, %min3A_639 : vector<16xf32>
      %min3A_641 = arith.constant 1.625000e+00 : f32
      %min3A_642 = vector.broadcast %min3A_641 : f32 to vector<16xf32>
      %min3A_643 = arith.minimumf %mul3A_622, %min3A_642 : vector<16xf32>
      %mul3A_644 = arith.mulf %min3A_640, %min3A_643 : vector<16xf32>
      %mul3A_645 = arith.mulf %mul3A_619, %mul3A_622 : vector<16xf32>
      %add3A_646 = arith.constant 2.031250e+00 : f32
      %add3A_647 = vector.broadcast %add3A_646 : f32 to vector<16xf32>
      %add3A_648 = arith.addf %mul3A_645, %add3A_647 : vector<16xf32>
      %sub3A_649 = arith.subf %add3A_648, %mul3A_644 : vector<16xf32>
      %add3A_650 = arith.constant 1.000000e-16 : f32
      %add3A_651 = vector.broadcast %add3A_650 : f32 to vector<16xf32>
      %add3A_652 = arith.addf %sub3A_649, %add3A_651 : vector<16xf32>
      %div3A_653 = arith.divf %mul3A_644, %add3A_652 : vector<16xf32>
      %add3A_654 = arith.constant 0 : i32
      %add3A_655 = vector.broadcast %add3A_654 : i32 to vector<16xi32>
      %add3A_656 = arith.addi %add3A_637, %add3A_655 : vector<16xi32>
      %gt3A_657 = arith.cmpf ogt, %div3A_653, %select_n3A_615 : vector<16xf32>
      %select_n3A_658 = arith.select %gt3A_657, %div3A_653, %select_n3A_615 : vector<16xi1>, vector<16xf32>
      %select_n3A_659 = arith.select %gt3A_657, %add3A_656, %select_n3A_616 : vector<16xi1>, vector<16xi32>
      %min3A_660 = arith.constant 2.000000e+00 : f32
      %min3A_661 = vector.broadcast %min3A_660 : f32 to vector<16xf32>
      %min3A_662 = arith.minimumf %mul3A_619, %min3A_661 : vector<16xf32>
      %min3A_663 = arith.constant 2.875000e+00 : f32
      %min3A_664 = vector.broadcast %min3A_663 : f32 to vector<16xf32>
      %min3A_665 = arith.minimumf %mul3A_622, %min3A_664 : vector<16xf32>
      %mul3A_666 = arith.mulf %min3A_662, %min3A_665 : vector<16xf32>
      %mul3A_667 = arith.mulf %mul3A_619, %mul3A_622 : vector<16xf32>
      %add3A_668 = arith.constant 5.750000e+00 : f32
      %add3A_669 = vector.broadcast %add3A_668 : f32 to vector<16xf32>
      %add3A_670 = arith.addf %mul3A_667, %add3A_669 : vector<16xf32>
      %sub3A_671 = arith.subf %add3A_670, %mul3A_666 : vector<16xf32>
      %add3A_672 = arith.constant 1.000000e-16 : f32
      %add3A_673 = vector.broadcast %add3A_672 : f32 to vector<16xf32>
      %add3A_674 = arith.addf %sub3A_671, %add3A_673 : vector<16xf32>
      %div3A_675 = arith.divf %mul3A_666, %add3A_674 : vector<16xf32>
      %add3A_676 = arith.constant 1 : i32
      %add3A_677 = vector.broadcast %add3A_676 : i32 to vector<16xi32>
      %add3A_678 = arith.addi %add3A_637, %add3A_677 : vector<16xi32>
      %gt3A_679 = arith.cmpf ogt, %div3A_675, %select_n3A_658 : vector<16xf32>
      %select_n3A_680 = arith.select %gt3A_679, %div3A_675, %select_n3A_658 : vector<16xi1>, vector<16xf32>
      %select_n3A_681 = arith.select %gt3A_679, %add3A_678, %select_n3A_659 : vector<16xi1>, vector<16xi32>
      %min3A_682 = arith.constant 4.125000e+00 : f32
      %min3A_683 = vector.broadcast %min3A_682 : f32 to vector<16xf32>
      %min3A_684 = arith.minimumf %mul3A_619, %min3A_683 : vector<16xf32>
      %min3A_685 = arith.constant 2.875000e+00 : f32
      %min3A_686 = vector.broadcast %min3A_685 : f32 to vector<16xf32>
      %min3A_687 = arith.minimumf %mul3A_622, %min3A_686 : vector<16xf32>
      %mul3A_688 = arith.mulf %min3A_684, %min3A_687 : vector<16xf32>
      %mul3A_689 = arith.mulf %mul3A_619, %mul3A_622 : vector<16xf32>
      %add3A_690 = arith.constant 11.859375 : f32
      %add3A_691 = vector.broadcast %add3A_690 : f32 to vector<16xf32>
      %add3A_692 = arith.addf %mul3A_689, %add3A_691 : vector<16xf32>
      %sub3A_693 = arith.subf %add3A_692, %mul3A_688 : vector<16xf32>
      %add3A_694 = arith.constant 1.000000e-16 : f32
      %add3A_695 = vector.broadcast %add3A_694 : f32 to vector<16xf32>
      %add3A_696 = arith.addf %sub3A_693, %add3A_695 : vector<16xf32>
      %div3A_697 = arith.divf %mul3A_688, %add3A_696 : vector<16xf32>
      %add3A_698 = arith.constant 2 : i32
      %add3A_699 = vector.broadcast %add3A_698 : i32 to vector<16xi32>
      %add3A_700 = arith.addi %add3A_637, %add3A_699 : vector<16xi32>
      %gt3A_701 = arith.cmpf ogt, %div3A_697, %select_n3A_680 : vector<16xf32>
      %select_n3A_702 = arith.select %gt3A_701, %div3A_697, %select_n3A_680 : vector<16xi1>, vector<16xf32>
      %select_n3A_703 = arith.select %gt3A_701, %add3A_700, %select_n3A_681 : vector<16xi1>, vector<16xi32>
      %add3A_704 = arith.constant 0 : i32
      %add3A_705 = vector.broadcast %add3A_704 : i32 to vector<16xi32>
      %add3A_706 = arith.addi %add3A_466, %add3A_705 : vector<16xi32>
      %jit3A_707 = arith.constant 0 : i32
      %jit3A_708 = arith.constant 22742 : i32
      %max3A_709 = vector.broadcast %jit3A_707 : i32 to vector<16xi32>
      %max3A_710 = arith.maxsi %max3A_709, %add3A_706 : vector<16xi32>
      %min3A_711 = vector.broadcast %jit3A_708 : i32 to vector<16xi32>
      %min3A_712 = arith.minsi %min3A_711, %max3A_710 : vector<16xi32>
      %add3A_713 = vector.broadcast %mul3A_4 : i32 to vector<16xi32>
      %add3A_714 = arith.addi %add3A_713, %min3A_712 : vector<16xi32>
      %swap3A_715 = arith.constant 16 : index
      %swap3A_716 = tpu.vector_load %arg6[%swap3A_715] {strides = array<i32>} : memref<640xi32, #tpu.memory_space<vmem>>, vector<16xi32>,
      %swap3A_717 = vector.shape_cast %swap3A_716 : vector<16xi32> to vector<16xi32>
      %swap3A_718 = vector.shape_cast %add3A_714 : vector<16xi32> to vector<16xi32>
      tpu.vector_store %arg6[%swap3A_715], %swap3A_718 {strides = array<i32>} : memref<640xi32, #tpu.memory_space<vmem>>, vector<16xi32>,
      %add3A_719 = arith.constant 1 : i32
      %add3A_720 = vector.broadcast %add3A_719 : i32 to vector<16xi32>
      %add3A_721 = arith.addi %add3A_466, %add3A_720 : vector<16xi32>
      %jit3A_722 = arith.constant 0 : i32
      %jit3A_723 = arith.constant 22742 : i32
      %max3A_724 = vector.broadcast %jit3A_722 : i32 to vector<16xi32>
      %max3A_725 = arith.maxsi %max3A_724, %add3A_721 : vector<16xi32>
      %min3A_726 = vector.broadcast %jit3A_723 : i32 to vector<16xi32>
      %min3A_727 = arith.minsi %min3A_726, %max3A_725 : vector<16xi32>
      %add3A_728 = vector.broadcast %mul3A_4 : i32 to vector<16xi32>
      %add3A_729 = arith.addi %add3A_728, %min3A_727 : vector<16xi32>
      %swap3A_730 = arith.constant 80 : index
      %swap3A_731 = tpu.vector_load %arg6[%swap3A_730] {strides = array<i32>} : memref<640xi32, #tpu.memory_space<vmem>>, vector<16xi32>,
      %swap3A_732 = vector.shape_cast %swap3A_731 : vector<16xi32> to vector<16xi32>
      %swap3A_733 = vector.shape_cast %add3A_729 : vector<16xi32> to vector<16xi32>
      tpu.vector_store %arg6[%swap3A_730], %swap3A_733 {strides = array<i32>} : memref<640xi32, #tpu.memory_space<vmem>>, vector<16xi32>,
      %add3A_734 = arith.constant 2 : i32
      %add3A_735 = vector.broadcast %add3A_734 : i32 to vector<16xi32>
      %add3A_736 = arith.addi %add3A_466, %add3A_735 : vector<16xi32>
      %jit3A_737 = arith.constant 0 : i32
      %jit3A_738 = arith.constant 22742 : i32
      %max3A_739 = vector.broadcast %jit3A_737 : i32 to vector<16xi32>
      %max3A_740 = arith.maxsi %max3A_739, %add3A_736 : vector<16xi32>
      %min3A_741 = vector.broadcast %jit3A_738 : i32 to vector<16xi32>
      %min3A_742 = arith.minsi %min3A_741, %max3A_740 : vector<16xi32>
      %add3A_743 = vector.broadcast %mul3A_4 : i32 to vector<16xi32>
      %add3A_744 = arith.addi %add3A_743, %min3A_742 : vector<16xi32>
      %swap3A_745 = arith.constant 144 : index
      %swap3A_746 = tpu.vector_load %arg6[%swap3A_745] {strides = array<i32>} : memref<640xi32, #tpu.memory_space<vmem>>, vector<16xi32>,
      %swap3A_747 = vector.shape_cast %swap3A_746 : vector<16xi32> to vector<16xi32>
      %swap3A_748 = vector.shape_cast %add3A_744 : vector<16xi32> to vector<16xi32>
      tpu.vector_store %arg6[%swap3A_745], %swap3A_748 {strides = array<i32>} : memref<640xi32, #tpu.memory_space<vmem>>, vector<16xi32>,
      %add3A_749 = arith.constant 0 : i32
      %add3A_750 = vector.broadcast %add3A_749 : i32 to vector<16xi32>
      %add3A_751 = arith.addi %add3A_550, %add3A_750 : vector<16xi32>
      %jit3A_752 = arith.constant 0 : i32
      %jit3A_753 = arith.constant 22742 : i32
      %max3A_754 = vector.broadcast %jit3A_752 : i32 to vector<16xi32>
      %max3A_755 = arith.maxsi %max3A_754, %add3A_751 : vector<16xi32>
      %min3A_756 = vector.broadcast %jit3A_753 : i32 to vector<16xi32>
      %min3A_757 = arith.minsi %min3A_756, %max3A_755 : vector<16xi32>
      %add3A_758 = vector.broadcast %mul3A_4 : i32 to vector<16xi32>
      %add3A_759 = arith.addi %add3A_758, %min3A_757 : vector<16xi32>
      %swap3A_760 = arith.constant 208 : index
      %swap3A_761 = tpu.vector_load %arg6[%swap3A_760] {strides = array<i32>} : memref<640xi32, #tpu.memory_space<vmem>>, vector<16xi32>,
      %swap3A_762 = vector.shape_cast %swap3A_761 : vector<16xi32> to vector<16xi32>
      %swap3A_763 = vector.shape_cast %add3A_759 : vector<16xi32> to vector<16xi32>
      tpu.vector_store %arg6[%swap3A_760], %swap3A_763 {strides = array<i32>} : memref<640xi32, #tpu.memory_space<vmem>>, vector<16xi32>,
      %add3A_764 = arith.constant 1 : i32
      %add3A_765 = vector.broadcast %add3A_764 : i32 to vector<16xi32>
      %add3A_766 = arith.addi %add3A_550, %add3A_765 : vector<16xi32>
      %jit3A_767 = arith.constant 0 : i32
      %jit3A_768 = arith.constant 22742 : i32
      %max3A_769 = vector.broadcast %jit3A_767 : i32 to vector<16xi32>
      %max3A_770 = arith.maxsi %max3A_769, %add3A_766 : vector<16xi32>
      %min3A_771 = vector.broadcast %jit3A_768 : i32 to vector<16xi32>
      %min3A_772 = arith.minsi %min3A_771, %max3A_770 : vector<16xi32>
      %add3A_773 = vector.broadcast %mul3A_4 : i32 to vector<16xi32>
      %add3A_774 = arith.addi %add3A_773, %min3A_772 : vector<16xi32>
      %swap3A_775 = arith.constant 272 : index
      %swap3A_776 = tpu.vector_load %arg6[%swap3A_775] {strides = array<i32>} : memref<640xi32, #tpu.memory_space<vmem>>, vector<16xi32>,
      %swap3A_777 = vector.shape_cast %swap3A_776 : vector<16xi32> to vector<16xi32>
      %swap3A_778 = vector.shape_cast %add3A_774 : vector<16xi32> to vector<16xi32>
      tpu.vector_store %arg6[%swap3A_775], %swap3A_778 {strides = array<i32>} : memref<640xi32, #tpu.memory_space<vmem>>, vector<16xi32>,
      %add3A_779 = arith.constant 2 : i32
      %add3A_780 = vector.broadcast %add3A_779 : i32 to vector<16xi32>
      %add3A_781 = arith.addi %add3A_550, %add3A_780 : vector<16xi32>
      %jit3A_782 = arith.constant 0 : i32
      %jit3A_783 = arith.constant 22742 : i32
      %max3A_784 = vector.broadcast %jit3A_782 : i32 to vector<16xi32>
      %max3A_785 = arith.maxsi %max3A_784, %add3A_781 : vector<16xi32>
      %min3A_786 = vector.broadcast %jit3A_783 : i32 to vector<16xi32>
      %min3A_787 = arith.minsi %min3A_786, %max3A_785 : vector<16xi32>
      %add3A_788 = vector.broadcast %mul3A_4 : i32 to vector<16xi32>
      %add3A_789 = arith.addi %add3A_788, %min3A_787 : vector<16xi32>
      %swap3A_790 = arith.constant 336 : index
      %swap3A_791 = tpu.vector_load %arg6[%swap3A_790] {strides = array<i32>} : memref<640xi32, #tpu.memory_space<vmem>>, vector<16xi32>,
      %swap3A_792 = vector.shape_cast %swap3A_791 : vector<16xi32> to vector<16xi32>
      %swap3A_793 = vector.shape_cast %add3A_789 : vector<16xi32> to vector<16xi32>
      tpu.vector_store %arg6[%swap3A_790], %swap3A_793 {strides = array<i32>} : memref<640xi32, #tpu.memory_space<vmem>>, vector<16xi32>,
      %add3A_794 = arith.constant 0 : i32
      %add3A_795 = vector.broadcast %add3A_794 : i32 to vector<16xi32>
      %add3A_796 = arith.addi %add3A_637, %add3A_795 : vector<16xi32>
      %jit3A_797 = arith.constant 0 : i32
      %jit3A_798 = arith.constant 22742 : i32
      %max3A_799 = vector.broadcast %jit3A_797 : i32 to vector<16xi32>
      %max3A_800 = arith.maxsi %max3A_799, %add3A_796 : vector<16xi32>
      %min3A_801 = vector.broadcast %jit3A_798 : i32 to vector<16xi32>
      %min3A_802 = arith.minsi %min3A_801, %max3A_800 : vector<16xi32>
      %add3A_803 = vector.broadcast %mul3A_4 : i32 to vector<16xi32>
      %add3A_804 = arith.addi %add3A_803, %min3A_802 : vector<16xi32>
      %swap3A_805 = arith.constant 400 : index
      %swap3A_806 = tpu.vector_load %arg6[%swap3A_805] {strides = array<i32>} : memref<640xi32, #tpu.memory_space<vmem>>, vector<16xi32>,
      %swap3A_807 = vector.shape_cast %swap3A_806 : vector<16xi32> to vector<16xi32>
      %swap3A_808 = vector.shape_cast %add3A_804 : vector<16xi32> to vector<16xi32>
      tpu.vector_store %arg6[%swap3A_805], %swap3A_808 {strides = array<i32>} : memref<640xi32, #tpu.memory_space<vmem>>, vector<16xi32>,
      %add3A_809 = arith.constant 1 : i32
      %add3A_810 = vector.broadcast %add3A_809 : i32 to vector<16xi32>
      %add3A_811 = arith.addi %add3A_637, %add3A_810 : vector<16xi32>
      %jit3A_812 = arith.constant 0 : i32
      %jit3A_813 = arith.constant 22742 : i32
      %max3A_814 = vector.broadcast %jit3A_812 : i32 to vector<16xi32>
      %max3A_815 = arith.maxsi %max3A_814, %add3A_811 : vector<16xi32>
      %min3A_816 = vector.broadcast %jit3A_813 : i32 to vector<16xi32>
      %min3A_817 = arith.minsi %min3A_816, %max3A_815 : vector<16xi32>
      %add3A_818 = vector.broadcast %mul3A_4 : i32 to vector<16xi32>
      %add3A_819 = arith.addi %add3A_818, %min3A_817 : vector<16xi32>
      %swap3A_820 = arith.constant 464 : index
      %swap3A_821 = tpu.vector_load %arg6[%swap3A_820] {strides = array<i32>} : memref<640xi32, #tpu.memory_space<vmem>>, vector<16xi32>,
      %swap3A_822 = vector.shape_cast %swap3A_821 : vector<16xi32> to vector<16xi32>
      %swap3A_823 = vector.shape_cast %add3A_819 : vector<16xi32> to vector<16xi32>
      tpu.vector_store %arg6[%swap3A_820], %swap3A_823 {strides = array<i32>} : memref<640xi32, #tpu.memory_space<vmem>>, vector<16xi32>,
      %add3A_824 = arith.constant 2 : i32
      %add3A_825 = vector.broadcast %add3A_824 : i32 to vector<16xi32>
      %add3A_826 = arith.addi %add3A_637, %add3A_825 : vector<16xi32>
      %jit3A_827 = arith.constant 0 : i32
      %jit3A_828 = arith.constant 22742 : i32
      %max3A_829 = vector.broadcast %jit3A_827 : i32 to vector<16xi32>
      %max3A_830 = arith.maxsi %max3A_829, %add3A_826 : vector<16xi32>
      %min3A_831 = vector.broadcast %jit3A_828 : i32 to vector<16xi32>
      %min3A_832 = arith.minsi %min3A_831, %max3A_830 : vector<16xi32>
      %add3A_833 = vector.broadcast %mul3A_4 : i32 to vector<16xi32>
      %add3A_834 = arith.addi %add3A_833, %min3A_832 : vector<16xi32>
      %swap3A_835 = arith.constant 528 : index
      %swap3A_836 = tpu.vector_load %arg6[%swap3A_835] {strides = array<i32>} : memref<640xi32, #tpu.memory_space<vmem>>, vector<16xi32>,
      %swap3A_837 = vector.shape_cast %swap3A_836 : vector<16xi32> to vector<16xi32>
      %swap3A_838 = vector.shape_cast %add3A_834 : vector<16xi32> to vector<16xi32>
      tpu.vector_store %arg6[%swap3A_835], %swap3A_838 {strides = array<i32>} : memref<640xi32, #tpu.memory_space<vmem>>, vector<16xi32>,
      %get3A_839 = arith.constant 1 : i32
      %get3A_840 = arith.index_cast %get3A_839 : i32 to index
      %get3A_841 = arith.constant 32 : index
      %get3A_842 = tpu.vector_load %arg5[%get3A_840, %get3A_841] {strides = array<i32>} : memref<5x64xf32, #tpu.memory_space<vmem>>, vector<1x16xf32>,
      %get3A_843 = vector.shape_cast %get3A_842 : vector<1x16xf32> to vector<16xf32>
      %get3A_844 = arith.constant 2 : i32
      %get3A_845 = arith.index_cast %get3A_844 : i32 to index
      %get3A_846 = arith.constant 32 : index
      %get3A_847 = tpu.vector_load %arg5[%get3A_845, %get3A_846] {strides = array<i32>} : memref<5x64xf32, #tpu.memory_space<vmem>>, vector<1x16xf32>,
      %get3A_848 = vector.shape_cast %get3A_847 : vector<1x16xf32> to vector<16xf32>
      %get3A_849 = arith.constant 3 : i32
      %get3A_850 = arith.index_cast %get3A_849 : i32 to index
      %get3A_851 = arith.constant 32 : index
      %get3A_852 = tpu.vector_load %arg5[%get3A_850, %get3A_851] {strides = array<i32>} : memref<5x64xf32, #tpu.memory_space<vmem>>, vector<1x16xf32>,
      %get3A_853 = vector.shape_cast %get3A_852 : vector<1x16xf32> to vector<16xf32>
      %get3A_854 = arith.constant 4 : i32
      %get3A_855 = arith.index_cast %get3A_854 : i32 to index
      %get3A_856 = arith.constant 32 : index
      %get3A_857 = tpu.vector_load %arg5[%get3A_855, %get3A_856] {strides = array<i32>} : memref<5x64xf32, #tpu.memory_space<vmem>>, vector<1x16xf32>,
      %get3A_858 = vector.shape_cast %get3A_857 : vector<1x16xf32> to vector<16xf32>
      %mul3A_859 = arith.constant 1.900000e+01 : f32
      %mul3A_860 = vector.broadcast %mul3A_859 : f32 to vector<16xf32>
      %mul3A_861 = arith.mulf %get3A_853, %mul3A_860 : vector<16xf32>
      %mul3A_862 = arith.constant 1.900000e+01 : f32
      %mul3A_863 = vector.broadcast %mul3A_862 : f32 to vector<16xf32>
      %mul3A_864 = arith.mulf %get3A_858, %mul3A_863 : vector<16xf32>
      %mul3A_865 = arith.constant 1.900000e+01 : f32
      %mul3A_866 = vector.broadcast %mul3A_865 : f32 to vector<16xf32>
      %mul3A_867 = arith.mulf %get3A_843, %mul3A_866 : vector<16xf32>
      %convert_element_type3A_868 = arith.fptosi %mul3A_867 : vector<16xf32> to vector<16xi32>
      %mul3A_869 = arith.constant 1.900000e+01 : f32
      %mul3A_870 = vector.broadcast %mul3A_869 : f32 to vector<16xf32>
      %mul3A_871 = arith.mulf %get3A_848, %mul3A_870 : vector<16xf32>
      %convert_element_type3A_872 = arith.fptosi %mul3A_871 : vector<16xf32> to vector<16xi32>
      %mul3A_873 = arith.muli %convert_element_type3A_868, %convert_element_type3A_872 : vector<16xi32>
      %mul3A_874 = arith.constant 3 : i32
      %mul3A_875 = vector.broadcast %mul3A_874 : i32 to vector<16xi32>
      %mul3A_876 = arith.muli %mul3A_875, %mul3A_873 : vector<16xi32>
      %add3A_877 = arith.constant 0 : i32
      %add3A_878 = vector.broadcast %add3A_877 : i32 to vector<16xi32>
      %add3A_879 = arith.addi %add3A_878, %mul3A_876 : vector<16xi32>
      %min3A_880 = arith.constant 3.625000e+00 : f32
      %min3A_881 = vector.broadcast %min3A_880 : f32 to vector<16xf32>
      %min3A_882 = arith.minimumf %mul3A_861, %min3A_881 : vector<16xf32>
      %min3A_883 = arith.constant 2.812500e+00 : f32
      %min3A_884 = vector.broadcast %min3A_883 : f32 to vector<16xf32>
      %min3A_885 = arith.minimumf %mul3A_864, %min3A_884 : vector<16xf32>
      %mul3A_886 = arith.mulf %min3A_882, %min3A_885 : vector<16xf32>
      %mul3A_887 = arith.mulf %mul3A_861, %mul3A_864 : vector<16xf32>
      %add3A_888 = arith.constant 10.1953125 : f32
      %add3A_889 = vector.broadcast %add3A_888 : f32 to vector<16xf32>
      %add3A_890 = arith.addf %mul3A_887, %add3A_889 : vector<16xf32>
      %sub3A_891 = arith.subf %add3A_890, %mul3A_886 : vector<16xf32>
      %add3A_892 = arith.constant 1.000000e-16 : f32
      %add3A_893 = vector.broadcast %add3A_892 : f32 to vector<16xf32>
      %add3A_894 = arith.addf %sub3A_891, %add3A_893 : vector<16xf32>
      %div3A_895 = arith.divf %mul3A_886, %add3A_894 : vector<16xf32>
      %add3A_896 = arith.constant 0 : i32
      %add3A_897 = vector.broadcast %add3A_896 : i32 to vector<16xi32>
      %add3A_898 = arith.addi %add3A_879, %add3A_897 : vector<16xi32>
      %min3A_899 = arith.constant 4.875000e+00 : f32
      %min3A_900 = vector.broadcast %min3A_899 : f32 to vector<16xf32>
      %min3A_901 = arith.minimumf %mul3A_861, %min3A_900 : vector<16xf32>
      %min3A_902 = arith.constant 6.187500e+00 : f32
      %min3A_903 = vector.broadcast %min3A_902 : f32 to vector<16xf32>
      %min3A_904 = arith.minimumf %mul3A_864, %min3A_903 : vector<16xf32>
      %mul3A_905 = arith.mulf %min3A_901, %min3A_904 : vector<16xf32>
      %mul3A_906 = arith.mulf %mul3A_861, %mul3A_864 : vector<16xf32>
      %add3A_907 = arith.constant 30.1640625 : f32
      %add3A_908 = vector.broadcast %add3A_907 : f32 to vector<16xf32>
      %add3A_909 = arith.addf %mul3A_906, %add3A_908 : vector<16xf32>
      %sub3A_910 = arith.subf %add3A_909, %mul3A_905 : vector<16xf32>
      %add3A_911 = arith.constant 1.000000e-16 : f32
      %add3A_912 = vector.broadcast %add3A_911 : f32 to vector<16xf32>
      %add3A_913 = arith.addf %sub3A_910, %add3A_912 : vector<16xf32>
      %div3A_914 = arith.divf %mul3A_905, %add3A_913 : vector<16xf32>
      %add3A_915 = arith.constant 1 : i32
      %add3A_916 = vector.broadcast %add3A_915 : i32 to vector<16xi32>
      %add3A_917 = arith.addi %add3A_879, %add3A_916 : vector<16xi32>
      %gt3A_918 = arith.cmpf ogt, %div3A_914, %div3A_895 : vector<16xf32>
      %select_n3A_919 = arith.select %gt3A_918, %div3A_914, %div3A_895 : vector<16xi1>, vector<16xf32>
      %select_n3A_920 = arith.select %gt3A_918, %add3A_917, %add3A_898 : vector<16xi1>, vector<16xi32>
      %min3A_921 = arith.constant 11.65625 : f32
      %min3A_922 = vector.broadcast %min3A_921 : f32 to vector<16xf32>
      %min3A_923 = arith.minimumf %mul3A_861, %min3A_922 : vector<16xf32>
      %min3A_924 = arith.constant 1.018750e+01 : f32
      %min3A_925 = vector.broadcast %min3A_924 : f32 to vector<16xf32>
      %min3A_926 = arith.minimumf %mul3A_864, %min3A_925 : vector<16xf32>
      %mul3A_927 = arith.mulf %min3A_923, %min3A_926 : vector<16xf32>
      %mul3A_928 = arith.mulf %mul3A_861, %mul3A_864 : vector<16xf32>
      %add3A_929 = arith.constant 118.748047 : f32
      %add3A_930 = vector.broadcast %add3A_929 : f32 to vector<16xf32>
      %add3A_931 = arith.addf %mul3A_928, %add3A_930 : vector<16xf32>
      %sub3A_932 = arith.subf %add3A_931, %mul3A_927 : vector<16xf32>
      %add3A_933 = arith.constant 1.000000e-16 : f32
      %add3A_934 = vector.broadcast %add3A_933 : f32 to vector<16xf32>
      %add3A_935 = arith.addf %sub3A_932, %add3A_934 : vector<16xf32>
      %div3A_936 = arith.divf %mul3A_927, %add3A_935 : vector<16xf32>
      %add3A_937 = arith.constant 2 : i32
      %add3A_938 = vector.broadcast %add3A_937 : i32 to vector<16xi32>
      %add3A_939 = arith.addi %add3A_879, %add3A_938 : vector<16xi32>
      %gt3A_940 = arith.cmpf ogt, %div3A_936, %select_n3A_919 : vector<16xf32>
      %select_n3A_941 = arith.select %gt3A_940, %div3A_936, %select_n3A_919 : vector<16xi1>, vector<16xf32>
      %select_n3A_942 = arith.select %gt3A_940, %add3A_939, %select_n3A_920 : vector<16xi1>, vector<16xi32>
      %mul3A_943 = arith.constant 3.800000e+01 : f32
      %mul3A_944 = vector.broadcast %mul3A_943 : f32 to vector<16xf32>
      %mul3A_945 = arith.mulf %get3A_853, %mul3A_944 : vector<16xf32>
      %mul3A_946 = arith.constant 3.800000e+01 : f32
      %mul3A_947 = vector.broadcast %mul3A_946 : f32 to vector<16xf32>
      %mul3A_948 = arith.mulf %get3A_858, %mul3A_947 : vector<16xf32>
      %mul3A_949 = arith.constant 3.800000e+01 : f32
      %mul3A_950 = vector.broadcast %mul3A_949 : f32 to vector<16xf32>
      %mul3A_951 = arith.mulf %get3A_843, %mul3A_950 : vector<16xf32>
      %convert_element_type3A_952 = arith.fptosi %mul3A_951 : vector<16xf32> to vector<16xi32>
      %mul3A_953 = arith.constant 3.800000e+01 : f32
      %mul3A_954 = vector.broadcast %mul3A_953 : f32 to vector<16xf32>
      %mul3A_955 = arith.mulf %get3A_848, %mul3A_954 : vector<16xf32>
      %convert_element_type3A_956 = arith.fptosi %mul3A_955 : vector<16xf32> to vector<16xi32>
      %mul3A_957 = arith.muli %convert_element_type3A_952, %convert_element_type3A_956 : vector<16xi32>
      %mul3A_958 = arith.constant 3 : i32
      %mul3A_959 = vector.broadcast %mul3A_958 : i32 to vector<16xi32>
      %mul3A_960 = arith.muli %mul3A_959, %mul3A_957 : vector<16xi32>
      %add3A_961 = arith.constant 1083 : i32
      %add3A_962 = vector.broadcast %add3A_961 : i32 to vector<16xi32>
      %add3A_963 = arith.addi %add3A_962, %mul3A_960 : vector<16xi32>
      %min3A_964 = arith.constant 1.875000e+00 : f32
      %min3A_965 = vector.broadcast %min3A_964 : f32 to vector<16xf32>
      %min3A_966 = arith.minimumf %mul3A_945, %min3A_965 : vector<16xf32>
      %min3A_967 = arith.constant 3.812500e+00 : f32
      %min3A_968 = vector.broadcast %min3A_967 : f32 to vector<16xf32>
      %min3A_969 = arith.minimumf %mul3A_948, %min3A_968 : vector<16xf32>
      %mul3A_970 = arith.mulf %min3A_966, %min3A_969 : vector<16xf32>
      %mul3A_971 = arith.mulf %mul3A_945, %mul3A_948 : vector<16xf32>
      %add3A_972 = arith.constant 7.1484375 : f32
      %add3A_973 = vector.broadcast %add3A_972 : f32 to vector<16xf32>
      %add3A_974 = arith.addf %mul3A_971, %add3A_973 : vector<16xf32>
      %sub3A_975 = arith.subf %add3A_974, %mul3A_970 : vector<16xf32>
      %add3A_976 = arith.constant 1.000000e-16 : f32
      %add3A_977 = vector.broadcast %add3A_976 : f32 to vector<16xf32>
      %add3A_978 = arith.addf %sub3A_975, %add3A_977 : vector<16xf32>
      %div3A_979 = arith.divf %mul3A_970, %add3A_978 : vector<16xf32>
      %add3A_980 = arith.constant 0 : i32
      %add3A_981 = vector.broadcast %add3A_980 : i32 to vector<16xi32>
      %add3A_982 = arith.addi %add3A_963, %add3A_981 : vector<16xi32>
      %gt3A_983 = arith.cmpf ogt, %div3A_979, %select_n3A_941 : vector<16xf32>
      %select_n3A_984 = arith.select %gt3A_983, %div3A_979, %select_n3A_941 : vector<16xi1>, vector<16xf32>
      %select_n3A_985 = arith.select %gt3A_983, %add3A_982, %select_n3A_942 : vector<16xi1>, vector<16xi32>
      %min3A_986 = arith.constant 3.875000e+00 : f32
      %min3A_987 = vector.broadcast %min3A_986 : f32 to vector<16xf32>
      %min3A_988 = arith.minimumf %mul3A_945, %min3A_987 : vector<16xf32>
      %min3A_989 = arith.constant 2.812500e+00 : f32
      %min3A_990 = vector.broadcast %min3A_989 : f32 to vector<16xf32>
      %min3A_991 = arith.minimumf %mul3A_948, %min3A_990 : vector<16xf32>
      %mul3A_992 = arith.mulf %min3A_988, %min3A_991 : vector<16xf32>
      %mul3A_993 = arith.mulf %mul3A_945, %mul3A_948 : vector<16xf32>
      %add3A_994 = arith.constant 10.8984375 : f32
      %add3A_995 = vector.broadcast %add3A_994 : f32 to vector<16xf32>
      %add3A_996 = arith.addf %mul3A_993, %add3A_995 : vector<16xf32>
      %sub3A_997 = arith.subf %add3A_996, %mul3A_992 : vector<16xf32>
      %add3A_998 = arith.constant 1.000000e-16 : f32
      %add3A_999 = vector.broadcast %add3A_998 : f32 to vector<16xf32>
      %add3A_1000 = arith.addf %sub3A_997, %add3A_999 : vector<16xf32>
      %div3A_1001 = arith.divf %mul3A_992, %add3A_1000 : vector<16xf32>
      %add3A_1002 = arith.constant 1 : i32
      %add3A_1003 = vector.broadcast %add3A_1002 : i32 to vector<16xi32>
      %add3A_1004 = arith.addi %add3A_963, %add3A_1003 : vector<16xi32>
      %gt3A_1005 = arith.cmpf ogt, %div3A_1001, %select_n3A_984 : vector<16xf32>
      %select_n3A_1006 = arith.select %gt3A_1005, %div3A_1001, %select_n3A_984 : vector<16xi1>, vector<16xf32>
      %select_n3A_1007 = arith.select %gt3A_1005, %add3A_1004, %select_n3A_985 : vector<16xi1>, vector<16xi32>
      %min3A_1008 = arith.constant 3.687500e+00 : f32
      %min3A_1009 = vector.broadcast %min3A_1008 : f32 to vector<16xf32>
      %min3A_1010 = arith.minimumf %mul3A_945, %min3A_1009 : vector<16xf32>
      %min3A_1011 = arith.constant 7.437500e+00 : f32
      %min3A_1012 = vector.broadcast %min3A_1011 : f32 to vector<16xf32>
      %min3A_1013 = arith.minimumf %mul3A_948, %min3A_1012 : vector<16xf32>
      %mul3A_1014 = arith.mulf %min3A_1010, %min3A_1013 : vector<16xf32>
      %mul3A_1015 = arith.mulf %mul3A_945, %mul3A_948 : vector<16xf32>
      %add3A_1016 = arith.constant 27.4257813 : f32
      %add3A_1017 = vector.broadcast %add3A_1016 : f32 to vector<16xf32>
      %add3A_1018 = arith.addf %mul3A_1015, %add3A_1017 : vector<16xf32>
      %sub3A_1019 = arith.subf %add3A_1018, %mul3A_1014 : vector<16xf32>
      %add3A_1020 = arith.constant 1.000000e-16 : f32
      %add3A_1021 = vector.broadcast %add3A_1020 : f32 to vector<16xf32>
      %add3A_1022 = arith.addf %sub3A_1019, %add3A_1021 : vector<16xf32>
      %div3A_1023 = arith.divf %mul3A_1014, %add3A_1022 : vector<16xf32>
      %add3A_1024 = arith.constant 2 : i32
      %add3A_1025 = vector.broadcast %add3A_1024 : i32 to vector<16xi32>
      %add3A_1026 = arith.addi %add3A_963, %add3A_1025 : vector<16xi32>
      %gt3A_1027 = arith.cmpf ogt, %div3A_1023, %select_n3A_1006 : vector<16xf32>
      %select_n3A_1028 = arith.select %gt3A_1027, %div3A_1023, %select_n3A_1006 : vector<16xi1>, vector<16xf32>
      %select_n3A_1029 = arith.select %gt3A_1027, %add3A_1026, %select_n3A_1007 : vector<16xi1>, vector<16xi32>
      %mul3A_1030 = arith.constant 7.600000e+01 : f32
      %mul3A_1031 = vector.broadcast %mul3A_1030 : f32 to vector<16xf32>
      %mul3A_1032 = arith.mulf %get3A_853, %mul3A_1031 : vector<16xf32>
      %mul3A_1033 = arith.constant 7.600000e+01 : f32
      %mul3A_1034 = vector.broadcast %mul3A_1033 : f32 to vector<16xf32>
      %mul3A_1035 = arith.mulf %get3A_858, %mul3A_1034 : vector<16xf32>
      %mul3A_1036 = arith.constant 7.600000e+01 : f32
      %mul3A_1037 = vector.broadcast %mul3A_1036 : f32 to vector<16xf32>
      %mul3A_1038 = arith.mulf %get3A_843, %mul3A_1037 : vector<16xf32>
      %convert_element_type3A_1039 = arith.fptosi %mul3A_1038 : vector<16xf32> to vector<16xi32>
      %mul3A_1040 = arith.constant 7.600000e+01 : f32
      %mul3A_1041 = vector.broadcast %mul3A_1040 : f32 to vector<16xf32>
      %mul3A_1042 = arith.mulf %get3A_848, %mul3A_1041 : vector<16xf32>
      %convert_element_type3A_1043 = arith.fptosi %mul3A_1042 : vector<16xf32> to vector<16xi32>
      %mul3A_1044 = arith.muli %convert_element_type3A_1039, %convert_element_type3A_1043 : vector<16xi32>
      %mul3A_1045 = arith.constant 3 : i32
      %mul3A_1046 = vector.broadcast %mul3A_1045 : i32 to vector<16xi32>
      %mul3A_1047 = arith.muli %mul3A_1046, %mul3A_1044 : vector<16xi32>
      %add3A_1048 = arith.constant 5415 : i32
      %add3A_1049 = vector.broadcast %add3A_1048 : i32 to vector<16xi32>
      %add3A_1050 = arith.addi %add3A_1049, %mul3A_1047 : vector<16xi32>
      %min3A_1051 = arith.constant 1.250000e+00 : f32
      %min3A_1052 = vector.broadcast %min3A_1051 : f32 to vector<16xf32>
      %min3A_1053 = arith.minimumf %mul3A_1032, %min3A_1052 : vector<16xf32>
      %min3A_1054 = arith.constant 1.625000e+00 : f32
      %min3A_1055 = vector.broadcast %min3A_1054 : f32 to vector<16xf32>
      %min3A_1056 = arith.minimumf %mul3A_1035, %min3A_1055 : vector<16xf32>
      %mul3A_1057 = arith.mulf %min3A_1053, %min3A_1056 : vector<16xf32>
      %mul3A_1058 = arith.mulf %mul3A_1032, %mul3A_1035 : vector<16xf32>
      %add3A_1059 = arith.constant 2.031250e+00 : f32
      %add3A_1060 = vector.broadcast %add3A_1059 : f32 to vector<16xf32>
      %add3A_1061 = arith.addf %mul3A_1058, %add3A_1060 : vector<16xf32>
      %sub3A_1062 = arith.subf %add3A_1061, %mul3A_1057 : vector<16xf32>
      %add3A_1063 = arith.constant 1.000000e-16 : f32
      %add3A_1064 = vector.broadcast %add3A_1063 : f32 to vector<16xf32>
      %add3A_1065 = arith.addf %sub3A_1062, %add3A_1064 : vector<16xf32>
      %div3A_1066 = arith.divf %mul3A_1057, %add3A_1065 : vector<16xf32>
      %add3A_1067 = arith.constant 0 : i32
      %add3A_1068 = vector.broadcast %add3A_1067 : i32 to vector<16xi32>
      %add3A_1069 = arith.addi %add3A_1050, %add3A_1068 : vector<16xi32>
      %gt3A_1070 = arith.cmpf ogt, %div3A_1066, %select_n3A_1028 : vector<16xf32>
      %select_n3A_1071 = arith.select %gt3A_1070, %div3A_1066, %select_n3A_1028 : vector<16xi1>, vector<16xf32>
      %select_n3A_1072 = arith.select %gt3A_1070, %add3A_1069, %select_n3A_1029 : vector<16xi1>, vector<16xi32>
      %min3A_1073 = arith.constant 2.000000e+00 : f32
      %min3A_1074 = vector.broadcast %min3A_1073 : f32 to vector<16xf32>
      %min3A_1075 = arith.minimumf %mul3A_1032, %min3A_1074 : vector<16xf32>
      %min3A_1076 = arith.constant 2.875000e+00 : f32
      %min3A_1077 = vector.broadcast %min3A_1076 : f32 to vector<16xf32>
      %min3A_1078 = arith.minimumf %mul3A_1035, %min3A_1077 : vector<16xf32>
      %mul3A_1079 = arith.mulf %min3A_1075, %min3A_1078 : vector<16xf32>
      %mul3A_1080 = arith.mulf %mul3A_1032, %mul3A_1035 : vector<16xf32>
      %add3A_1081 = arith.constant 5.750000e+00 : f32
      %add3A_1082 = vector.broadcast %add3A_1081 : f32 to vector<16xf32>
      %add3A_1083 = arith.addf %mul3A_1080, %add3A_1082 : vector<16xf32>
      %sub3A_1084 = arith.subf %add3A_1083, %mul3A_1079 : vector<16xf32>
      %add3A_1085 = arith.constant 1.000000e-16 : f32
      %add3A_1086 = vector.broadcast %add3A_1085 : f32 to vector<16xf32>
      %add3A_1087 = arith.addf %sub3A_1084, %add3A_1086 : vector<16xf32>
      %div3A_1088 = arith.divf %mul3A_1079, %add3A_1087 : vector<16xf32>
      %add3A_1089 = arith.constant 1 : i32
      %add3A_1090 = vector.broadcast %add3A_1089 : i32 to vector<16xi32>
      %add3A_1091 = arith.addi %add3A_1050, %add3A_1090 : vector<16xi32>
      %gt3A_1092 = arith.cmpf ogt, %div3A_1088, %select_n3A_1071 : vector<16xf32>
      %select_n3A_1093 = arith.select %gt3A_1092, %div3A_1088, %select_n3A_1071 : vector<16xi1>, vector<16xf32>
      %select_n3A_1094 = arith.select %gt3A_1092, %add3A_1091, %select_n3A_1072 : vector<16xi1>, vector<16xi32>
      %min3A_1095 = arith.constant 4.125000e+00 : f32
      %min3A_1096 = vector.broadcast %min3A_1095 : f32 to vector<16xf32>
      %min3A_1097 = arith.minimumf %mul3A_1032, %min3A_1096 : vector<16xf32>
      %min3A_1098 = arith.constant 2.875000e+00 : f32
      %min3A_1099 = vector.broadcast %min3A_1098 : f32 to vector<16xf32>
      %min3A_1100 = arith.minimumf %mul3A_1035, %min3A_1099 : vector<16xf32>
      %mul3A_1101 = arith.mulf %min3A_1097, %min3A_1100 : vector<16xf32>
      %mul3A_1102 = arith.mulf %mul3A_1032, %mul3A_1035 : vector<16xf32>
      %add3A_1103 = arith.constant 11.859375 : f32
      %add3A_1104 = vector.broadcast %add3A_1103 : f32 to vector<16xf32>
      %add3A_1105 = arith.addf %mul3A_1102, %add3A_1104 : vector<16xf32>
      %sub3A_1106 = arith.subf %add3A_1105, %mul3A_1101 : vector<16xf32>
      %add3A_1107 = arith.constant 1.000000e-16 : f32
      %add3A_1108 = vector.broadcast %add3A_1107 : f32 to vector<16xf32>
      %add3A_1109 = arith.addf %sub3A_1106, %add3A_1108 : vector<16xf32>
      %div3A_1110 = arith.divf %mul3A_1101, %add3A_1109 : vector<16xf32>
      %add3A_1111 = arith.constant 2 : i32
      %add3A_1112 = vector.broadcast %add3A_1111 : i32 to vector<16xi32>
      %add3A_1113 = arith.addi %add3A_1050, %add3A_1112 : vector<16xi32>
      %gt3A_1114 = arith.cmpf ogt, %div3A_1110, %select_n3A_1093 : vector<16xf32>
      %select_n3A_1115 = arith.select %gt3A_1114, %div3A_1110, %select_n3A_1093 : vector<16xi1>, vector<16xf32>
      %select_n3A_1116 = arith.select %gt3A_1114, %add3A_1113, %select_n3A_1094 : vector<16xi1>, vector<16xi32>
      %add3A_1117 = arith.constant 0 : i32
      %add3A_1118 = vector.broadcast %add3A_1117 : i32 to vector<16xi32>
      %add3A_1119 = arith.addi %add3A_879, %add3A_1118 : vector<16xi32>
      %jit3A_1120 = arith.constant 0 : i32
      %jit3A_1121 = arith.constant 22742 : i32
      %max3A_1122 = vector.broadcast %jit3A_1120 : i32 to vector<16xi32>
      %max3A_1123 = arith.maxsi %max3A_1122, %add3A_1119 : vector<16xi32>
      %min3A_1124 = vector.broadcast %jit3A_1121 : i32 to vector<16xi32>
      %min3A_1125 = arith.minsi %min3A_1124, %max3A_1123 : vector<16xi32>
      %add3A_1126 = vector.broadcast %mul3A_4 : i32 to vector<16xi32>
      %add3A_1127 = arith.addi %add3A_1126, %min3A_1125 : vector<16xi32>
      %swap3A_1128 = arith.constant 32 : index
      %swap3A_1129 = tpu.vector_load %arg6[%swap3A_1128] {strides = array<i32>} : memref<640xi32, #tpu.memory_space<vmem>>, vector<16xi32>,
      %swap3A_1130 = vector.shape_cast %swap3A_1129 : vector<16xi32> to vector<16xi32>
      %swap3A_1131 = vector.shape_cast %add3A_1127 : vector<16xi32> to vector<16xi32>
      tpu.vector_store %arg6[%swap3A_1128], %swap3A_1131 {strides = array<i32>} : memref<640xi32, #tpu.memory_space<vmem>>, vector<16xi32>,
      %add3A_1132 = arith.constant 1 : i32
      %add3A_1133 = vector.broadcast %add3A_1132 : i32 to vector<16xi32>
      %add3A_1134 = arith.addi %add3A_879, %add3A_1133 : vector<16xi32>
      %jit3A_1135 = arith.constant 0 : i32
      %jit3A_1136 = arith.constant 22742 : i32
      %max3A_1137 = vector.broadcast %jit3A_1135 : i32 to vector<16xi32>
      %max3A_1138 = arith.maxsi %max3A_1137, %add3A_1134 : vector<16xi32>
      %min3A_1139 = vector.broadcast %jit3A_1136 : i32 to vector<16xi32>
      %min3A_1140 = arith.minsi %min3A_1139, %max3A_1138 : vector<16xi32>
      %add3A_1141 = vector.broadcast %mul3A_4 : i32 to vector<16xi32>
      %add3A_1142 = arith.addi %add3A_1141, %min3A_1140 : vector<16xi32>
      %swap3A_1143 = arith.constant 96 : index
      %swap3A_1144 = tpu.vector_load %arg6[%swap3A_1143] {strides = array<i32>} : memref<640xi32, #tpu.memory_space<vmem>>, vector<16xi32>,
      %swap3A_1145 = vector.shape_cast %swap3A_1144 : vector<16xi32> to vector<16xi32>
      %swap3A_1146 = vector.shape_cast %add3A_1142 : vector<16xi32> to vector<16xi32>
      tpu.vector_store %arg6[%swap3A_1143], %swap3A_1146 {strides = array<i32>} : memref<640xi32, #tpu.memory_space<vmem>>, vector<16xi32>,
      %add3A_1147 = arith.constant 2 : i32
      %add3A_1148 = vector.broadcast %add3A_1147 : i32 to vector<16xi32>
      %add3A_1149 = arith.addi %add3A_879, %add3A_1148 : vector<16xi32>
      %jit3A_1150 = arith.constant 0 : i32
      %jit3A_1151 = arith.constant 22742 : i32
      %max3A_1152 = vector.broadcast %jit3A_1150 : i32 to vector<16xi32>
      %max3A_1153 = arith.maxsi %max3A_1152, %add3A_1149 : vector<16xi32>
      %min3A_1154 = vector.broadcast %jit3A_1151 : i32 to vector<16xi32>
      %min3A_1155 = arith.minsi %min3A_1154, %max3A_1153 : vector<16xi32>
      %add3A_1156 = vector.broadcast %mul3A_4 : i32 to vector<16xi32>
      %add3A_1157 = arith.addi %add3A_1156, %min3A_1155 : vector<16xi32>
      %swap3A_1158 = arith.constant 160 : index
      %swap3A_1159 = tpu.vector_load %arg6[%swap3A_1158] {strides = array<i32>} : memref<640xi32, #tpu.memory_space<vmem>>, vector<16xi32>,
      %swap3A_1160 = vector.shape_cast %swap3A_1159 : vector<16xi32> to vector<16xi32>
      %swap3A_1161 = vector.shape_cast %add3A_1157 : vector<16xi32> to vector<16xi32>
      tpu.vector_store %arg6[%swap3A_1158], %swap3A_1161 {strides = array<i32>} : memref<640xi32, #tpu.memory_space<vmem>>, vector<16xi32>,
      %add3A_1162 = arith.constant 0 : i32
      %add3A_1163 = vector.broadcast %add3A_1162 : i32 to vector<16xi32>
      %add3A_1164 = arith.addi %add3A_963, %add3A_1163 : vector<16xi32>
      %jit3A_1165 = arith.constant 0 : i32
      %jit3A_1166 = arith.constant 22742 : i32
      %max3A_1167 = vector.broadcast %jit3A_1165 : i32 to vector<16xi32>
      %max3A_1168 = arith.maxsi %max3A_1167, %add3A_1164 : vector<16xi32>
      %min3A_1169 = vector.broadcast %jit3A_1166 : i32 to vector<16xi32>
      %min3A_1170 = arith.minsi %min3A_1169, %max3A_1168 : vector<16xi32>
      %add3A_1171 = vector.broadcast %mul3A_4 : i32 to vector<16xi32>
      %add3A_1172 = arith.addi %add3A_1171, %min3A_1170 : vector<16xi32>
      %swap3A_1173 = arith.constant 224 : index
      %swap3A_1174 = tpu.vector_load %arg6[%swap3A_1173] {strides = array<i32>} : memref<640xi32, #tpu.memory_space<vmem>>, vector<16xi32>,
      %swap3A_1175 = vector.shape_cast %swap3A_1174 : vector<16xi32> to vector<16xi32>
      %swap3A_1176 = vector.shape_cast %add3A_1172 : vector<16xi32> to vector<16xi32>
      tpu.vector_store %arg6[%swap3A_1173], %swap3A_1176 {strides = array<i32>} : memref<640xi32, #tpu.memory_space<vmem>>, vector<16xi32>,
      %add3A_1177 = arith.constant 1 : i32
      %add3A_1178 = vector.broadcast %add3A_1177 : i32 to vector<16xi32>
      %add3A_1179 = arith.addi %add3A_963, %add3A_1178 : vector<16xi32>
      %jit3A_1180 = arith.constant 0 : i32
      %jit3A_1181 = arith.constant 22742 : i32
      %max3A_1182 = vector.broadcast %jit3A_1180 : i32 to vector<16xi32>
      %max3A_1183 = arith.maxsi %max3A_1182, %add3A_1179 : vector<16xi32>
      %min3A_1184 = vector.broadcast %jit3A_1181 : i32 to vector<16xi32>
      %min3A_1185 = arith.minsi %min3A_1184, %max3A_1183 : vector<16xi32>
      %add3A_1186 = vector.broadcast %mul3A_4 : i32 to vector<16xi32>
      %add3A_1187 = arith.addi %add3A_1186, %min3A_1185 : vector<16xi32>
      %swap3A_1188 = arith.constant 288 : index
      %swap3A_1189 = tpu.vector_load %arg6[%swap3A_1188] {strides = array<i32>} : memref<640xi32, #tpu.memory_space<vmem>>, vector<16xi32>,
      %swap3A_1190 = vector.shape_cast %swap3A_1189 : vector<16xi32> to vector<16xi32>
      %swap3A_1191 = vector.shape_cast %add3A_1187 : vector<16xi32> to vector<16xi32>
      tpu.vector_store %arg6[%swap3A_1188], %swap3A_1191 {strides = array<i32>} : memref<640xi32, #tpu.memory_space<vmem>>, vector<16xi32>,
      %add3A_1192 = arith.constant 2 : i32
      %add3A_1193 = vector.broadcast %add3A_1192 : i32 to vector<16xi32>
      %add3A_1194 = arith.addi %add3A_963, %add3A_1193 : vector<16xi32>
      %jit3A_1195 = arith.constant 0 : i32
      %jit3A_1196 = arith.constant 22742 : i32
      %max3A_1197 = vector.broadcast %jit3A_1195 : i32 to vector<16xi32>
      %max3A_1198 = arith.maxsi %max3A_1197, %add3A_1194 : vector<16xi32>
      %min3A_1199 = vector.broadcast %jit3A_1196 : i32 to vector<16xi32>
      %min3A_1200 = arith.minsi %min3A_1199, %max3A_1198 : vector<16xi32>
      %add3A_1201 = vector.broadcast %mul3A_4 : i32 to vector<16xi32>
      %add3A_1202 = arith.addi %add3A_1201, %min3A_1200 : vector<16xi32>
      %swap3A_1203 = arith.constant 352 : index
      %swap3A_1204 = tpu.vector_load %arg6[%swap3A_1203] {strides = array<i32>} : memref<640xi32, #tpu.memory_space<vmem>>, vector<16xi32>,
      %swap3A_1205 = vector.shape_cast %swap3A_1204 : vector<16xi32> to vector<16xi32>
      %swap3A_1206 = vector.shape_cast %add3A_1202 : vector<16xi32> to vector<16xi32>
      tpu.vector_store %arg6[%swap3A_1203], %swap3A_1206 {strides = array<i32>} : memref<640xi32, #tpu.memory_space<vmem>>, vector<16xi32>,
      %add3A_1207 = arith.constant 0 : i32
      %add3A_1208 = vector.broadcast %add3A_1207 : i32 to vector<16xi32>
      %add3A_1209 = arith.addi %add3A_1050, %add3A_1208 : vector<16xi32>
      %jit3A_1210 = arith.constant 0 : i32
      %jit3A_1211 = arith.constant 22742 : i32
      %max3A_1212 = vector.broadcast %jit3A_1210 : i32 to vector<16xi32>
      %max3A_1213 = arith.maxsi %max3A_1212, %add3A_1209 : vector<16xi32>
      %min3A_1214 = vector.broadcast %jit3A_1211 : i32 to vector<16xi32>
      %min3A_1215 = arith.minsi %min3A_1214, %max3A_1213 : vector<16xi32>
      %add3A_1216 = vector.broadcast %mul3A_4 : i32 to vector<16xi32>
      %add3A_1217 = arith.addi %add3A_1216, %min3A_1215 : vector<16xi32>
      %swap3A_1218 = arith.constant 416 : index
      %swap3A_1219 = tpu.vector_load %arg6[%swap3A_1218] {strides = array<i32>} : memref<640xi32, #tpu.memory_space<vmem>>, vector<16xi32>,
      %swap3A_1220 = vector.shape_cast %swap3A_1219 : vector<16xi32> to vector<16xi32>
      %swap3A_1221 = vector.shape_cast %add3A_1217 : vector<16xi32> to vector<16xi32>
      tpu.vector_store %arg6[%swap3A_1218], %swap3A_1221 {strides = array<i32>} : memref<640xi32, #tpu.memory_space<vmem>>, vector<16xi32>,
      %add3A_1222 = arith.constant 1 : i32
      %add3A_1223 = vector.broadcast %add3A_1222 : i32 to vector<16xi32>
      %add3A_1224 = arith.addi %add3A_1050, %add3A_1223 : vector<16xi32>
      %jit3A_1225 = arith.constant 0 : i32
      %jit3A_1226 = arith.constant 22742 : i32
      %max3A_1227 = vector.broadcast %jit3A_1225 : i32 to vector<16xi32>
      %max3A_1228 = arith.maxsi %max3A_1227, %add3A_1224 : vector<16xi32>
      %min3A_1229 = vector.broadcast %jit3A_1226 : i32 to vector<16xi32>
      %min3A_1230 = arith.minsi %min3A_1229, %max3A_1228 : vector<16xi32>
      %add3A_1231 = vector.broadcast %mul3A_4 : i32 to vector<16xi32>
      %add3A_1232 = arith.addi %add3A_1231, %min3A_1230 : vector<16xi32>
      %swap3A_1233 = arith.constant 480 : index
      %swap3A_1234 = tpu.vector_load %arg6[%swap3A_1233] {strides = array<i32>} : memref<640xi32, #tpu.memory_space<vmem>>, vector<16xi32>,
      %swap3A_1235 = vector.shape_cast %swap3A_1234 : vector<16xi32> to vector<16xi32>
      %swap3A_1236 = vector.shape_cast %add3A_1232 : vector<16xi32> to vector<16xi32>
      tpu.vector_store %arg6[%swap3A_1233], %swap3A_1236 {strides = array<i32>} : memref<640xi32, #tpu.memory_space<vmem>>, vector<16xi32>,
      %add3A_1237 = arith.constant 2 : i32
      %add3A_1238 = vector.broadcast %add3A_1237 : i32 to vector<16xi32>
      %add3A_1239 = arith.addi %add3A_1050, %add3A_1238 : vector<16xi32>
      %jit3A_1240 = arith.constant 0 : i32
      %jit3A_1241 = arith.constant 22742 : i32
      %max3A_1242 = vector.broadcast %jit3A_1240 : i32 to vector<16xi32>
      %max3A_1243 = arith.maxsi %max3A_1242, %add3A_1239 : vector<16xi32>
      %min3A_1244 = vector.broadcast %jit3A_1241 : i32 to vector<16xi32>
      %min3A_1245 = arith.minsi %min3A_1244, %max3A_1243 : vector<16xi32>
      %add3A_1246 = vector.broadcast %mul3A_4 : i32 to vector<16xi32>
      %add3A_1247 = arith.addi %add3A_1246, %min3A_1245 : vector<16xi32>
      %swap3A_1248 = arith.constant 544 : index
      %swap3A_1249 = tpu.vector_load %arg6[%swap3A_1248] {strides = array<i32>} : memref<640xi32, #tpu.memory_space<vmem>>, vector<16xi32>,
      %swap3A_1250 = vector.shape_cast %swap3A_1249 : vector<16xi32> to vector<16xi32>
      %swap3A_1251 = vector.shape_cast %add3A_1247 : vector<16xi32> to vector<16xi32>
      tpu.vector_store %arg6[%swap3A_1248], %swap3A_1251 {strides = array<i32>} : memref<640xi32, #tpu.memory_space<vmem>>, vector<16xi32>,
      %get3A_1252 = arith.constant 1 : i32
      %get3A_1253 = arith.index_cast %get3A_1252 : i32 to index
      %get3A_1254 = arith.constant 48 : index
      %get3A_1255 = tpu.vector_load %arg5[%get3A_1253, %get3A_1254] {strides = array<i32>} : memref<5x64xf32, #tpu.memory_space<vmem>>, vector<1x16xf32>,
      %get3A_1256 = vector.shape_cast %get3A_1255 : vector<1x16xf32> to vector<16xf32>
      %get3A_1257 = arith.constant 2 : i32
      %get3A_1258 = arith.index_cast %get3A_1257 : i32 to index
      %get3A_1259 = arith.constant 48 : index
      %get3A_1260 = tpu.vector_load %arg5[%get3A_1258, %get3A_1259] {strides = array<i32>} : memref<5x64xf32, #tpu.memory_space<vmem>>, vector<1x16xf32>,
      %get3A_1261 = vector.shape_cast %get3A_1260 : vector<1x16xf32> to vector<16xf32>
      %get3A_1262 = arith.constant 3 : i32
      %get3A_1263 = arith.index_cast %get3A_1262 : i32 to index
      %get3A_1264 = arith.constant 48 : index
      %get3A_1265 = tpu.vector_load %arg5[%get3A_1263, %get3A_1264] {strides = array<i32>} : memref<5x64xf32, #tpu.memory_space<vmem>>, vector<1x16xf32>,
      %get3A_1266 = vector.shape_cast %get3A_1265 : vector<1x16xf32> to vector<16xf32>
      %get3A_1267 = arith.constant 4 : i32
      %get3A_1268 = arith.index_cast %get3A_1267 : i32 to index
      %get3A_1269 = arith.constant 48 : index
      %get3A_1270 = tpu.vector_load %arg5[%get3A_1268, %get3A_1269] {strides = array<i32>} : memref<5x64xf32, #tpu.memory_space<vmem>>, vector<1x16xf32>,
      %get3A_1271 = vector.shape_cast %get3A_1270 : vector<1x16xf32> to vector<16xf32>
      %mul3A_1272 = arith.constant 1.900000e+01 : f32
      %mul3A_1273 = vector.broadcast %mul3A_1272 : f32 to vector<16xf32>
      %mul3A_1274 = arith.mulf %get3A_1266, %mul3A_1273 : vector<16xf32>
      %mul3A_1275 = arith.constant 1.900000e+01 : f32
      %mul3A_1276 = vector.broadcast %mul3A_1275 : f32 to vector<16xf32>
      %mul3A_1277 = arith.mulf %get3A_1271, %mul3A_1276 : vector<16xf32>
      %mul3A_1278 = arith.constant 1.900000e+01 : f32
      %mul3A_1279 = vector.broadcast %mul3A_1278 : f32 to vector<16xf32>
      %mul3A_1280 = arith.mulf %get3A_1256, %mul3A_1279 : vector<16xf32>
      %convert_element_type3A_1281 = arith.fptosi %mul3A_1280 : vector<16xf32> to vector<16xi32>
      %mul3A_1282 = arith.constant 1.900000e+01 : f32
      %mul3A_1283 = vector.broadcast %mul3A_1282 : f32 to vector<16xf32>
      %mul3A_1284 = arith.mulf %get3A_1261, %mul3A_1283 : vector<16xf32>
      %convert_element_type3A_1285 = arith.fptosi %mul3A_1284 : vector<16xf32> to vector<16xi32>
      %mul3A_1286 = arith.muli %convert_element_type3A_1281, %convert_element_type3A_1285 : vector<16xi32>
      %mul3A_1287 = arith.constant 3 : i32
      %mul3A_1288 = vector.broadcast %mul3A_1287 : i32 to vector<16xi32>
      %mul3A_1289 = arith.muli %mul3A_1288, %mul3A_1286 : vector<16xi32>
      %add3A_1290 = arith.constant 0 : i32
      %add3A_1291 = vector.broadcast %add3A_1290 : i32 to vector<16xi32>
      %add3A_1292 = arith.addi %add3A_1291, %mul3A_1289 : vector<16xi32>
      %min3A_1293 = arith.constant 3.625000e+00 : f32
      %min3A_1294 = vector.broadcast %min3A_1293 : f32 to vector<16xf32>
      %min3A_1295 = arith.minimumf %mul3A_1274, %min3A_1294 : vector<16xf32>
      %min3A_1296 = arith.constant 2.812500e+00 : f32
      %min3A_1297 = vector.broadcast %min3A_1296 : f32 to vector<16xf32>
      %min3A_1298 = arith.minimumf %mul3A_1277, %min3A_1297 : vector<16xf32>
      %mul3A_1299 = arith.mulf %min3A_1295, %min3A_1298 : vector<16xf32>
      %mul3A_1300 = arith.mulf %mul3A_1274, %mul3A_1277 : vector<16xf32>
      %add3A_1301 = arith.constant 10.1953125 : f32
      %add3A_1302 = vector.broadcast %add3A_1301 : f32 to vector<16xf32>
      %add3A_1303 = arith.addf %mul3A_1300, %add3A_1302 : vector<16xf32>
      %sub3A_1304 = arith.subf %add3A_1303, %mul3A_1299 : vector<16xf32>
      %add3A_1305 = arith.constant 1.000000e-16 : f32
      %add3A_1306 = vector.broadcast %add3A_1305 : f32 to vector<16xf32>
      %add3A_1307 = arith.addf %sub3A_1304, %add3A_1306 : vector<16xf32>
      %div3A_1308 = arith.divf %mul3A_1299, %add3A_1307 : vector<16xf32>
      %add3A_1309 = arith.constant 0 : i32
      %add3A_1310 = vector.broadcast %add3A_1309 : i32 to vector<16xi32>
      %add3A_1311 = arith.addi %add3A_1292, %add3A_1310 : vector<16xi32>
      %min3A_1312 = arith.constant 4.875000e+00 : f32
      %min3A_1313 = vector.broadcast %min3A_1312 : f32 to vector<16xf32>
      %min3A_1314 = arith.minimumf %mul3A_1274, %min3A_1313 : vector<16xf32>
      %min3A_1315 = arith.constant 6.187500e+00 : f32
      %min3A_1316 = vector.broadcast %min3A_1315 : f32 to vector<16xf32>
      %min3A_1317 = arith.minimumf %mul3A_1277, %min3A_1316 : vector<16xf32>
      %mul3A_1318 = arith.mulf %min3A_1314, %min3A_1317 : vector<16xf32>
      %mul3A_1319 = arith.mulf %mul3A_1274, %mul3A_1277 : vector<16xf32>
      %add3A_1320 = arith.constant 30.1640625 : f32
      %add3A_1321 = vector.broadcast %add3A_1320 : f32 to vector<16xf32>
      %add3A_1322 = arith.addf %mul3A_1319, %add3A_1321 : vector<16xf32>
      %sub3A_1323 = arith.subf %add3A_1322, %mul3A_1318 : vector<16xf32>
      %add3A_1324 = arith.constant 1.000000e-16 : f32
      %add3A_1325 = vector.broadcast %add3A_1324 : f32 to vector<16xf32>
      %add3A_1326 = arith.addf %sub3A_1323, %add3A_1325 : vector<16xf32>
      %div3A_1327 = arith.divf %mul3A_1318, %add3A_1326 : vector<16xf32>
      %add3A_1328 = arith.constant 1 : i32
      %add3A_1329 = vector.broadcast %add3A_1328 : i32 to vector<16xi32>
      %add3A_1330 = arith.addi %add3A_1292, %add3A_1329 : vector<16xi32>
      %gt3A_1331 = arith.cmpf ogt, %div3A_1327, %div3A_1308 : vector<16xf32>
      %select_n3A_1332 = arith.select %gt3A_1331, %div3A_1327, %div3A_1308 : vector<16xi1>, vector<16xf32>
      %select_n3A_1333 = arith.select %gt3A_1331, %add3A_1330, %add3A_1311 : vector<16xi1>, vector<16xi32>
      %min3A_1334 = arith.constant 11.65625 : f32
      %min3A_1335 = vector.broadcast %min3A_1334 : f32 to vector<16xf32>
      %min3A_1336 = arith.minimumf %mul3A_1274, %min3A_1335 : vector<16xf32>
      %min3A_1337 = arith.constant 1.018750e+01 : f32
      %min3A_1338 = vector.broadcast %min3A_1337 : f32 to vector<16xf32>
      %min3A_1339 = arith.minimumf %mul3A_1277, %min3A_1338 : vector<16xf32>
      %mul3A_1340 = arith.mulf %min3A_1336, %min3A_1339 : vector<16xf32>
      %mul3A_1341 = arith.mulf %mul3A_1274, %mul3A_1277 : vector<16xf32>
      %add3A_1342 = arith.constant 118.748047 : f32
      %add3A_1343 = vector.broadcast %add3A_1342 : f32 to vector<16xf32>
      %add3A_1344 = arith.addf %mul3A_1341, %add3A_1343 : vector<16xf32>
      %sub3A_1345 = arith.subf %add3A_1344, %mul3A_1340 : vector<16xf32>
      %add3A_1346 = arith.constant 1.000000e-16 : f32
      %add3A_1347 = vector.broadcast %add3A_1346 : f32 to vector<16xf32>
      %add3A_1348 = arith.addf %sub3A_1345, %add3A_1347 : vector<16xf32>
      %div3A_1349 = arith.divf %mul3A_1340, %add3A_1348 : vector<16xf32>
      %add3A_1350 = arith.constant 2 : i32
      %add3A_1351 = vector.broadcast %add3A_1350 : i32 to vector<16xi32>
      %add3A_1352 = arith.addi %add3A_1292, %add3A_1351 : vector<16xi32>
      %gt3A_1353 = arith.cmpf ogt, %div3A_1349, %select_n3A_1332 : vector<16xf32>
      %select_n3A_1354 = arith.select %gt3A_1353, %div3A_1349, %select_n3A_1332 : vector<16xi1>, vector<16xf32>
      %select_n3A_1355 = arith.select %gt3A_1353, %add3A_1352, %select_n3A_1333 : vector<16xi1>, vector<16xi32>
      %mul3A_1356 = arith.constant 3.800000e+01 : f32
      %mul3A_1357 = vector.broadcast %mul3A_1356 : f32 to vector<16xf32>
      %mul3A_1358 = arith.mulf %get3A_1266, %mul3A_1357 : vector<16xf32>
      %mul3A_1359 = arith.constant 3.800000e+01 : f32
      %mul3A_1360 = vector.broadcast %mul3A_1359 : f32 to vector<16xf32>
      %mul3A_1361 = arith.mulf %get3A_1271, %mul3A_1360 : vector<16xf32>
      %mul3A_1362 = arith.constant 3.800000e+01 : f32
      %mul3A_1363 = vector.broadcast %mul3A_1362 : f32 to vector<16xf32>
      %mul3A_1364 = arith.mulf %get3A_1256, %mul3A_1363 : vector<16xf32>
      %convert_element_type3A_1365 = arith.fptosi %mul3A_1364 : vector<16xf32> to vector<16xi32>
      %mul3A_1366 = arith.constant 3.800000e+01 : f32
      %mul3A_1367 = vector.broadcast %mul3A_1366 : f32 to vector<16xf32>
      %mul3A_1368 = arith.mulf %get3A_1261, %mul3A_1367 : vector<16xf32>
      %convert_element_type3A_1369 = arith.fptosi %mul3A_1368 : vector<16xf32> to vector<16xi32>
      %mul3A_1370 = arith.muli %convert_element_type3A_1365, %convert_element_type3A_1369 : vector<16xi32>
      %mul3A_1371 = arith.constant 3 : i32
      %mul3A_1372 = vector.broadcast %mul3A_1371 : i32 to vector<16xi32>
      %mul3A_1373 = arith.muli %mul3A_1372, %mul3A_1370 : vector<16xi32>
      %add3A_1374 = arith.constant 1083 : i32
      %add3A_1375 = vector.broadcast %add3A_1374 : i32 to vector<16xi32>
      %add3A_1376 = arith.addi %add3A_1375, %mul3A_1373 : vector<16xi32>
      %min3A_1377 = arith.constant 1.875000e+00 : f32
      %min3A_1378 = vector.broadcast %min3A_1377 : f32 to vector<16xf32>
      %min3A_1379 = arith.minimumf %mul3A_1358, %min3A_1378 : vector<16xf32>
      %min3A_1380 = arith.constant 3.812500e+00 : f32
      %min3A_1381 = vector.broadcast %min3A_1380 : f32 to vector<16xf32>
      %min3A_1382 = arith.minimumf %mul3A_1361, %min3A_1381 : vector<16xf32>
      %mul3A_1383 = arith.mulf %min3A_1379, %min3A_1382 : vector<16xf32>
      %mul3A_1384 = arith.mulf %mul3A_1358, %mul3A_1361 : vector<16xf32>
      %add3A_1385 = arith.constant 7.1484375 : f32
      %add3A_1386 = vector.broadcast %add3A_1385 : f32 to vector<16xf32>
      %add3A_1387 = arith.addf %mul3A_1384, %add3A_1386 : vector<16xf32>
      %sub3A_1388 = arith.subf %add3A_1387, %mul3A_1383 : vector<16xf32>
      %add3A_1389 = arith.constant 1.000000e-16 : f32
      %add3A_1390 = vector.broadcast %add3A_1389 : f32 to vector<16xf32>
      %add3A_1391 = arith.addf %sub3A_1388, %add3A_1390 : vector<16xf32>
      %div3A_1392 = arith.divf %mul3A_1383, %add3A_1391 : vector<16xf32>
      %add3A_1393 = arith.constant 0 : i32
      %add3A_1394 = vector.broadcast %add3A_1393 : i32 to vector<16xi32>
      %add3A_1395 = arith.addi %add3A_1376, %add3A_1394 : vector<16xi32>
      %gt3A_1396 = arith.cmpf ogt, %div3A_1392, %select_n3A_1354 : vector<16xf32>
      %select_n3A_1397 = arith.select %gt3A_1396, %div3A_1392, %select_n3A_1354 : vector<16xi1>, vector<16xf32>
      %select_n3A_1398 = arith.select %gt3A_1396, %add3A_1395, %select_n3A_1355 : vector<16xi1>, vector<16xi32>
      %min3A_1399 = arith.constant 3.875000e+00 : f32
      %min3A_1400 = vector.broadcast %min3A_1399 : f32 to vector<16xf32>
      %min3A_1401 = arith.minimumf %mul3A_1358, %min3A_1400 : vector<16xf32>
      %min3A_1402 = arith.constant 2.812500e+00 : f32
      %min3A_1403 = vector.broadcast %min3A_1402 : f32 to vector<16xf32>
      %min3A_1404 = arith.minimumf %mul3A_1361, %min3A_1403 : vector<16xf32>
      %mul3A_1405 = arith.mulf %min3A_1401, %min3A_1404 : vector<16xf32>
      %mul3A_1406 = arith.mulf %mul3A_1358, %mul3A_1361 : vector<16xf32>
      %add3A_1407 = arith.constant 10.8984375 : f32
      %add3A_1408 = vector.broadcast %add3A_1407 : f32 to vector<16xf32>
      %add3A_1409 = arith.addf %mul3A_1406, %add3A_1408 : vector<16xf32>
      %sub3A_1410 = arith.subf %add3A_1409, %mul3A_1405 : vector<16xf32>
      %add3A_1411 = arith.constant 1.000000e-16 : f32
      %add3A_1412 = vector.broadcast %add3A_1411 : f32 to vector<16xf32>
      %add3A_1413 = arith.addf %sub3A_1410, %add3A_1412 : vector<16xf32>
      %div3A_1414 = arith.divf %mul3A_1405, %add3A_1413 : vector<16xf32>
      %add3A_1415 = arith.constant 1 : i32
      %add3A_1416 = vector.broadcast %add3A_1415 : i32 to vector<16xi32>
      %add3A_1417 = arith.addi %add3A_1376, %add3A_1416 : vector<16xi32>
      %gt3A_1418 = arith.cmpf ogt, %div3A_1414, %select_n3A_1397 : vector<16xf32>
      %select_n3A_1419 = arith.select %gt3A_1418, %div3A_1414, %select_n3A_1397 : vector<16xi1>, vector<16xf32>
      %select_n3A_1420 = arith.select %gt3A_1418, %add3A_1417, %select_n3A_1398 : vector<16xi1>, vector<16xi32>
      %min3A_1421 = arith.constant 3.687500e+00 : f32
      %min3A_1422 = vector.broadcast %min3A_1421 : f32 to vector<16xf32>
      %min3A_1423 = arith.minimumf %mul3A_1358, %min3A_1422 : vector<16xf32>
      %min3A_1424 = arith.constant 7.437500e+00 : f32
      %min3A_1425 = vector.broadcast %min3A_1424 : f32 to vector<16xf32>
      %min3A_1426 = arith.minimumf %mul3A_1361, %min3A_1425 : vector<16xf32>
      %mul3A_1427 = arith.mulf %min3A_1423, %min3A_1426 : vector<16xf32>
      %mul3A_1428 = arith.mulf %mul3A_1358, %mul3A_1361 : vector<16xf32>
      %add3A_1429 = arith.constant 27.4257813 : f32
      %add3A_1430 = vector.broadcast %add3A_1429 : f32 to vector<16xf32>
      %add3A_1431 = arith.addf %mul3A_1428, %add3A_1430 : vector<16xf32>
      %sub3A_1432 = arith.subf %add3A_1431, %mul3A_1427 : vector<16xf32>
      %add3A_1433 = arith.constant 1.000000e-16 : f32
      %add3A_1434 = vector.broadcast %add3A_1433 : f32 to vector<16xf32>
      %add3A_1435 = arith.addf %sub3A_1432, %add3A_1434 : vector<16xf32>
      %div3A_1436 = arith.divf %mul3A_1427, %add3A_1435 : vector<16xf32>
      %add3A_1437 = arith.constant 2 : i32
      %add3A_1438 = vector.broadcast %add3A_1437 : i32 to vector<16xi32>
      %add3A_1439 = arith.addi %add3A_1376, %add3A_1438 : vector<16xi32>
      %gt3A_1440 = arith.cmpf ogt, %div3A_1436, %select_n3A_1419 : vector<16xf32>
      %select_n3A_1441 = arith.select %gt3A_1440, %div3A_1436, %select_n3A_1419 : vector<16xi1>, vector<16xf32>
      %select_n3A_1442 = arith.select %gt3A_1440, %add3A_1439, %select_n3A_1420 : vector<16xi1>, vector<16xi32>
      %mul3A_1443 = arith.constant 7.600000e+01 : f32
      %mul3A_1444 = vector.broadcast %mul3A_1443 : f32 to vector<16xf32>
      %mul3A_1445 = arith.mulf %get3A_1266, %mul3A_1444 : vector<16xf32>
      %mul3A_1446 = arith.constant 7.600000e+01 : f32
      %mul3A_1447 = vector.broadcast %mul3A_1446 : f32 to vector<16xf32>
      %mul3A_1448 = arith.mulf %get3A_1271, %mul3A_1447 : vector<16xf32>
      %mul3A_1449 = arith.constant 7.600000e+01 : f32
      %mul3A_1450 = vector.broadcast %mul3A_1449 : f32 to vector<16xf32>
      %mul3A_1451 = arith.mulf %get3A_1256, %mul3A_1450 : vector<16xf32>
      %convert_element_type3A_1452 = arith.fptosi %mul3A_1451 : vector<16xf32> to vector<16xi32>
      %mul3A_1453 = arith.constant 7.600000e+01 : f32
      %mul3A_1454 = vector.broadcast %mul3A_1453 : f32 to vector<16xf32>
      %mul3A_1455 = arith.mulf %get3A_1261, %mul3A_1454 : vector<16xf32>
      %convert_element_type3A_1456 = arith.fptosi %mul3A_1455 : vector<16xf32> to vector<16xi32>
      %mul3A_1457 = arith.muli %convert_element_type3A_1452, %convert_element_type3A_1456 : vector<16xi32>
      %mul3A_1458 = arith.constant 3 : i32
      %mul3A_1459 = vector.broadcast %mul3A_1458 : i32 to vector<16xi32>
      %mul3A_1460 = arith.muli %mul3A_1459, %mul3A_1457 : vector<16xi32>
      %add3A_1461 = arith.constant 5415 : i32
      %add3A_1462 = vector.broadcast %add3A_1461 : i32 to vector<16xi32>
      %add3A_1463 = arith.addi %add3A_1462, %mul3A_1460 : vector<16xi32>
      %min3A_1464 = arith.constant 1.250000e+00 : f32
      %min3A_1465 = vector.broadcast %min3A_1464 : f32 to vector<16xf32>
      %min3A_1466 = arith.minimumf %mul3A_1445, %min3A_1465 : vector<16xf32>
      %min3A_1467 = arith.constant 1.625000e+00 : f32
      %min3A_1468 = vector.broadcast %min3A_1467 : f32 to vector<16xf32>
      %min3A_1469 = arith.minimumf %mul3A_1448, %min3A_1468 : vector<16xf32>
      %mul3A_1470 = arith.mulf %min3A_1466, %min3A_1469 : vector<16xf32>
      %mul3A_1471 = arith.mulf %mul3A_1445, %mul3A_1448 : vector<16xf32>
      %add3A_1472 = arith.constant 2.031250e+00 : f32
      %add3A_1473 = vector.broadcast %add3A_1472 : f32 to vector<16xf32>
      %add3A_1474 = arith.addf %mul3A_1471, %add3A_1473 : vector<16xf32>
      %sub3A_1475 = arith.subf %add3A_1474, %mul3A_1470 : vector<16xf32>
      %add3A_1476 = arith.constant 1.000000e-16 : f32
      %add3A_1477 = vector.broadcast %add3A_1476 : f32 to vector<16xf32>
      %add3A_1478 = arith.addf %sub3A_1475, %add3A_1477 : vector<16xf32>
      %div3A_1479 = arith.divf %mul3A_1470, %add3A_1478 : vector<16xf32>
      %add3A_1480 = arith.constant 0 : i32
      %add3A_1481 = vector.broadcast %add3A_1480 : i32 to vector<16xi32>
      %add3A_1482 = arith.addi %add3A_1463, %add3A_1481 : vector<16xi32>
      %gt3A_1483 = arith.cmpf ogt, %div3A_1479, %select_n3A_1441 : vector<16xf32>
      %select_n3A_1484 = arith.select %gt3A_1483, %div3A_1479, %select_n3A_1441 : vector<16xi1>, vector<16xf32>
      %select_n3A_1485 = arith.select %gt3A_1483, %add3A_1482, %select_n3A_1442 : vector<16xi1>, vector<16xi32>
      %min3A_1486 = arith.constant 2.000000e+00 : f32
      %min3A_1487 = vector.broadcast %min3A_1486 : f32 to vector<16xf32>
      %min3A_1488 = arith.minimumf %mul3A_1445, %min3A_1487 : vector<16xf32>
      %min3A_1489 = arith.constant 2.875000e+00 : f32
      %min3A_1490 = vector.broadcast %min3A_1489 : f32 to vector<16xf32>
      %min3A_1491 = arith.minimumf %mul3A_1448, %min3A_1490 : vector<16xf32>
      %mul3A_1492 = arith.mulf %min3A_1488, %min3A_1491 : vector<16xf32>
      %mul3A_1493 = arith.mulf %mul3A_1445, %mul3A_1448 : vector<16xf32>
      %add3A_1494 = arith.constant 5.750000e+00 : f32
      %add3A_1495 = vector.broadcast %add3A_1494 : f32 to vector<16xf32>
      %add3A_1496 = arith.addf %mul3A_1493, %add3A_1495 : vector<16xf32>
      %sub3A_1497 = arith.subf %add3A_1496, %mul3A_1492 : vector<16xf32>
      %add3A_1498 = arith.constant 1.000000e-16 : f32
      %add3A_1499 = vector.broadcast %add3A_1498 : f32 to vector<16xf32>
      %add3A_1500 = arith.addf %sub3A_1497, %add3A_1499 : vector<16xf32>
      %div3A_1501 = arith.divf %mul3A_1492, %add3A_1500 : vector<16xf32>
      %add3A_1502 = arith.constant 1 : i32
      %add3A_1503 = vector.broadcast %add3A_1502 : i32 to vector<16xi32>
      %add3A_1504 = arith.addi %add3A_1463, %add3A_1503 : vector<16xi32>
      %gt3A_1505 = arith.cmpf ogt, %div3A_1501, %select_n3A_1484 : vector<16xf32>
      %select_n3A_1506 = arith.select %gt3A_1505, %div3A_1501, %select_n3A_1484 : vector<16xi1>, vector<16xf32>
      %select_n3A_1507 = arith.select %gt3A_1505, %add3A_1504, %select_n3A_1485 : vector<16xi1>, vector<16xi32>
      %min3A_1508 = arith.constant 4.125000e+00 : f32
      %min3A_1509 = vector.broadcast %min3A_1508 : f32 to vector<16xf32>
      %min3A_1510 = arith.minimumf %mul3A_1445, %min3A_1509 : vector<16xf32>
      %min3A_1511 = arith.constant 2.875000e+00 : f32
      %min3A_1512 = vector.broadcast %min3A_1511 : f32 to vector<16xf32>
      %min3A_1513 = arith.minimumf %mul3A_1448, %min3A_1512 : vector<16xf32>
      %mul3A_1514 = arith.mulf %min3A_1510, %min3A_1513 : vector<16xf32>
      %mul3A_1515 = arith.mulf %mul3A_1445, %mul3A_1448 : vector<16xf32>
      %add3A_1516 = arith.constant 11.859375 : f32
      %add3A_1517 = vector.broadcast %add3A_1516 : f32 to vector<16xf32>
      %add3A_1518 = arith.addf %mul3A_1515, %add3A_1517 : vector<16xf32>
      %sub3A_1519 = arith.subf %add3A_1518, %mul3A_1514 : vector<16xf32>
      %add3A_1520 = arith.constant 1.000000e-16 : f32
      %add3A_1521 = vector.broadcast %add3A_1520 : f32 to vector<16xf32>
      %add3A_1522 = arith.addf %sub3A_1519, %add3A_1521 : vector<16xf32>
      %div3A_1523 = arith.divf %mul3A_1514, %add3A_1522 : vector<16xf32>
      %add3A_1524 = arith.constant 2 : i32
      %add3A_1525 = vector.broadcast %add3A_1524 : i32 to vector<16xi32>
      %add3A_1526 = arith.addi %add3A_1463, %add3A_1525 : vector<16xi32>
      %gt3A_1527 = arith.cmpf ogt, %div3A_1523, %select_n3A_1506 : vector<16xf32>
      %select_n3A_1528 = arith.select %gt3A_1527, %div3A_1523, %select_n3A_1506 : vector<16xi1>, vector<16xf32>
      %select_n3A_1529 = arith.select %gt3A_1527, %add3A_1526, %select_n3A_1507 : vector<16xi1>, vector<16xi32>
      %add3A_1530 = arith.constant 0 : i32
      %add3A_1531 = vector.broadcast %add3A_1530 : i32 to vector<16xi32>
      %add3A_1532 = arith.addi %add3A_1292, %add3A_1531 : vector<16xi32>
      %jit3A_1533 = arith.constant 0 : i32
      %jit3A_1534 = arith.constant 22742 : i32
      %max3A_1535 = vector.broadcast %jit3A_1533 : i32 to vector<16xi32>
      %max3A_1536 = arith.maxsi %max3A_1535, %add3A_1532 : vector<16xi32>
      %min3A_1537 = vector.broadcast %jit3A_1534 : i32 to vector<16xi32>
      %min3A_1538 = arith.minsi %min3A_1537, %max3A_1536 : vector<16xi32>
      %add3A_1539 = vector.broadcast %mul3A_4 : i32 to vector<16xi32>
      %add3A_1540 = arith.addi %add3A_1539, %min3A_1538 : vector<16xi32>
      %swap3A_1541 = arith.constant 48 : index
      %swap3A_1542 = tpu.vector_load %arg6[%swap3A_1541] {strides = array<i32>} : memref<640xi32, #tpu.memory_space<vmem>>, vector<16xi32>,
      %swap3A_1543 = vector.shape_cast %swap3A_1542 : vector<16xi32> to vector<16xi32>
      %swap3A_1544 = vector.shape_cast %add3A_1540 : vector<16xi32> to vector<16xi32>
      tpu.vector_store %arg6[%swap3A_1541], %swap3A_1544 {strides = array<i32>} : memref<640xi32, #tpu.memory_space<vmem>>, vector<16xi32>,
      %add3A_1545 = arith.constant 1 : i32
      %add3A_1546 = vector.broadcast %add3A_1545 : i32 to vector<16xi32>
      %add3A_1547 = arith.addi %add3A_1292, %add3A_1546 : vector<16xi32>
      %jit3A_1548 = arith.constant 0 : i32
      %jit3A_1549 = arith.constant 22742 : i32
      %max3A_1550 = vector.broadcast %jit3A_1548 : i32 to vector<16xi32>
      %max3A_1551 = arith.maxsi %max3A_1550, %add3A_1547 : vector<16xi32>
      %min3A_1552 = vector.broadcast %jit3A_1549 : i32 to vector<16xi32>
      %min3A_1553 = arith.minsi %min3A_1552, %max3A_1551 : vector<16xi32>
      %add3A_1554 = vector.broadcast %mul3A_4 : i32 to vector<16xi32>
      %add3A_1555 = arith.addi %add3A_1554, %min3A_1553 : vector<16xi32>
      %swap3A_1556 = arith.constant 112 : index
      %swap3A_1557 = tpu.vector_load %arg6[%swap3A_1556] {strides = array<i32>} : memref<640xi32, #tpu.memory_space<vmem>>, vector<16xi32>,
      %swap3A_1558 = vector.shape_cast %swap3A_1557 : vector<16xi32> to vector<16xi32>
      %swap3A_1559 = vector.shape_cast %add3A_1555 : vector<16xi32> to vector<16xi32>
      tpu.vector_store %arg6[%swap3A_1556], %swap3A_1559 {strides = array<i32>} : memref<640xi32, #tpu.memory_space<vmem>>, vector<16xi32>,
      %add3A_1560 = arith.constant 2 : i32
      %add3A_1561 = vector.broadcast %add3A_1560 : i32 to vector<16xi32>
      %add3A_1562 = arith.addi %add3A_1292, %add3A_1561 : vector<16xi32>
      %jit3A_1563 = arith.constant 0 : i32
      %jit3A_1564 = arith.constant 22742 : i32
      %max3A_1565 = vector.broadcast %jit3A_1563 : i32 to vector<16xi32>
      %max3A_1566 = arith.maxsi %max3A_1565, %add3A_1562 : vector<16xi32>
      %min3A_1567 = vector.broadcast %jit3A_1564 : i32 to vector<16xi32>
      %min3A_1568 = arith.minsi %min3A_1567, %max3A_1566 : vector<16xi32>
      %add3A_1569 = vector.broadcast %mul3A_4 : i32 to vector<16xi32>
      %add3A_1570 = arith.addi %add3A_1569, %min3A_1568 : vector<16xi32>
      %swap3A_1571 = arith.constant 176 : index
      %swap3A_1572 = tpu.vector_load %arg6[%swap3A_1571] {strides = array<i32>} : memref<640xi32, #tpu.memory_space<vmem>>, vector<16xi32>,
      %swap3A_1573 = vector.shape_cast %swap3A_1572 : vector<16xi32> to vector<16xi32>
      %swap3A_1574 = vector.shape_cast %add3A_1570 : vector<16xi32> to vector<16xi32>
      tpu.vector_store %arg6[%swap3A_1571], %swap3A_1574 {strides = array<i32>} : memref<640xi32, #tpu.memory_space<vmem>>, vector<16xi32>,
      %add3A_1575 = arith.constant 0 : i32
      %add3A_1576 = vector.broadcast %add3A_1575 : i32 to vector<16xi32>
      %add3A_1577 = arith.addi %add3A_1376, %add3A_1576 : vector<16xi32>
      %jit3A_1578 = arith.constant 0 : i32
      %jit3A_1579 = arith.constant 22742 : i32
      %max3A_1580 = vector.broadcast %jit3A_1578 : i32 to vector<16xi32>
      %max3A_1581 = arith.maxsi %max3A_1580, %add3A_1577 : vector<16xi32>
      %min3A_1582 = vector.broadcast %jit3A_1579 : i32 to vector<16xi32>
      %min3A_1583 = arith.minsi %min3A_1582, %max3A_1581 : vector<16xi32>
      %add3A_1584 = vector.broadcast %mul3A_4 : i32 to vector<16xi32>
      %add3A_1585 = arith.addi %add3A_1584, %min3A_1583 : vector<16xi32>
      %swap3A_1586 = arith.constant 240 : index
      %swap3A_1587 = tpu.vector_load %arg6[%swap3A_1586] {strides = array<i32>} : memref<640xi32, #tpu.memory_space<vmem>>, vector<16xi32>,
      %swap3A_1588 = vector.shape_cast %swap3A_1587 : vector<16xi32> to vector<16xi32>
      %swap3A_1589 = vector.shape_cast %add3A_1585 : vector<16xi32> to vector<16xi32>
      tpu.vector_store %arg6[%swap3A_1586], %swap3A_1589 {strides = array<i32>} : memref<640xi32, #tpu.memory_space<vmem>>, vector<16xi32>,
      %add3A_1590 = arith.constant 1 : i32
      %add3A_1591 = vector.broadcast %add3A_1590 : i32 to vector<16xi32>
      %add3A_1592 = arith.addi %add3A_1376, %add3A_1591 : vector<16xi32>
      %jit3A_1593 = arith.constant 0 : i32
      %jit3A_1594 = arith.constant 22742 : i32
      %max3A_1595 = vector.broadcast %jit3A_1593 : i32 to vector<16xi32>
      %max3A_1596 = arith.maxsi %max3A_1595, %add3A_1592 : vector<16xi32>
      %min3A_1597 = vector.broadcast %jit3A_1594 : i32 to vector<16xi32>
      %min3A_1598 = arith.minsi %min3A_1597, %max3A_1596 : vector<16xi32>
      %add3A_1599 = vector.broadcast %mul3A_4 : i32 to vector<16xi32>
      %add3A_1600 = arith.addi %add3A_1599, %min3A_1598 : vector<16xi32>
      %swap3A_1601 = arith.constant 304 : index
      %swap3A_1602 = tpu.vector_load %arg6[%swap3A_1601] {strides = array<i32>} : memref<640xi32, #tpu.memory_space<vmem>>, vector<16xi32>,
      %swap3A_1603 = vector.shape_cast %swap3A_1602 : vector<16xi32> to vector<16xi32>
      %swap3A_1604 = vector.shape_cast %add3A_1600 : vector<16xi32> to vector<16xi32>
      tpu.vector_store %arg6[%swap3A_1601], %swap3A_1604 {strides = array<i32>} : memref<640xi32, #tpu.memory_space<vmem>>, vector<16xi32>,
      %add3A_1605 = arith.constant 2 : i32
      %add3A_1606 = vector.broadcast %add3A_1605 : i32 to vector<16xi32>
      %add3A_1607 = arith.addi %add3A_1376, %add3A_1606 : vector<16xi32>
      %jit3A_1608 = arith.constant 0 : i32
      %jit3A_1609 = arith.constant 22742 : i32
      %max3A_1610 = vector.broadcast %jit3A_1608 : i32 to vector<16xi32>
      %max3A_1611 = arith.maxsi %max3A_1610, %add3A_1607 : vector<16xi32>
      %min3A_1612 = vector.broadcast %jit3A_1609 : i32 to vector<16xi32>
      %min3A_1613 = arith.minsi %min3A_1612, %max3A_1611 : vector<16xi32>
      %add3A_1614 = vector.broadcast %mul3A_4 : i32 to vector<16xi32>
      %add3A_1615 = arith.addi %add3A_1614, %min3A_1613 : vector<16xi32>
      %swap3A_1616 = arith.constant 368 : index
      %swap3A_1617 = tpu.vector_load %arg6[%swap3A_1616] {strides = array<i32>} : memref<640xi32, #tpu.memory_space<vmem>>, vector<16xi32>,
      %swap3A_1618 = vector.shape_cast %swap3A_1617 : vector<16xi32> to vector<16xi32>
      %swap3A_1619 = vector.shape_cast %add3A_1615 : vector<16xi32> to vector<16xi32>
      tpu.vector_store %arg6[%swap3A_1616], %swap3A_1619 {strides = array<i32>} : memref<640xi32, #tpu.memory_space<vmem>>, vector<16xi32>,
      %add3A_1620 = arith.constant 0 : i32
      %add3A_1621 = vector.broadcast %add3A_1620 : i32 to vector<16xi32>
      %add3A_1622 = arith.addi %add3A_1463, %add3A_1621 : vector<16xi32>
      %jit3A_1623 = arith.constant 0 : i32
      %jit3A_1624 = arith.constant 22742 : i32
      %max3A_1625 = vector.broadcast %jit3A_1623 : i32 to vector<16xi32>
      %max3A_1626 = arith.maxsi %max3A_1625, %add3A_1622 : vector<16xi32>
      %min3A_1627 = vector.broadcast %jit3A_1624 : i32 to vector<16xi32>
      %min3A_1628 = arith.minsi %min3A_1627, %max3A_1626 : vector<16xi32>
      %add3A_1629 = vector.broadcast %mul3A_4 : i32 to vector<16xi32>
      %add3A_1630 = arith.addi %add3A_1629, %min3A_1628 : vector<16xi32>
      %swap3A_1631 = arith.constant 432 : index
      %swap3A_1632 = tpu.vector_load %arg6[%swap3A_1631] {strides = array<i32>} : memref<640xi32, #tpu.memory_space<vmem>>, vector<16xi32>,
      %swap3A_1633 = vector.shape_cast %swap3A_1632 : vector<16xi32> to vector<16xi32>
      %swap3A_1634 = vector.shape_cast %add3A_1630 : vector<16xi32> to vector<16xi32>
      tpu.vector_store %arg6[%swap3A_1631], %swap3A_1634 {strides = array<i32>} : memref<640xi32, #tpu.memory_space<vmem>>, vector<16xi32>,
      %add3A_1635 = arith.constant 1 : i32
      %add3A_1636 = vector.broadcast %add3A_1635 : i32 to vector<16xi32>
      %add3A_1637 = arith.addi %add3A_1463, %add3A_1636 : vector<16xi32>
      %jit3A_1638 = arith.constant 0 : i32
      %jit3A_1639 = arith.constant 22742 : i32
      %max3A_1640 = vector.broadcast %jit3A_1638 : i32 to vector<16xi32>
      %max3A_1641 = arith.maxsi %max3A_1640, %add3A_1637 : vector<16xi32>
      %min3A_1642 = vector.broadcast %jit3A_1639 : i32 to vector<16xi32>
      %min3A_1643 = arith.minsi %min3A_1642, %max3A_1641 : vector<16xi32>
      %add3A_1644 = vector.broadcast %mul3A_4 : i32 to vector<16xi32>
      %add3A_1645 = arith.addi %add3A_1644, %min3A_1643 : vector<16xi32>
      %swap3A_1646 = arith.constant 496 : index
      %swap3A_1647 = tpu.vector_load %arg6[%swap3A_1646] {strides = array<i32>} : memref<640xi32, #tpu.memory_space<vmem>>, vector<16xi32>,
      %swap3A_1648 = vector.shape_cast %swap3A_1647 : vector<16xi32> to vector<16xi32>
      %swap3A_1649 = vector.shape_cast %add3A_1645 : vector<16xi32> to vector<16xi32>
      tpu.vector_store %arg6[%swap3A_1646], %swap3A_1649 {strides = array<i32>} : memref<640xi32, #tpu.memory_space<vmem>>, vector<16xi32>,
      %add3A_1650 = arith.constant 2 : i32
      %add3A_1651 = vector.broadcast %add3A_1650 : i32 to vector<16xi32>
      %add3A_1652 = arith.addi %add3A_1463, %add3A_1651 : vector<16xi32>
      %jit3A_1653 = arith.constant 0 : i32
      %jit3A_1654 = arith.constant 22742 : i32
      %max3A_1655 = vector.broadcast %jit3A_1653 : i32 to vector<16xi32>
      %max3A_1656 = arith.maxsi %max3A_1655, %add3A_1652 : vector<16xi32>
      %min3A_1657 = vector.broadcast %jit3A_1654 : i32 to vector<16xi32>
      %min3A_1658 = arith.minsi %min3A_1657, %max3A_1656 : vector<16xi32>
      %add3A_1659 = vector.broadcast %mul3A_4 : i32 to vector<16xi32>
      %add3A_1660 = arith.addi %add3A_1659, %min3A_1658 : vector<16xi32>
      %swap3A_1661 = arith.constant 560 : index
      %swap3A_1662 = tpu.vector_load %arg6[%swap3A_1661] {strides = array<i32>} : memref<640xi32, #tpu.memory_space<vmem>>, vector<16xi32>,
      %swap3A_1663 = vector.shape_cast %swap3A_1662 : vector<16xi32> to vector<16xi32>
      %swap3A_1664 = vector.shape_cast %add3A_1660 : vector<16xi32> to vector<16xi32>
      tpu.vector_store %arg6[%swap3A_1661], %swap3A_1664 {strides = array<i32>} : memref<640xi32, #tpu.memory_space<vmem>>, vector<16xi32>,
      %dma_start3A = arith.constant 0 : i32
      %dma_start3A_1665 = tpu.memref_slice %arg2[%dma_start3A] : memref<376832xf32, #tpu.memory_space<hbm>> -> memref<376832xf32, #tpu.memory_space<hbm>>
      tpu.enqueue_indirect_dma source(%dma_start3A_1665 : memref<376832xf32, #tpu.memory_space<hbm>>) target(%arg7 : memref<640xf32, #tpu.memory_space<vmem>>) offsets(%arg6 : memref<640xi32, #tpu.memory_space<vmem>>) semaphore(%arg8 : memref<!tpu.dma_semaphore, #tpu.memory_space<semaphore_mem>>)
      %dma_wait3A = arith.constant 0 : i32
      %dma_wait3A_1666 = tpu.memref_slice %arg2[%dma_wait3A] : memref<376832xf32, #tpu.memory_space<hbm>> -> memref<376832xf32, #tpu.memory_space<hbm>>
      tpu.wait_indirect_dma semaphore(%arg8 : memref<!tpu.dma_semaphore, #tpu.memory_space<semaphore_mem>>) src(%dma_wait3A_1666 : memref<376832xf32, #tpu.memory_space<hbm>>) dst(%arg7 : memref<640xf32, #tpu.memory_space<vmem>>)
      "tpu.region"() ({
        %run_scoped3A = tpu.sem_alloc : memref<!tpu.dma_semaphore, #tpu.memory_space<semaphore_mem>>
        %dma_start3A_1667 = arith.constant 0 : i32
        %dma_start3A_1668 = tpu.memref_slice %arg4[%add3A, %dma_start3A_1667] : memref<16x640xf32, #tpu.memory_space<hbm>> -> memref<1x640xf32, #tpu.memory_space<hbm>>
        %dma_start3A_1669 = tpu.memref_squeeze %dma_start3A_1668 : memref<1x640xf32, #tpu.memory_space<hbm>> -> memref<640xf32, #tpu.memory_space<hbm>>
        %dma_start3A_1670 = arith.constant 0 : i32
        %dma_start3A_1671 = tpu.memref_slice %arg4[%add3A, %dma_start3A_1670] : memref<16x640xf32, #tpu.memory_space<hbm>> -> memref<1x640xf32, #tpu.memory_space<hbm>>
        %dma_start3A_1672 = tpu.memref_squeeze %dma_start3A_1671 : memref<1x640xf32, #tpu.memory_space<hbm>> -> memref<640xf32, #tpu.memory_space<hbm>>
        tpu.enqueue_dma source(%arg7 : memref<640xf32, #tpu.memory_space<vmem>>) target(%dma_start3A_1672 : memref<640xf32, #tpu.memory_space<hbm>>) target_semaphore(%run_scoped3A : memref<!tpu.dma_semaphore, #tpu.memory_space<semaphore_mem>>)
        %dma_wait3A_1673 = arith.constant 0 : i32
        %dma_wait3A_1674 = tpu.memref_slice %arg4[%add3A, %dma_wait3A_1673] : memref<16x640xf32, #tpu.memory_space<hbm>> -> memref<1x640xf32, #tpu.memory_space<hbm>>
        %dma_wait3A_1675 = tpu.memref_squeeze %dma_wait3A_1674 : memref<1x640xf32, #tpu.memory_space<hbm>> -> memref<640xf32, #tpu.memory_space<hbm>>
        %dma_wait3A_1676 = arith.constant 0 : i32
        %dma_wait3A_1677 = tpu.memref_slice %arg4[%add3A, %dma_wait3A_1676] : memref<16x640xf32, #tpu.memory_space<hbm>> -> memref<1x640xf32, #tpu.memory_space<hbm>>
        %dma_wait3A_1678 = tpu.memref_squeeze %dma_wait3A_1677 : memref<1x640xf32, #tpu.memory_space<hbm>> -> memref<640xf32, #tpu.memory_space<hbm>>
        tpu.wait_dma2 semaphore(%run_scoped3A : memref<!tpu.dma_semaphore, #tpu.memory_space<semaphore_mem>>) src(%arg7 : memref<640xf32, #tpu.memory_space<vmem>>) dst(%dma_wait3A_1678 : memref<640xf32, #tpu.memory_space<hbm>>)
        tpu.yield
      }) : () -> ()
    } else {
    }
    return
  }
}

module attributes {stable_mosaic.version = 14 : i64} {
  func.func @_extract_kernel(%arg0: i32, %arg1: memref<5x16x64xf32, #tpu.memory_space<vmem>>, %arg2: memref<16x1024x85xf32, #tpu.memory_space<vmem>>, %arg3: memref<16x8x128xf32, #tpu.memory_space<vmem>>, %arg4: memref<16x64x85xf32, #tpu.memory_space<vmem>>, %arg5: memref<8x128xf32, #tpu.memory_space<vmem>>) attributes {dimension_semantics = [#tpu.dimension_semantics<arbitrary>], iteration_bounds = array<i64: 23>, scalar_prefetch = 0 : i64, scratch_operands = 0 : i64, tpu.core_type = #tpu.core_type<tc>, window_params = [{pipeline_mode = #tpu.pipeline_mode<synchronous>, transform_indices = @transform_0, window_bounds = array<i64: 5, 16, 64>}, {transform_indices = @transform_1, window_bounds = array<i64: 16, 1024, 85>}, {transform_indices = @transform_2, window_bounds = array<i64: 16, 8, 128>}, {pipeline_mode = #tpu.pipeline_mode<synchronous>, transform_indices = @transform_3, window_bounds = array<i64: 16, 64, 85>}, {pipeline_mode = #tpu.pipeline_mode<synchronous>, transform_indices = @transform_4, window_bounds = array<i64: 8, 128>}]} {
    %get3A = arith.constant 0 : index
    %get3A_0 = arith.constant 0 : index
    %get3A_1 = arith.constant 0 : index
    %get3A_2 = vector.load %arg2[%get3A, %get3A_0, %get3A_1] : memref<16x1024x85xf32, #tpu.memory_space<vmem>>, vector<16x1024x85xf32>
    %iota3A = tpu.iota {dimensions = array<i32: 1>} : vector<16x1024xi32>
    %mul3A = arith.constant 1024 : i32
    %mul3A_3 = arith.muli %arg0, %mul3A : i32
    %add3A = vector.broadcast %mul3A_3 : i32 to vector<16x1024xi32>
    %add3A_4 = arith.addi %iota3A, %add3A : vector<16x1024xi32>
    %lt3A = arith.constant 22743 : i32
    %lt3A_5 = vector.broadcast %lt3A : i32 to vector<16x1024xi32>
    %lt3A_6 = arith.cmpi slt, %add3A_4, %lt3A_5 : vector<16x1024xi32>
    %iota3A_7 = tpu.iota {dimensions = array<i32: 2>} : vector<16x1024x85xi32>
    %eq3A = arith.constant 4 : i32
    %eq3A_8 = vector.broadcast %eq3A : i32 to vector<16x1024x85xi32>
    %eq3A_9 = arith.cmpi eq, %iota3A_7, %eq3A_8 : vector<16x1024x85xi32>
    %jit3A = arith.constant 0.000000e+00 : f32
    %broadcast_in_dim3A = vector.broadcast %jit3A : f32 to vector<16x1024x85xf32>
    %select_n3A = arith.select %eq3A_9, %get3A_2, %broadcast_in_dim3A : vector<16x1024x85xi1>, vector<16x1024x85xf32>
    %reduce_sum3A = arith.constant dense<0.000000e+00> : vector<16x1024xf32>
    %reduce_sum3A_10 = vector.multi_reduction <add>, %select_n3A, %reduce_sum3A [2] : vector<16x1024x85xf32> to vector<16x1024xf32>
    %jit3A_11 = arith.constant 0.000000e+00 : f32
    %broadcast_in_dim3A_12 = vector.broadcast %jit3A_11 : f32 to vector<16x1024xf32>
    %select_n3A_13 = arith.select %lt3A_6, %reduce_sum3A_10, %broadcast_in_dim3A_12 : vector<16x1024xi1>, vector<16x1024xf32>
    %reshape3A = vector.shape_cast %select_n3A_13 : vector<16x1024xf32> to vector<16x8x128xf32>
    %swap3A = arith.constant 0 : index
    %swap3A_14 = arith.constant 0 : index
    %swap3A_15 = arith.constant 0 : index
    %swap3A_16 = vector.load %arg3[%swap3A, %swap3A_14, %swap3A_15] : memref<16x8x128xf32, #tpu.memory_space<vmem>>, vector<16x8x128xf32>
    tpu.vector_store %arg3[%swap3A, %swap3A_14, %swap3A_15], %reshape3A {strides = array<i32>} : memref<16x8x128xf32, #tpu.memory_space<vmem>>, vector<16x8x128xf32>,
    %jit3A_17 = arith.constant 1.000000e-07 : f32
    %jit3A_18 = arith.constant 0.99999988 : f32
    %max3A = vector.broadcast %jit3A_17 : f32 to vector<16x1024xf32>
    %max3A_19 = arith.maximumf %max3A, %reduce_sum3A_10 : vector<16x1024xf32>
    %min3A = vector.broadcast %jit3A_18 : f32 to vector<16x1024xf32>
    %min3A_20 = arith.minimumf %min3A, %max3A_19 : vector<16x1024xf32>
    %sub3A = arith.constant 1.000000e+00 : f32
    %sub3A_21 = vector.broadcast %sub3A : f32 to vector<16x1024xf32>
    %sub3A_22 = arith.subf %sub3A_21, %min3A_20 : vector<16x1024xf32>
    %log3A = math.log %sub3A_22 : vector<16x1024xf32>
    %neg3A = arith.constant 0.000000e+00 : f32
    %neg3A_23 = vector.broadcast %neg3A : f32 to vector<16x1024xf32>
    %neg3A_24 = arith.subf %neg3A_23, %log3A : vector<16x1024xf32>
    %jit3A_25 = arith.constant 0.000000e+00 : f32
    %broadcast_in_dim3A_26 = vector.broadcast %jit3A_25 : f32 to vector<16x1024xf32>
    %select_n3A_27 = arith.select %lt3A_6, %neg3A_24, %broadcast_in_dim3A_26 : vector<16x1024xi1>, vector<16x1024xf32>
    %reshape3A_28 = vector.shape_cast %select_n3A_27 : vector<16x1024xf32> to vector<16x8x128xf32>
    %reduce_sum3A_29 = arith.constant dense<0.000000e+00> : vector<128xf32>
    %reduce_sum3A_30 = vector.multi_reduction <add>, %reshape3A_28, %reduce_sum3A_29 [0, 1] : vector<16x8x128xf32> to vector<128xf32>
    %broadcast_in_dim3A_31 = vector.shape_cast %reduce_sum3A_30 : vector<128xf32> to vector<1x128xf32>
    %broadcast_in_dim3A_32 = vector.shape_cast %broadcast_in_dim3A_31 : vector<1x128xf32> to vector<1x128xf32>
    %broadcast_in_dim3A_33 = vector.broadcast %broadcast_in_dim3A_32 : vector<1x128xf32> to vector<8x128xf32>
    %mul3A_34 = arith.constant 1.250000e-01 : f32
    %mul3A_35 = vector.broadcast %mul3A_34 : f32 to vector<8x128xf32>
    %mul3A_36 = arith.mulf %broadcast_in_dim3A_33, %mul3A_35 : vector<8x128xf32>
    %get3A_37 = arith.constant 1 : index
    %get3A_38 = arith.constant 0 : index
    %get3A_39 = arith.constant 0 : index
    %get3A_40 = vector.load %arg1[%get3A_37, %get3A_38, %get3A_39] : memref<5x16x64xf32, #tpu.memory_space<vmem>>, vector<1x16x64xf32>
    %get3A_41 = vector.shape_cast %get3A_40 : vector<1x16x64xf32> to vector<16x64xf32>
    %get3A_42 = arith.constant 2 : index
    %get3A_43 = arith.constant 0 : index
    %get3A_44 = arith.constant 0 : index
    %get3A_45 = vector.load %arg1[%get3A_42, %get3A_43, %get3A_44] : memref<5x16x64xf32, #tpu.memory_space<vmem>>, vector<1x16x64xf32>
    %get3A_46 = vector.shape_cast %get3A_45 : vector<1x16x64xf32> to vector<16x64xf32>
    %get3A_47 = arith.constant 3 : index
    %get3A_48 = arith.constant 0 : index
    %get3A_49 = arith.constant 0 : index
    %get3A_50 = vector.load %arg1[%get3A_47, %get3A_48, %get3A_49] : memref<5x16x64xf32, #tpu.memory_space<vmem>>, vector<1x16x64xf32>
    %get3A_51 = vector.shape_cast %get3A_50 : vector<1x16x64xf32> to vector<16x64xf32>
    %get3A_52 = arith.constant 4 : index
    %get3A_53 = arith.constant 0 : index
    %get3A_54 = arith.constant 0 : index
    %get3A_55 = vector.load %arg1[%get3A_52, %get3A_53, %get3A_54] : memref<5x16x64xf32, #tpu.memory_space<vmem>>, vector<1x16x64xf32>
    %get3A_56 = vector.shape_cast %get3A_55 : vector<1x16x64xf32> to vector<16x64xf32>
    %mul3A_57 = arith.constant 1.900000e+01 : f32
    %mul3A_58 = vector.broadcast %mul3A_57 : f32 to vector<16x64xf32>
    %mul3A_59 = arith.mulf %get3A_51, %mul3A_58 : vector<16x64xf32>
    %mul3A_60 = arith.constant 1.900000e+01 : f32
    %mul3A_61 = vector.broadcast %mul3A_60 : f32 to vector<16x64xf32>
    %mul3A_62 = arith.mulf %get3A_56, %mul3A_61 : vector<16x64xf32>
    %mul3A_63 = arith.constant 1.900000e+01 : f32
    %mul3A_64 = vector.broadcast %mul3A_63 : f32 to vector<16x64xf32>
    %mul3A_65 = arith.mulf %get3A_41, %mul3A_64 : vector<16x64xf32>
    %floor3A = math.floor %mul3A_65 : vector<16x64xf32>
    %convert_element_type3A = arith.fptosi %floor3A : vector<16x64xf32> to vector<16x64xi32>
    %mul3A_66 = arith.constant 1.900000e+01 : f32
    %mul3A_67 = vector.broadcast %mul3A_66 : f32 to vector<16x64xf32>
    %mul3A_68 = arith.mulf %get3A_46, %mul3A_67 : vector<16x64xf32>
    %floor3A_69 = math.floor %mul3A_68 : vector<16x64xf32>
    %convert_element_type3A_70 = arith.fptosi %floor3A_69 : vector<16x64xf32> to vector<16x64xi32>
    %mul3A_71 = arith.muli %convert_element_type3A, %convert_element_type3A_70 : vector<16x64xi32>
    %mul3A_72 = arith.constant 3 : i32
    %mul3A_73 = vector.broadcast %mul3A_72 : i32 to vector<16x64xi32>
    %mul3A_74 = arith.muli %mul3A_73, %mul3A_71 : vector<16x64xi32>
    %add3A_75 = arith.constant 0 : i32
    %add3A_76 = vector.broadcast %add3A_75 : i32 to vector<16x64xi32>
    %add3A_77 = arith.addi %add3A_76, %mul3A_74 : vector<16x64xi32>
    %min3A_78 = arith.constant 3.625000e+00 : f32
    %min3A_79 = vector.broadcast %min3A_78 : f32 to vector<16x64xf32>
    %min3A_80 = arith.minimumf %mul3A_59, %min3A_79 : vector<16x64xf32>
    %min3A_81 = arith.constant 2.812500e+00 : f32
    %min3A_82 = vector.broadcast %min3A_81 : f32 to vector<16x64xf32>
    %min3A_83 = arith.minimumf %mul3A_62, %min3A_82 : vector<16x64xf32>
    %mul3A_84 = arith.mulf %min3A_80, %min3A_83 : vector<16x64xf32>
    %mul3A_85 = arith.mulf %mul3A_59, %mul3A_62 : vector<16x64xf32>
    %add3A_86 = arith.constant 10.1953125 : f32
    %add3A_87 = vector.broadcast %add3A_86 : f32 to vector<16x64xf32>
    %add3A_88 = arith.addf %mul3A_85, %add3A_87 : vector<16x64xf32>
    %sub3A_89 = arith.subf %add3A_88, %mul3A_84 : vector<16x64xf32>
    %add3A_90 = arith.constant 1.000000e-16 : f32
    %add3A_91 = vector.broadcast %add3A_90 : f32 to vector<16x64xf32>
    %add3A_92 = arith.addf %sub3A_89, %add3A_91 : vector<16x64xf32>
    %div3A = arith.divf %mul3A_84, %add3A_92 : vector<16x64xf32>
    %add3A_93 = arith.constant 0 : i32
    %add3A_94 = vector.broadcast %add3A_93 : i32 to vector<16x64xi32>
    %add3A_95 = arith.addi %add3A_77, %add3A_94 : vector<16x64xi32>
    %min3A_96 = arith.constant 4.875000e+00 : f32
    %min3A_97 = vector.broadcast %min3A_96 : f32 to vector<16x64xf32>
    %min3A_98 = arith.minimumf %mul3A_59, %min3A_97 : vector<16x64xf32>
    %min3A_99 = arith.constant 6.187500e+00 : f32
    %min3A_100 = vector.broadcast %min3A_99 : f32 to vector<16x64xf32>
    %min3A_101 = arith.minimumf %mul3A_62, %min3A_100 : vector<16x64xf32>
    %mul3A_102 = arith.mulf %min3A_98, %min3A_101 : vector<16x64xf32>
    %mul3A_103 = arith.mulf %mul3A_59, %mul3A_62 : vector<16x64xf32>
    %add3A_104 = arith.constant 30.1640625 : f32
    %add3A_105 = vector.broadcast %add3A_104 : f32 to vector<16x64xf32>
    %add3A_106 = arith.addf %mul3A_103, %add3A_105 : vector<16x64xf32>
    %sub3A_107 = arith.subf %add3A_106, %mul3A_102 : vector<16x64xf32>
    %add3A_108 = arith.constant 1.000000e-16 : f32
    %add3A_109 = vector.broadcast %add3A_108 : f32 to vector<16x64xf32>
    %add3A_110 = arith.addf %sub3A_107, %add3A_109 : vector<16x64xf32>
    %div3A_111 = arith.divf %mul3A_102, %add3A_110 : vector<16x64xf32>
    %add3A_112 = arith.constant 1 : i32
    %add3A_113 = vector.broadcast %add3A_112 : i32 to vector<16x64xi32>
    %add3A_114 = arith.addi %add3A_77, %add3A_113 : vector<16x64xi32>
    %gt3A = arith.cmpf ogt, %div3A_111, %div3A : vector<16x64xf32>
    %select_n3A_115 = arith.select %gt3A, %div3A_111, %div3A : vector<16x64xi1>, vector<16x64xf32>
    %select_n3A_116 = arith.select %gt3A, %add3A_114, %add3A_95 : vector<16x64xi1>, vector<16x64xi32>
    %min3A_117 = arith.constant 11.65625 : f32
    %min3A_118 = vector.broadcast %min3A_117 : f32 to vector<16x64xf32>
    %min3A_119 = arith.minimumf %mul3A_59, %min3A_118 : vector<16x64xf32>
    %min3A_120 = arith.constant 1.018750e+01 : f32
    %min3A_121 = vector.broadcast %min3A_120 : f32 to vector<16x64xf32>
    %min3A_122 = arith.minimumf %mul3A_62, %min3A_121 : vector<16x64xf32>
    %mul3A_123 = arith.mulf %min3A_119, %min3A_122 : vector<16x64xf32>
    %mul3A_124 = arith.mulf %mul3A_59, %mul3A_62 : vector<16x64xf32>
    %add3A_125 = arith.constant 118.748047 : f32
    %add3A_126 = vector.broadcast %add3A_125 : f32 to vector<16x64xf32>
    %add3A_127 = arith.addf %mul3A_124, %add3A_126 : vector<16x64xf32>
    %sub3A_128 = arith.subf %add3A_127, %mul3A_123 : vector<16x64xf32>
    %add3A_129 = arith.constant 1.000000e-16 : f32
    %add3A_130 = vector.broadcast %add3A_129 : f32 to vector<16x64xf32>
    %add3A_131 = arith.addf %sub3A_128, %add3A_130 : vector<16x64xf32>
    %div3A_132 = arith.divf %mul3A_123, %add3A_131 : vector<16x64xf32>
    %add3A_133 = arith.constant 2 : i32
    %add3A_134 = vector.broadcast %add3A_133 : i32 to vector<16x64xi32>
    %add3A_135 = arith.addi %add3A_77, %add3A_134 : vector<16x64xi32>
    %gt3A_136 = arith.cmpf ogt, %div3A_132, %select_n3A_115 : vector<16x64xf32>
    %select_n3A_137 = arith.select %gt3A_136, %div3A_132, %select_n3A_115 : vector<16x64xi1>, vector<16x64xf32>
    %select_n3A_138 = arith.select %gt3A_136, %add3A_135, %select_n3A_116 : vector<16x64xi1>, vector<16x64xi32>
    %mul3A_139 = arith.constant 3.800000e+01 : f32
    %mul3A_140 = vector.broadcast %mul3A_139 : f32 to vector<16x64xf32>
    %mul3A_141 = arith.mulf %get3A_51, %mul3A_140 : vector<16x64xf32>
    %mul3A_142 = arith.constant 3.800000e+01 : f32
    %mul3A_143 = vector.broadcast %mul3A_142 : f32 to vector<16x64xf32>
    %mul3A_144 = arith.mulf %get3A_56, %mul3A_143 : vector<16x64xf32>
    %mul3A_145 = arith.constant 3.800000e+01 : f32
    %mul3A_146 = vector.broadcast %mul3A_145 : f32 to vector<16x64xf32>
    %mul3A_147 = arith.mulf %get3A_41, %mul3A_146 : vector<16x64xf32>
    %floor3A_148 = math.floor %mul3A_147 : vector<16x64xf32>
    %convert_element_type3A_149 = arith.fptosi %floor3A_148 : vector<16x64xf32> to vector<16x64xi32>
    %mul3A_150 = arith.constant 3.800000e+01 : f32
    %mul3A_151 = vector.broadcast %mul3A_150 : f32 to vector<16x64xf32>
    %mul3A_152 = arith.mulf %get3A_46, %mul3A_151 : vector<16x64xf32>
    %floor3A_153 = math.floor %mul3A_152 : vector<16x64xf32>
    %convert_element_type3A_154 = arith.fptosi %floor3A_153 : vector<16x64xf32> to vector<16x64xi32>
    %mul3A_155 = arith.muli %convert_element_type3A_149, %convert_element_type3A_154 : vector<16x64xi32>
    %mul3A_156 = arith.constant 3 : i32
    %mul3A_157 = vector.broadcast %mul3A_156 : i32 to vector<16x64xi32>
    %mul3A_158 = arith.muli %mul3A_157, %mul3A_155 : vector<16x64xi32>
    %add3A_159 = arith.constant 1083 : i32
    %add3A_160 = vector.broadcast %add3A_159 : i32 to vector<16x64xi32>
    %add3A_161 = arith.addi %add3A_160, %mul3A_158 : vector<16x64xi32>
    %min3A_162 = arith.constant 1.875000e+00 : f32
    %min3A_163 = vector.broadcast %min3A_162 : f32 to vector<16x64xf32>
    %min3A_164 = arith.minimumf %mul3A_141, %min3A_163 : vector<16x64xf32>
    %min3A_165 = arith.constant 3.812500e+00 : f32
    %min3A_166 = vector.broadcast %min3A_165 : f32 to vector<16x64xf32>
    %min3A_167 = arith.minimumf %mul3A_144, %min3A_166 : vector<16x64xf32>
    %mul3A_168 = arith.mulf %min3A_164, %min3A_167 : vector<16x64xf32>
    %mul3A_169 = arith.mulf %mul3A_141, %mul3A_144 : vector<16x64xf32>
    %add3A_170 = arith.constant 7.1484375 : f32
    %add3A_171 = vector.broadcast %add3A_170 : f32 to vector<16x64xf32>
    %add3A_172 = arith.addf %mul3A_169, %add3A_171 : vector<16x64xf32>
    %sub3A_173 = arith.subf %add3A_172, %mul3A_168 : vector<16x64xf32>
    %add3A_174 = arith.constant 1.000000e-16 : f32
    %add3A_175 = vector.broadcast %add3A_174 : f32 to vector<16x64xf32>
    %add3A_176 = arith.addf %sub3A_173, %add3A_175 : vector<16x64xf32>
    %div3A_177 = arith.divf %mul3A_168, %add3A_176 : vector<16x64xf32>
    %add3A_178 = arith.constant 0 : i32
    %add3A_179 = vector.broadcast %add3A_178 : i32 to vector<16x64xi32>
    %add3A_180 = arith.addi %add3A_161, %add3A_179 : vector<16x64xi32>
    %gt3A_181 = arith.cmpf ogt, %div3A_177, %select_n3A_137 : vector<16x64xf32>
    %select_n3A_182 = arith.select %gt3A_181, %div3A_177, %select_n3A_137 : vector<16x64xi1>, vector<16x64xf32>
    %select_n3A_183 = arith.select %gt3A_181, %add3A_180, %select_n3A_138 : vector<16x64xi1>, vector<16x64xi32>
    %min3A_184 = arith.constant 3.875000e+00 : f32
    %min3A_185 = vector.broadcast %min3A_184 : f32 to vector<16x64xf32>
    %min3A_186 = arith.minimumf %mul3A_141, %min3A_185 : vector<16x64xf32>
    %min3A_187 = arith.constant 2.812500e+00 : f32
    %min3A_188 = vector.broadcast %min3A_187 : f32 to vector<16x64xf32>
    %min3A_189 = arith.minimumf %mul3A_144, %min3A_188 : vector<16x64xf32>
    %mul3A_190 = arith.mulf %min3A_186, %min3A_189 : vector<16x64xf32>
    %mul3A_191 = arith.mulf %mul3A_141, %mul3A_144 : vector<16x64xf32>
    %add3A_192 = arith.constant 10.8984375 : f32
    %add3A_193 = vector.broadcast %add3A_192 : f32 to vector<16x64xf32>
    %add3A_194 = arith.addf %mul3A_191, %add3A_193 : vector<16x64xf32>
    %sub3A_195 = arith.subf %add3A_194, %mul3A_190 : vector<16x64xf32>
    %add3A_196 = arith.constant 1.000000e-16 : f32
    %add3A_197 = vector.broadcast %add3A_196 : f32 to vector<16x64xf32>
    %add3A_198 = arith.addf %sub3A_195, %add3A_197 : vector<16x64xf32>
    %div3A_199 = arith.divf %mul3A_190, %add3A_198 : vector<16x64xf32>
    %add3A_200 = arith.constant 1 : i32
    %add3A_201 = vector.broadcast %add3A_200 : i32 to vector<16x64xi32>
    %add3A_202 = arith.addi %add3A_161, %add3A_201 : vector<16x64xi32>
    %gt3A_203 = arith.cmpf ogt, %div3A_199, %select_n3A_182 : vector<16x64xf32>
    %select_n3A_204 = arith.select %gt3A_203, %div3A_199, %select_n3A_182 : vector<16x64xi1>, vector<16x64xf32>
    %select_n3A_205 = arith.select %gt3A_203, %add3A_202, %select_n3A_183 : vector<16x64xi1>, vector<16x64xi32>
    %min3A_206 = arith.constant 3.687500e+00 : f32
    %min3A_207 = vector.broadcast %min3A_206 : f32 to vector<16x64xf32>
    %min3A_208 = arith.minimumf %mul3A_141, %min3A_207 : vector<16x64xf32>
    %min3A_209 = arith.constant 7.437500e+00 : f32
    %min3A_210 = vector.broadcast %min3A_209 : f32 to vector<16x64xf32>
    %min3A_211 = arith.minimumf %mul3A_144, %min3A_210 : vector<16x64xf32>
    %mul3A_212 = arith.mulf %min3A_208, %min3A_211 : vector<16x64xf32>
    %mul3A_213 = arith.mulf %mul3A_141, %mul3A_144 : vector<16x64xf32>
    %add3A_214 = arith.constant 27.4257813 : f32
    %add3A_215 = vector.broadcast %add3A_214 : f32 to vector<16x64xf32>
    %add3A_216 = arith.addf %mul3A_213, %add3A_215 : vector<16x64xf32>
    %sub3A_217 = arith.subf %add3A_216, %mul3A_212 : vector<16x64xf32>
    %add3A_218 = arith.constant 1.000000e-16 : f32
    %add3A_219 = vector.broadcast %add3A_218 : f32 to vector<16x64xf32>
    %add3A_220 = arith.addf %sub3A_217, %add3A_219 : vector<16x64xf32>
    %div3A_221 = arith.divf %mul3A_212, %add3A_220 : vector<16x64xf32>
    %add3A_222 = arith.constant 2 : i32
    %add3A_223 = vector.broadcast %add3A_222 : i32 to vector<16x64xi32>
    %add3A_224 = arith.addi %add3A_161, %add3A_223 : vector<16x64xi32>
    %gt3A_225 = arith.cmpf ogt, %div3A_221, %select_n3A_204 : vector<16x64xf32>
    %select_n3A_226 = arith.select %gt3A_225, %div3A_221, %select_n3A_204 : vector<16x64xi1>, vector<16x64xf32>
    %select_n3A_227 = arith.select %gt3A_225, %add3A_224, %select_n3A_205 : vector<16x64xi1>, vector<16x64xi32>
    %mul3A_228 = arith.constant 7.600000e+01 : f32
    %mul3A_229 = vector.broadcast %mul3A_228 : f32 to vector<16x64xf32>
    %mul3A_230 = arith.mulf %get3A_51, %mul3A_229 : vector<16x64xf32>
    %mul3A_231 = arith.constant 7.600000e+01 : f32
    %mul3A_232 = vector.broadcast %mul3A_231 : f32 to vector<16x64xf32>
    %mul3A_233 = arith.mulf %get3A_56, %mul3A_232 : vector<16x64xf32>
    %mul3A_234 = arith.constant 7.600000e+01 : f32
    %mul3A_235 = vector.broadcast %mul3A_234 : f32 to vector<16x64xf32>
    %mul3A_236 = arith.mulf %get3A_41, %mul3A_235 : vector<16x64xf32>
    %floor3A_237 = math.floor %mul3A_236 : vector<16x64xf32>
    %convert_element_type3A_238 = arith.fptosi %floor3A_237 : vector<16x64xf32> to vector<16x64xi32>
    %mul3A_239 = arith.constant 7.600000e+01 : f32
    %mul3A_240 = vector.broadcast %mul3A_239 : f32 to vector<16x64xf32>
    %mul3A_241 = arith.mulf %get3A_46, %mul3A_240 : vector<16x64xf32>
    %floor3A_242 = math.floor %mul3A_241 : vector<16x64xf32>
    %convert_element_type3A_243 = arith.fptosi %floor3A_242 : vector<16x64xf32> to vector<16x64xi32>
    %mul3A_244 = arith.muli %convert_element_type3A_238, %convert_element_type3A_243 : vector<16x64xi32>
    %mul3A_245 = arith.constant 3 : i32
    %mul3A_246 = vector.broadcast %mul3A_245 : i32 to vector<16x64xi32>
    %mul3A_247 = arith.muli %mul3A_246, %mul3A_244 : vector<16x64xi32>
    %add3A_248 = arith.constant 5415 : i32
    %add3A_249 = vector.broadcast %add3A_248 : i32 to vector<16x64xi32>
    %add3A_250 = arith.addi %add3A_249, %mul3A_247 : vector<16x64xi32>
    %min3A_251 = arith.constant 1.250000e+00 : f32
    %min3A_252 = vector.broadcast %min3A_251 : f32 to vector<16x64xf32>
    %min3A_253 = arith.minimumf %mul3A_230, %min3A_252 : vector<16x64xf32>
    %min3A_254 = arith.constant 1.625000e+00 : f32
    %min3A_255 = vector.broadcast %min3A_254 : f32 to vector<16x64xf32>
    %min3A_256 = arith.minimumf %mul3A_233, %min3A_255 : vector<16x64xf32>
    %mul3A_257 = arith.mulf %min3A_253, %min3A_256 : vector<16x64xf32>
    %mul3A_258 = arith.mulf %mul3A_230, %mul3A_233 : vector<16x64xf32>
    %add3A_259 = arith.constant 2.031250e+00 : f32
    %add3A_260 = vector.broadcast %add3A_259 : f32 to vector<16x64xf32>
    %add3A_261 = arith.addf %mul3A_258, %add3A_260 : vector<16x64xf32>
    %sub3A_262 = arith.subf %add3A_261, %mul3A_257 : vector<16x64xf32>
    %add3A_263 = arith.constant 1.000000e-16 : f32
    %add3A_264 = vector.broadcast %add3A_263 : f32 to vector<16x64xf32>
    %add3A_265 = arith.addf %sub3A_262, %add3A_264 : vector<16x64xf32>
    %div3A_266 = arith.divf %mul3A_257, %add3A_265 : vector<16x64xf32>
    %add3A_267 = arith.constant 0 : i32
    %add3A_268 = vector.broadcast %add3A_267 : i32 to vector<16x64xi32>
    %add3A_269 = arith.addi %add3A_250, %add3A_268 : vector<16x64xi32>
    %gt3A_270 = arith.cmpf ogt, %div3A_266, %select_n3A_226 : vector<16x64xf32>
    %select_n3A_271 = arith.select %gt3A_270, %div3A_266, %select_n3A_226 : vector<16x64xi1>, vector<16x64xf32>
    %select_n3A_272 = arith.select %gt3A_270, %add3A_269, %select_n3A_227 : vector<16x64xi1>, vector<16x64xi32>
    %min3A_273 = arith.constant 2.000000e+00 : f32
    %min3A_274 = vector.broadcast %min3A_273 : f32 to vector<16x64xf32>
    %min3A_275 = arith.minimumf %mul3A_230, %min3A_274 : vector<16x64xf32>
    %min3A_276 = arith.constant 2.875000e+00 : f32
    %min3A_277 = vector.broadcast %min3A_276 : f32 to vector<16x64xf32>
    %min3A_278 = arith.minimumf %mul3A_233, %min3A_277 : vector<16x64xf32>
    %mul3A_279 = arith.mulf %min3A_275, %min3A_278 : vector<16x64xf32>
    %mul3A_280 = arith.mulf %mul3A_230, %mul3A_233 : vector<16x64xf32>
    %add3A_281 = arith.constant 5.750000e+00 : f32
    %add3A_282 = vector.broadcast %add3A_281 : f32 to vector<16x64xf32>
    %add3A_283 = arith.addf %mul3A_280, %add3A_282 : vector<16x64xf32>
    %sub3A_284 = arith.subf %add3A_283, %mul3A_279 : vector<16x64xf32>
    %add3A_285 = arith.constant 1.000000e-16 : f32
    %add3A_286 = vector.broadcast %add3A_285 : f32 to vector<16x64xf32>
    %add3A_287 = arith.addf %sub3A_284, %add3A_286 : vector<16x64xf32>
    %div3A_288 = arith.divf %mul3A_279, %add3A_287 : vector<16x64xf32>
    %add3A_289 = arith.constant 1 : i32
    %add3A_290 = vector.broadcast %add3A_289 : i32 to vector<16x64xi32>
    %add3A_291 = arith.addi %add3A_250, %add3A_290 : vector<16x64xi32>
    %gt3A_292 = arith.cmpf ogt, %div3A_288, %select_n3A_271 : vector<16x64xf32>
    %select_n3A_293 = arith.select %gt3A_292, %div3A_288, %select_n3A_271 : vector<16x64xi1>, vector<16x64xf32>
    %select_n3A_294 = arith.select %gt3A_292, %add3A_291, %select_n3A_272 : vector<16x64xi1>, vector<16x64xi32>
    %min3A_295 = arith.constant 4.125000e+00 : f32
    %min3A_296 = vector.broadcast %min3A_295 : f32 to vector<16x64xf32>
    %min3A_297 = arith.minimumf %mul3A_230, %min3A_296 : vector<16x64xf32>
    %min3A_298 = arith.constant 2.875000e+00 : f32
    %min3A_299 = vector.broadcast %min3A_298 : f32 to vector<16x64xf32>
    %min3A_300 = arith.minimumf %mul3A_233, %min3A_299 : vector<16x64xf32>
    %mul3A_301 = arith.mulf %min3A_297, %min3A_300 : vector<16x64xf32>
    %mul3A_302 = arith.mulf %mul3A_230, %mul3A_233 : vector<16x64xf32>
    %add3A_303 = arith.constant 11.859375 : f32
    %add3A_304 = vector.broadcast %add3A_303 : f32 to vector<16x64xf32>
    %add3A_305 = arith.addf %mul3A_302, %add3A_304 : vector<16x64xf32>
    %sub3A_306 = arith.subf %add3A_305, %mul3A_301 : vector<16x64xf32>
    %add3A_307 = arith.constant 1.000000e-16 : f32
    %add3A_308 = vector.broadcast %add3A_307 : f32 to vector<16x64xf32>
    %add3A_309 = arith.addf %sub3A_306, %add3A_308 : vector<16x64xf32>
    %div3A_310 = arith.divf %mul3A_301, %add3A_309 : vector<16x64xf32>
    %add3A_311 = arith.constant 2 : i32
    %add3A_312 = vector.broadcast %add3A_311 : i32 to vector<16x64xi32>
    %add3A_313 = arith.addi %add3A_250, %add3A_312 : vector<16x64xi32>
    %gt3A_314 = arith.cmpf ogt, %div3A_310, %select_n3A_293 : vector<16x64xf32>
    %select_n3A_315 = arith.select %gt3A_314, %add3A_313, %select_n3A_294 : vector<16x64xi1>, vector<16x64xi32>
    %iota3A_316 = tpu.iota {dimensions = array<i32: 1>} : vector<16x1024x85xi32>
    %mul3A_317 = arith.constant 1024 : i32
    %mul3A_318 = arith.muli %arg0, %mul3A_317 : i32
    %add3A_319 = vector.broadcast %mul3A_318 : i32 to vector<16x1024x85xi32>
    %add3A_320 = arith.addi %iota3A_316, %add3A_319 : vector<16x1024x85xi32>
    %lt3A_321 = arith.constant 22743 : i32
    %lt3A_322 = vector.broadcast %lt3A_321 : i32 to vector<16x1024x85xi32>
    %lt3A_323 = arith.cmpi slt, %add3A_320, %lt3A_322 : vector<16x1024x85xi32>
    %jit3A_324 = arith.constant 0.000000e+00 : f32
    %broadcast_in_dim3A_325 = vector.broadcast %jit3A_324 : f32 to vector<16x1024x85xf32>
    %select_n3A_326 = arith.select %lt3A_323, %get3A_2, %broadcast_in_dim3A_325 : vector<16x1024x85xi1>, vector<16x1024x85xf32>
    %eq3A_327 = arith.constant 0 : i32
    %eq3A_328 = arith.cmpi eq, %arg0, %eq3A_327 : i32
    %convert_element_type3A_329 = arith.extui %eq3A_328 : i1 to i32
    %cond3A = arith.constant 0 : i32
    %cond3A_330 = arith.cmpi ne, %convert_element_type3A_329, %cond3A : i32
    scf.if %cond3A_330 {
      %broadcast_in_dim3A_358 = arith.constant 0.000000e+00 : f32
      %broadcast_in_dim3A_359 = vector.broadcast %broadcast_in_dim3A_358 : f32 to vector<16x64x85xf32>
      %swap3A_360 = arith.constant 0 : index
      %swap3A_361 = arith.constant 0 : index
      %swap3A_362 = arith.constant 0 : index
      %swap3A_363 = vector.load %arg4[%swap3A_360, %swap3A_361, %swap3A_362] : memref<16x64x85xf32, #tpu.memory_space<vmem>>, vector<16x64x85xf32>
      tpu.vector_store %arg4[%swap3A_360, %swap3A_361, %swap3A_362], %broadcast_in_dim3A_359 {strides = array<i32>} : memref<16x64x85xf32, #tpu.memory_space<vmem>>, vector<16x64x85xf32>,
      %broadcast_in_dim3A_364 = arith.constant 0.000000e+00 : f32
      %broadcast_in_dim3A_365 = vector.broadcast %broadcast_in_dim3A_364 : f32 to vector<8x128xf32>
      %swap3A_366 = arith.constant 0 : index
      %swap3A_367 = arith.constant 0 : index
      %swap3A_368 = vector.load %arg5[%swap3A_366, %swap3A_367] : memref<8x128xf32, #tpu.memory_space<vmem>>, vector<8x128xf32>
      tpu.vector_store %arg5[%swap3A_366, %swap3A_367], %broadcast_in_dim3A_365 {strides = array<i32>} : memref<8x128xf32, #tpu.memory_space<vmem>>, vector<8x128xf32>,
    } else {
    }
    %get3A_331 = arith.constant 0 : index
    %get3A_332 = arith.constant 0 : index
    %get3A_333 = vector.load %arg5[%get3A_331, %get3A_332] : memref<8x128xf32, #tpu.memory_space<vmem>>, vector<8x128xf32>
    %add3A_334 = arith.addf %get3A_333, %mul3A_36 : vector<8x128xf32>
    %swap3A_335 = arith.constant 0 : index
    %swap3A_336 = arith.constant 0 : index
    %swap3A_337 = vector.load %arg5[%swap3A_335, %swap3A_336] : memref<8x128xf32, #tpu.memory_space<vmem>>, vector<8x128xf32>
    tpu.vector_store %arg5[%swap3A_335, %swap3A_336], %add3A_334 {strides = array<i32>} : memref<8x128xf32, #tpu.memory_space<vmem>>, vector<8x128xf32>,
    %iota3A_338 = tpu.iota {dimensions = array<i32: 2>} : vector<16x64x1024xi32>
    %mul3A_339 = arith.constant 1024 : i32
    %mul3A_340 = arith.muli %arg0, %mul3A_339 : i32
    %add3A_341 = vector.broadcast %mul3A_340 : i32 to vector<16x64x1024xi32>
    %add3A_342 = arith.addi %iota3A_338, %add3A_341 : vector<16x64x1024xi32>
    %broadcast_in_dim3A_343 = vector.shape_cast %select_n3A_315 : vector<16x64xi32> to vector<16x64x1xi32>
    %eq3A_344 = vector.broadcast %broadcast_in_dim3A_343 : vector<16x64x1xi32> to vector<16x64x1024xi32>
    %eq3A_345 = arith.cmpi eq, %add3A_342, %eq3A_344 : vector<16x64x1024xi32>
    %convert_element_type3A_346 = arith.extui %eq3A_345 : vector<16x64x1024xi1> to vector<16x64x1024xi32>
    %convert_element_type3A_347 = arith.sitofp %convert_element_type3A_346 : vector<16x64x1024xi32> to vector<16x64x1024xf32>
    %get3A_348 = arith.constant 0 : index
    %get3A_349 = arith.constant 0 : index
    %get3A_350 = arith.constant 0 : index
    %get3A_351 = vector.load %arg4[%get3A_348, %get3A_349, %get3A_350] : memref<16x64x85xf32, #tpu.memory_space<vmem>>, vector<16x64x85xf32>
    %dot_general3A = arith.constant dense<0.000000e+00> : vector<16x64x85xf32>
    %dot_general3A_352 = tpu.matmul %convert_element_type3A_347, %select_n3A_326, %dot_general3A {dimension_numbers = #tpu.dot_dimension_numbers<[2], [1], [1], [2], [0, 0, 0, 1, 1, 2], [0], [0]>, transpose_lhs_hint = false} : vector<16x64x1024xf32>, vector<16x1024x85xf32>, vector<16x64x85xf32> -> vector<16x64x85xf32>
    %add3A_353 = arith.addf %get3A_351, %dot_general3A_352 : vector<16x64x85xf32>
    %swap3A_354 = arith.constant 0 : index
    %swap3A_355 = arith.constant 0 : index
    %swap3A_356 = arith.constant 0 : index
    %swap3A_357 = vector.load %arg4[%swap3A_354, %swap3A_355, %swap3A_356] : memref<16x64x85xf32, #tpu.memory_space<vmem>>, vector<16x64x85xf32>
    tpu.vector_store %arg4[%swap3A_354, %swap3A_355, %swap3A_356], %add3A_353 {strides = array<i32>} : memref<16x64x85xf32, #tpu.memory_space<vmem>>, vector<16x64x85xf32>,
    return
  }
  func.func @transform_0(%arg0: i32) -> (i32, i32, i32) {
    %c0_i32 = arith.constant 0 : i32
    %c0_i32_0 = arith.constant 0 : i32
    %c0_i32_1 = arith.constant 0 : i32
    %c0_i32_2 = arith.constant 0 : i32
    return %c0_i32, %c0_i32_0, %c0_i32_1 : i32, i32, i32
  }
  func.func @transform_1(%arg0: i32) -> (i32, i32, i32) {
    %c0_i32 = arith.constant 0 : i32
    %c0_i32_0 = arith.constant 0 : i32
    %c0_i32_1 = arith.constant 0 : i32
    return %c0_i32, %arg0, %c0_i32_0 : i32, i32, i32
  }
  func.func @transform_2(%arg0: i32) -> (i32, i32, i32) {
    %c0_i32 = arith.constant 0 : i32
    %c0_i32_0 = arith.constant 0 : i32
    %c0_i32_1 = arith.constant 0 : i32
    return %c0_i32, %arg0, %c0_i32_0 : i32, i32, i32
  }
  func.func @transform_3(%arg0: i32) -> (i32, i32, i32) {
    %c0_i32 = arith.constant 0 : i32
    %c0_i32_0 = arith.constant 0 : i32
    %c0_i32_1 = arith.constant 0 : i32
    %c0_i32_2 = arith.constant 0 : i32
    return %c0_i32, %c0_i32_0, %c0_i32_1 : i32, i32, i32
  }
  func.func @transform_4(%arg0: i32) -> (i32, i32) {
    %c0_i32 = arith.constant 0 : i32
    %c0_i32_0 = arith.constant 0 : i32
    %c0_i32_1 = arith.constant 0 : i32
    return %c0_i32, %c0_i32_0 : i32, i32
  }
}

module attributes {stable_mosaic.version = 14 : i64} {
  func.func @_reduce_kernel(%arg0: memref<5x16x64xf32, #tpu.memory_space<vmem>>, %arg1: memref<16x64x85xf32, #tpu.memory_space<vmem>>, %arg2: memref<16x640xf32, #tpu.memory_space<vmem>>, %arg3: memref<8x128xf32, #tpu.memory_space<vmem>>, %arg4: memref<8x128xf32, #tpu.memory_space<vmem>>) attributes {dimension_semantics = [], scalar_prefetch = 0 : i64, scratch_operands = 0 : i64, tpu.core_type = #tpu.core_type<tc>} {
    %get3A = arith.constant 0 : index
    %get3A_0 = arith.constant 0 : index
    %get3A_1 = arith.constant 0 : index
    %get3A_2 = vector.load %arg0[%get3A, %get3A_0, %get3A_1] : memref<5x16x64xf32, #tpu.memory_space<vmem>>, vector<1x16x64xf32>
    %get3A_3 = vector.shape_cast %get3A_2 : vector<1x16x64xf32> to vector<16x64xf32>
    %get3A_4 = arith.constant 1 : index
    %get3A_5 = arith.constant 0 : index
    %get3A_6 = arith.constant 0 : index
    %get3A_7 = vector.load %arg0[%get3A_4, %get3A_5, %get3A_6] : memref<5x16x64xf32, #tpu.memory_space<vmem>>, vector<1x16x64xf32>
    %get3A_8 = vector.shape_cast %get3A_7 : vector<1x16x64xf32> to vector<16x64xf32>
    %get3A_9 = arith.constant 2 : index
    %get3A_10 = arith.constant 0 : index
    %get3A_11 = arith.constant 0 : index
    %get3A_12 = vector.load %arg0[%get3A_9, %get3A_10, %get3A_11] : memref<5x16x64xf32, #tpu.memory_space<vmem>>, vector<1x16x64xf32>
    %get3A_13 = vector.shape_cast %get3A_12 : vector<1x16x64xf32> to vector<16x64xf32>
    %get3A_14 = arith.constant 3 : index
    %get3A_15 = arith.constant 0 : index
    %get3A_16 = arith.constant 0 : index
    %get3A_17 = vector.load %arg0[%get3A_14, %get3A_15, %get3A_16] : memref<5x16x64xf32, #tpu.memory_space<vmem>>, vector<1x16x64xf32>
    %get3A_18 = vector.shape_cast %get3A_17 : vector<1x16x64xf32> to vector<16x64xf32>
    %get3A_19 = arith.constant 4 : index
    %get3A_20 = arith.constant 0 : index
    %get3A_21 = arith.constant 0 : index
    %get3A_22 = vector.load %arg0[%get3A_19, %get3A_20, %get3A_21] : memref<5x16x64xf32, #tpu.memory_space<vmem>>, vector<1x16x64xf32>
    %get3A_23 = vector.shape_cast %get3A_22 : vector<1x16x64xf32> to vector<16x64xf32>
    %add3A = arith.addf %get3A_3, %get3A_8 : vector<16x64xf32>
    %add3A_24 = arith.addf %add3A, %get3A_13 : vector<16x64xf32>
    %add3A_25 = arith.addf %add3A_24, %get3A_18 : vector<16x64xf32>
    %add3A_26 = arith.addf %add3A_25, %get3A_23 : vector<16x64xf32>
    %ne3A = arith.constant 0.000000e+00 : f32
    %ne3A_27 = vector.broadcast %ne3A : f32 to vector<16x64xf32>
    %ne3A_28 = arith.cmpf one, %add3A_26, %ne3A_27 : vector<16x64xf32>
    %mul3A = arith.constant 1.900000e+01 : f32
    %mul3A_29 = vector.broadcast %mul3A : f32 to vector<16x64xf32>
    %mul3A_30 = arith.mulf %get3A_18, %mul3A_29 : vector<16x64xf32>
    %mul3A_31 = arith.constant 1.900000e+01 : f32
    %mul3A_32 = vector.broadcast %mul3A_31 : f32 to vector<16x64xf32>
    %mul3A_33 = arith.mulf %get3A_23, %mul3A_32 : vector<16x64xf32>
    %mul3A_34 = arith.constant 1.900000e+01 : f32
    %mul3A_35 = vector.broadcast %mul3A_34 : f32 to vector<16x64xf32>
    %mul3A_36 = arith.mulf %get3A_8, %mul3A_35 : vector<16x64xf32>
    %floor3A = math.floor %mul3A_36 : vector<16x64xf32>
    %convert_element_type3A = arith.fptosi %floor3A : vector<16x64xf32> to vector<16x64xi32>
    %mul3A_37 = arith.constant 1.900000e+01 : f32
    %mul3A_38 = vector.broadcast %mul3A_37 : f32 to vector<16x64xf32>
    %mul3A_39 = arith.mulf %get3A_13, %mul3A_38 : vector<16x64xf32>
    %floor3A_40 = math.floor %mul3A_39 : vector<16x64xf32>
    %convert_element_type3A_41 = arith.fptosi %floor3A_40 : vector<16x64xf32> to vector<16x64xi32>
    %mul3A_42 = arith.muli %convert_element_type3A, %convert_element_type3A_41 : vector<16x64xi32>
    %mul3A_43 = arith.constant 3 : i32
    %mul3A_44 = vector.broadcast %mul3A_43 : i32 to vector<16x64xi32>
    %mul3A_45 = arith.muli %mul3A_44, %mul3A_42 : vector<16x64xi32>
    %add3A_46 = arith.constant 0 : i32
    %add3A_47 = vector.broadcast %add3A_46 : i32 to vector<16x64xi32>
    %add3A_48 = arith.addi %add3A_47, %mul3A_45 : vector<16x64xi32>
    %min3A = arith.constant 3.625000e+00 : f32
    %min3A_49 = vector.broadcast %min3A : f32 to vector<16x64xf32>
    %min3A_50 = arith.minimumf %mul3A_30, %min3A_49 : vector<16x64xf32>
    %min3A_51 = arith.constant 2.812500e+00 : f32
    %min3A_52 = vector.broadcast %min3A_51 : f32 to vector<16x64xf32>
    %min3A_53 = arith.minimumf %mul3A_33, %min3A_52 : vector<16x64xf32>
    %mul3A_54 = arith.mulf %min3A_50, %min3A_53 : vector<16x64xf32>
    %mul3A_55 = arith.mulf %mul3A_30, %mul3A_33 : vector<16x64xf32>
    %add3A_56 = arith.constant 10.1953125 : f32
    %add3A_57 = vector.broadcast %add3A_56 : f32 to vector<16x64xf32>
    %add3A_58 = arith.addf %mul3A_55, %add3A_57 : vector<16x64xf32>
    %sub3A = arith.subf %add3A_58, %mul3A_54 : vector<16x64xf32>
    %add3A_59 = arith.constant 1.000000e-16 : f32
    %add3A_60 = vector.broadcast %add3A_59 : f32 to vector<16x64xf32>
    %add3A_61 = arith.addf %sub3A, %add3A_60 : vector<16x64xf32>
    %div3A = arith.divf %mul3A_54, %add3A_61 : vector<16x64xf32>
    %add3A_62 = arith.constant 0 : i32
    %add3A_63 = vector.broadcast %add3A_62 : i32 to vector<16x64xi32>
    %add3A_64 = arith.addi %add3A_48, %add3A_63 : vector<16x64xi32>
    %min3A_65 = arith.constant 4.875000e+00 : f32
    %min3A_66 = vector.broadcast %min3A_65 : f32 to vector<16x64xf32>
    %min3A_67 = arith.minimumf %mul3A_30, %min3A_66 : vector<16x64xf32>
    %min3A_68 = arith.constant 6.187500e+00 : f32
    %min3A_69 = vector.broadcast %min3A_68 : f32 to vector<16x64xf32>
    %min3A_70 = arith.minimumf %mul3A_33, %min3A_69 : vector<16x64xf32>
    %mul3A_71 = arith.mulf %min3A_67, %min3A_70 : vector<16x64xf32>
    %mul3A_72 = arith.mulf %mul3A_30, %mul3A_33 : vector<16x64xf32>
    %add3A_73 = arith.constant 30.1640625 : f32
    %add3A_74 = vector.broadcast %add3A_73 : f32 to vector<16x64xf32>
    %add3A_75 = arith.addf %mul3A_72, %add3A_74 : vector<16x64xf32>
    %sub3A_76 = arith.subf %add3A_75, %mul3A_71 : vector<16x64xf32>
    %add3A_77 = arith.constant 1.000000e-16 : f32
    %add3A_78 = vector.broadcast %add3A_77 : f32 to vector<16x64xf32>
    %add3A_79 = arith.addf %sub3A_76, %add3A_78 : vector<16x64xf32>
    %div3A_80 = arith.divf %mul3A_71, %add3A_79 : vector<16x64xf32>
    %add3A_81 = arith.constant 1 : i32
    %add3A_82 = vector.broadcast %add3A_81 : i32 to vector<16x64xi32>
    %add3A_83 = arith.addi %add3A_48, %add3A_82 : vector<16x64xi32>
    %gt3A = arith.cmpf ogt, %div3A_80, %div3A : vector<16x64xf32>
    %select_n3A = arith.select %gt3A, %div3A_80, %div3A : vector<16x64xi1>, vector<16x64xf32>
    %select_n3A_84 = arith.select %gt3A, %add3A_83, %add3A_64 : vector<16x64xi1>, vector<16x64xi32>
    %min3A_85 = arith.constant 11.65625 : f32
    %min3A_86 = vector.broadcast %min3A_85 : f32 to vector<16x64xf32>
    %min3A_87 = arith.minimumf %mul3A_30, %min3A_86 : vector<16x64xf32>
    %min3A_88 = arith.constant 1.018750e+01 : f32
    %min3A_89 = vector.broadcast %min3A_88 : f32 to vector<16x64xf32>
    %min3A_90 = arith.minimumf %mul3A_33, %min3A_89 : vector<16x64xf32>
    %mul3A_91 = arith.mulf %min3A_87, %min3A_90 : vector<16x64xf32>
    %mul3A_92 = arith.mulf %mul3A_30, %mul3A_33 : vector<16x64xf32>
    %add3A_93 = arith.constant 118.748047 : f32
    %add3A_94 = vector.broadcast %add3A_93 : f32 to vector<16x64xf32>
    %add3A_95 = arith.addf %mul3A_92, %add3A_94 : vector<16x64xf32>
    %sub3A_96 = arith.subf %add3A_95, %mul3A_91 : vector<16x64xf32>
    %add3A_97 = arith.constant 1.000000e-16 : f32
    %add3A_98 = vector.broadcast %add3A_97 : f32 to vector<16x64xf32>
    %add3A_99 = arith.addf %sub3A_96, %add3A_98 : vector<16x64xf32>
    %div3A_100 = arith.divf %mul3A_91, %add3A_99 : vector<16x64xf32>
    %add3A_101 = arith.constant 2 : i32
    %add3A_102 = vector.broadcast %add3A_101 : i32 to vector<16x64xi32>
    %add3A_103 = arith.addi %add3A_48, %add3A_102 : vector<16x64xi32>
    %gt3A_104 = arith.cmpf ogt, %div3A_100, %select_n3A : vector<16x64xf32>
    %select_n3A_105 = arith.select %gt3A_104, %div3A_100, %select_n3A : vector<16x64xi1>, vector<16x64xf32>
    %select_n3A_106 = arith.select %gt3A_104, %add3A_103, %select_n3A_84 : vector<16x64xi1>, vector<16x64xi32>
    %mul3A_107 = arith.constant 3.800000e+01 : f32
    %mul3A_108 = vector.broadcast %mul3A_107 : f32 to vector<16x64xf32>
    %mul3A_109 = arith.mulf %get3A_18, %mul3A_108 : vector<16x64xf32>
    %mul3A_110 = arith.constant 3.800000e+01 : f32
    %mul3A_111 = vector.broadcast %mul3A_110 : f32 to vector<16x64xf32>
    %mul3A_112 = arith.mulf %get3A_23, %mul3A_111 : vector<16x64xf32>
    %mul3A_113 = arith.constant 3.800000e+01 : f32
    %mul3A_114 = vector.broadcast %mul3A_113 : f32 to vector<16x64xf32>
    %mul3A_115 = arith.mulf %get3A_8, %mul3A_114 : vector<16x64xf32>
    %floor3A_116 = math.floor %mul3A_115 : vector<16x64xf32>
    %convert_element_type3A_117 = arith.fptosi %floor3A_116 : vector<16x64xf32> to vector<16x64xi32>
    %mul3A_118 = arith.constant 3.800000e+01 : f32
    %mul3A_119 = vector.broadcast %mul3A_118 : f32 to vector<16x64xf32>
    %mul3A_120 = arith.mulf %get3A_13, %mul3A_119 : vector<16x64xf32>
    %floor3A_121 = math.floor %mul3A_120 : vector<16x64xf32>
    %convert_element_type3A_122 = arith.fptosi %floor3A_121 : vector<16x64xf32> to vector<16x64xi32>
    %mul3A_123 = arith.muli %convert_element_type3A_117, %convert_element_type3A_122 : vector<16x64xi32>
    %mul3A_124 = arith.constant 3 : i32
    %mul3A_125 = vector.broadcast %mul3A_124 : i32 to vector<16x64xi32>
    %mul3A_126 = arith.muli %mul3A_125, %mul3A_123 : vector<16x64xi32>
    %add3A_127 = arith.constant 1083 : i32
    %add3A_128 = vector.broadcast %add3A_127 : i32 to vector<16x64xi32>
    %add3A_129 = arith.addi %add3A_128, %mul3A_126 : vector<16x64xi32>
    %min3A_130 = arith.constant 1.875000e+00 : f32
    %min3A_131 = vector.broadcast %min3A_130 : f32 to vector<16x64xf32>
    %min3A_132 = arith.minimumf %mul3A_109, %min3A_131 : vector<16x64xf32>
    %min3A_133 = arith.constant 3.812500e+00 : f32
    %min3A_134 = vector.broadcast %min3A_133 : f32 to vector<16x64xf32>
    %min3A_135 = arith.minimumf %mul3A_112, %min3A_134 : vector<16x64xf32>
    %mul3A_136 = arith.mulf %min3A_132, %min3A_135 : vector<16x64xf32>
    %mul3A_137 = arith.mulf %mul3A_109, %mul3A_112 : vector<16x64xf32>
    %add3A_138 = arith.constant 7.1484375 : f32
    %add3A_139 = vector.broadcast %add3A_138 : f32 to vector<16x64xf32>
    %add3A_140 = arith.addf %mul3A_137, %add3A_139 : vector<16x64xf32>
    %sub3A_141 = arith.subf %add3A_140, %mul3A_136 : vector<16x64xf32>
    %add3A_142 = arith.constant 1.000000e-16 : f32
    %add3A_143 = vector.broadcast %add3A_142 : f32 to vector<16x64xf32>
    %add3A_144 = arith.addf %sub3A_141, %add3A_143 : vector<16x64xf32>
    %div3A_145 = arith.divf %mul3A_136, %add3A_144 : vector<16x64xf32>
    %add3A_146 = arith.constant 0 : i32
    %add3A_147 = vector.broadcast %add3A_146 : i32 to vector<16x64xi32>
    %add3A_148 = arith.addi %add3A_129, %add3A_147 : vector<16x64xi32>
    %gt3A_149 = arith.cmpf ogt, %div3A_145, %select_n3A_105 : vector<16x64xf32>
    %select_n3A_150 = arith.select %gt3A_149, %div3A_145, %select_n3A_105 : vector<16x64xi1>, vector<16x64xf32>
    %select_n3A_151 = arith.select %gt3A_149, %add3A_148, %select_n3A_106 : vector<16x64xi1>, vector<16x64xi32>
    %min3A_152 = arith.constant 3.875000e+00 : f32
    %min3A_153 = vector.broadcast %min3A_152 : f32 to vector<16x64xf32>
    %min3A_154 = arith.minimumf %mul3A_109, %min3A_153 : vector<16x64xf32>
    %min3A_155 = arith.constant 2.812500e+00 : f32
    %min3A_156 = vector.broadcast %min3A_155 : f32 to vector<16x64xf32>
    %min3A_157 = arith.minimumf %mul3A_112, %min3A_156 : vector<16x64xf32>
    %mul3A_158 = arith.mulf %min3A_154, %min3A_157 : vector<16x64xf32>
    %mul3A_159 = arith.mulf %mul3A_109, %mul3A_112 : vector<16x64xf32>
    %add3A_160 = arith.constant 10.8984375 : f32
    %add3A_161 = vector.broadcast %add3A_160 : f32 to vector<16x64xf32>
    %add3A_162 = arith.addf %mul3A_159, %add3A_161 : vector<16x64xf32>
    %sub3A_163 = arith.subf %add3A_162, %mul3A_158 : vector<16x64xf32>
    %add3A_164 = arith.constant 1.000000e-16 : f32
    %add3A_165 = vector.broadcast %add3A_164 : f32 to vector<16x64xf32>
    %add3A_166 = arith.addf %sub3A_163, %add3A_165 : vector<16x64xf32>
    %div3A_167 = arith.divf %mul3A_158, %add3A_166 : vector<16x64xf32>
    %add3A_168 = arith.constant 1 : i32
    %add3A_169 = vector.broadcast %add3A_168 : i32 to vector<16x64xi32>
    %add3A_170 = arith.addi %add3A_129, %add3A_169 : vector<16x64xi32>
    %gt3A_171 = arith.cmpf ogt, %div3A_167, %select_n3A_150 : vector<16x64xf32>
    %select_n3A_172 = arith.select %gt3A_171, %div3A_167, %select_n3A_150 : vector<16x64xi1>, vector<16x64xf32>
    %select_n3A_173 = arith.select %gt3A_171, %add3A_170, %select_n3A_151 : vector<16x64xi1>, vector<16x64xi32>
    %min3A_174 = arith.constant 3.687500e+00 : f32
    %min3A_175 = vector.broadcast %min3A_174 : f32 to vector<16x64xf32>
    %min3A_176 = arith.minimumf %mul3A_109, %min3A_175 : vector<16x64xf32>
    %min3A_177 = arith.constant 7.437500e+00 : f32
    %min3A_178 = vector.broadcast %min3A_177 : f32 to vector<16x64xf32>
    %min3A_179 = arith.minimumf %mul3A_112, %min3A_178 : vector<16x64xf32>
    %mul3A_180 = arith.mulf %min3A_176, %min3A_179 : vector<16x64xf32>
    %mul3A_181 = arith.mulf %mul3A_109, %mul3A_112 : vector<16x64xf32>
    %add3A_182 = arith.constant 27.4257813 : f32
    %add3A_183 = vector.broadcast %add3A_182 : f32 to vector<16x64xf32>
    %add3A_184 = arith.addf %mul3A_181, %add3A_183 : vector<16x64xf32>
    %sub3A_185 = arith.subf %add3A_184, %mul3A_180 : vector<16x64xf32>
    %add3A_186 = arith.constant 1.000000e-16 : f32
    %add3A_187 = vector.broadcast %add3A_186 : f32 to vector<16x64xf32>
    %add3A_188 = arith.addf %sub3A_185, %add3A_187 : vector<16x64xf32>
    %div3A_189 = arith.divf %mul3A_180, %add3A_188 : vector<16x64xf32>
    %add3A_190 = arith.constant 2 : i32
    %add3A_191 = vector.broadcast %add3A_190 : i32 to vector<16x64xi32>
    %add3A_192 = arith.addi %add3A_129, %add3A_191 : vector<16x64xi32>
    %gt3A_193 = arith.cmpf ogt, %div3A_189, %select_n3A_172 : vector<16x64xf32>
    %select_n3A_194 = arith.select %gt3A_193, %div3A_189, %select_n3A_172 : vector<16x64xi1>, vector<16x64xf32>
    %select_n3A_195 = arith.select %gt3A_193, %add3A_192, %select_n3A_173 : vector<16x64xi1>, vector<16x64xi32>
    %mul3A_196 = arith.constant 7.600000e+01 : f32
    %mul3A_197 = vector.broadcast %mul3A_196 : f32 to vector<16x64xf32>
    %mul3A_198 = arith.mulf %get3A_18, %mul3A_197 : vector<16x64xf32>
    %mul3A_199 = arith.constant 7.600000e+01 : f32
    %mul3A_200 = vector.broadcast %mul3A_199 : f32 to vector<16x64xf32>
    %mul3A_201 = arith.mulf %get3A_23, %mul3A_200 : vector<16x64xf32>
    %mul3A_202 = arith.constant 7.600000e+01 : f32
    %mul3A_203 = vector.broadcast %mul3A_202 : f32 to vector<16x64xf32>
    %mul3A_204 = arith.mulf %get3A_8, %mul3A_203 : vector<16x64xf32>
    %floor3A_205 = math.floor %mul3A_204 : vector<16x64xf32>
    %convert_element_type3A_206 = arith.fptosi %floor3A_205 : vector<16x64xf32> to vector<16x64xi32>
    %mul3A_207 = arith.constant 7.600000e+01 : f32
    %mul3A_208 = vector.broadcast %mul3A_207 : f32 to vector<16x64xf32>
    %mul3A_209 = arith.mulf %get3A_13, %mul3A_208 : vector<16x64xf32>
    %floor3A_210 = math.floor %mul3A_209 : vector<16x64xf32>
    %convert_element_type3A_211 = arith.fptosi %floor3A_210 : vector<16x64xf32> to vector<16x64xi32>
    %mul3A_212 = arith.muli %convert_element_type3A_206, %convert_element_type3A_211 : vector<16x64xi32>
    %mul3A_213 = arith.constant 3 : i32
    %mul3A_214 = vector.broadcast %mul3A_213 : i32 to vector<16x64xi32>
    %mul3A_215 = arith.muli %mul3A_214, %mul3A_212 : vector<16x64xi32>
    %add3A_216 = arith.constant 5415 : i32
    %add3A_217 = vector.broadcast %add3A_216 : i32 to vector<16x64xi32>
    %add3A_218 = arith.addi %add3A_217, %mul3A_215 : vector<16x64xi32>
    %min3A_219 = arith.constant 1.250000e+00 : f32
    %min3A_220 = vector.broadcast %min3A_219 : f32 to vector<16x64xf32>
    %min3A_221 = arith.minimumf %mul3A_198, %min3A_220 : vector<16x64xf32>
    %min3A_222 = arith.constant 1.625000e+00 : f32
    %min3A_223 = vector.broadcast %min3A_222 : f32 to vector<16x64xf32>
    %min3A_224 = arith.minimumf %mul3A_201, %min3A_223 : vector<16x64xf32>
    %mul3A_225 = arith.mulf %min3A_221, %min3A_224 : vector<16x64xf32>
    %mul3A_226 = arith.mulf %mul3A_198, %mul3A_201 : vector<16x64xf32>
    %add3A_227 = arith.constant 2.031250e+00 : f32
    %add3A_228 = vector.broadcast %add3A_227 : f32 to vector<16x64xf32>
    %add3A_229 = arith.addf %mul3A_226, %add3A_228 : vector<16x64xf32>
    %sub3A_230 = arith.subf %add3A_229, %mul3A_225 : vector<16x64xf32>
    %add3A_231 = arith.constant 1.000000e-16 : f32
    %add3A_232 = vector.broadcast %add3A_231 : f32 to vector<16x64xf32>
    %add3A_233 = arith.addf %sub3A_230, %add3A_232 : vector<16x64xf32>
    %div3A_234 = arith.divf %mul3A_225, %add3A_233 : vector<16x64xf32>
    %add3A_235 = arith.constant 0 : i32
    %add3A_236 = vector.broadcast %add3A_235 : i32 to vector<16x64xi32>
    %add3A_237 = arith.addi %add3A_218, %add3A_236 : vector<16x64xi32>
    %gt3A_238 = arith.cmpf ogt, %div3A_234, %select_n3A_194 : vector<16x64xf32>
    %select_n3A_239 = arith.select %gt3A_238, %div3A_234, %select_n3A_194 : vector<16x64xi1>, vector<16x64xf32>
    %select_n3A_240 = arith.select %gt3A_238, %add3A_237, %select_n3A_195 : vector<16x64xi1>, vector<16x64xi32>
    %min3A_241 = arith.constant 2.000000e+00 : f32
    %min3A_242 = vector.broadcast %min3A_241 : f32 to vector<16x64xf32>
    %min3A_243 = arith.minimumf %mul3A_198, %min3A_242 : vector<16x64xf32>
    %min3A_244 = arith.constant 2.875000e+00 : f32
    %min3A_245 = vector.broadcast %min3A_244 : f32 to vector<16x64xf32>
    %min3A_246 = arith.minimumf %mul3A_201, %min3A_245 : vector<16x64xf32>
    %mul3A_247 = arith.mulf %min3A_243, %min3A_246 : vector<16x64xf32>
    %mul3A_248 = arith.mulf %mul3A_198, %mul3A_201 : vector<16x64xf32>
    %add3A_249 = arith.constant 5.750000e+00 : f32
    %add3A_250 = vector.broadcast %add3A_249 : f32 to vector<16x64xf32>
    %add3A_251 = arith.addf %mul3A_248, %add3A_250 : vector<16x64xf32>
    %sub3A_252 = arith.subf %add3A_251, %mul3A_247 : vector<16x64xf32>
    %add3A_253 = arith.constant 1.000000e-16 : f32
    %add3A_254 = vector.broadcast %add3A_253 : f32 to vector<16x64xf32>
    %add3A_255 = arith.addf %sub3A_252, %add3A_254 : vector<16x64xf32>
    %div3A_256 = arith.divf %mul3A_247, %add3A_255 : vector<16x64xf32>
    %add3A_257 = arith.constant 1 : i32
    %add3A_258 = vector.broadcast %add3A_257 : i32 to vector<16x64xi32>
    %add3A_259 = arith.addi %add3A_218, %add3A_258 : vector<16x64xi32>
    %gt3A_260 = arith.cmpf ogt, %div3A_256, %select_n3A_239 : vector<16x64xf32>
    %select_n3A_261 = arith.select %gt3A_260, %div3A_256, %select_n3A_239 : vector<16x64xi1>, vector<16x64xf32>
    %select_n3A_262 = arith.select %gt3A_260, %add3A_259, %select_n3A_240 : vector<16x64xi1>, vector<16x64xi32>
    %min3A_263 = arith.constant 4.125000e+00 : f32
    %min3A_264 = vector.broadcast %min3A_263 : f32 to vector<16x64xf32>
    %min3A_265 = arith.minimumf %mul3A_198, %min3A_264 : vector<16x64xf32>
    %min3A_266 = arith.constant 2.875000e+00 : f32
    %min3A_267 = vector.broadcast %min3A_266 : f32 to vector<16x64xf32>
    %min3A_268 = arith.minimumf %mul3A_201, %min3A_267 : vector<16x64xf32>
    %mul3A_269 = arith.mulf %min3A_265, %min3A_268 : vector<16x64xf32>
    %mul3A_270 = arith.mulf %mul3A_198, %mul3A_201 : vector<16x64xf32>
    %add3A_271 = arith.constant 11.859375 : f32
    %add3A_272 = vector.broadcast %add3A_271 : f32 to vector<16x64xf32>
    %add3A_273 = arith.addf %mul3A_270, %add3A_272 : vector<16x64xf32>
    %sub3A_274 = arith.subf %add3A_273, %mul3A_269 : vector<16x64xf32>
    %add3A_275 = arith.constant 1.000000e-16 : f32
    %add3A_276 = vector.broadcast %add3A_275 : f32 to vector<16x64xf32>
    %add3A_277 = arith.addf %sub3A_274, %add3A_276 : vector<16x64xf32>
    %div3A_278 = arith.divf %mul3A_269, %add3A_277 : vector<16x64xf32>
    %add3A_279 = arith.constant 2 : i32
    %add3A_280 = vector.broadcast %add3A_279 : i32 to vector<16x64xi32>
    %add3A_281 = arith.addi %add3A_218, %add3A_280 : vector<16x64xi32>
    %gt3A_282 = arith.cmpf ogt, %div3A_278, %select_n3A_261 : vector<16x64xf32>
    %select_n3A_283 = arith.select %gt3A_282, %div3A_278, %select_n3A_261 : vector<16x64xi1>, vector<16x64xf32>
    %select_n3A_284 = arith.select %gt3A_282, %add3A_281, %select_n3A_262 : vector<16x64xi1>, vector<16x64xi32>
    %convert_element_type3A_285 = arith.fptosi %get3A_3 : vector<16x64xf32> to vector<16x64xi32>
    %jit3A = arith.constant 0.000000e+00 : f32
    %jit3A_286 = arith.constant 1.000000e-07 : f32
    %jit3A_287 = arith.constant 0.99999988 : f32
    %max3A = arith.maximumf %jit3A_286, %jit3A : f32
    %min3A_288 = arith.minimumf %jit3A_287, %max3A : f32
    %sub3A_289 = arith.constant 1.000000e+00 : f32
    %sub3A_290 = arith.subf %sub3A_289, %min3A_288 : f32
    %log3A = math.log %sub3A_290 : f32
    %neg3A = arith.constant 0.000000e+00 : f32
    %neg3A_291 = arith.subf %neg3A, %log3A : f32
    %iota3A = tpu.iota {dimensions = array<i32: 2>} : vector<16x64x64xi32>
    %iota3A_292 = tpu.iota {dimensions = array<i32: 1>} : vector<16x64x64xi32>
    %broadcast_in_dim3A = vector.shape_cast %select_n3A_284 : vector<16x64xi32> to vector<16x64x1xi32>
    %broadcast_in_dim3A_293 = vector.shape_cast %select_n3A_284 : vector<16x64xi32> to vector<16x1x64xi32>
    %eq3A = vector.broadcast %broadcast_in_dim3A : vector<16x64x1xi32> to vector<16x64x64xi32>
    %eq3A_294 = vector.broadcast %broadcast_in_dim3A_293 : vector<16x1x64xi32> to vector<16x64x64xi32>
    %eq3A_295 = arith.cmpi eq, %eq3A, %eq3A_294 : vector<16x64x64xi32>
    %gt3A_296 = arith.cmpi sgt, %iota3A, %iota3A_292 : vector<16x64x64xi32>
    %and3A = arith.andi %eq3A_295, %gt3A_296 : vector<16x64x64xi1>
    %broadcast_in_dim3A_297 = vector.shape_cast %ne3A_28 : vector<16x64xi1> to vector<16x1x64xi1>
    %and3A_298 = vector.broadcast %broadcast_in_dim3A_297 : vector<16x1x64xi1> to vector<16x64x64xi1>
    %and3A_299 = arith.andi %and3A, %and3A_298 : vector<16x64x64xi1>
    %reduce_or3A = arith.constant 1.000000e+00 : f32
    %reduce_or3A_300 = arith.constant 0.000000e+00 : f32
    %reduce_or3A_301 = vector.broadcast %reduce_or3A : f32 to vector<16x64x64xf32>
    %reduce_or3A_302 = vector.broadcast %reduce_or3A_300 : f32 to vector<16x64x64xf32>
    %reduce_or3A_303 = arith.select %and3A_299, %reduce_or3A_301, %reduce_or3A_302 : vector<16x64x64xi1>, vector<16x64x64xf32>
    %reduce_or3A_304 = arith.constant dense<0xFF800000> : vector<16x64xf32>
    %reduce_or3A_305 = vector.multi_reduction <maximumf>, %reduce_or3A_303, %reduce_or3A_304 [2] : vector<16x64x64xf32> to vector<16x64xf32>
    %reduce_or3A_306 = arith.constant 0.000000e+00 : f32
    %reduce_or3A_307 = vector.broadcast %reduce_or3A_306 : f32 to vector<16x64xf32>
    %reduce_or3A_308 = arith.cmpf ogt, %reduce_or3A_305, %reduce_or3A_307 : vector<16x64xf32>
    %not3A = arith.constant dense<true> : vector<16x64xi1>
    %not3A_309 = arith.xori %reduce_or3A_308, %not3A : vector<16x64xi1>
    %and3A_310 = arith.andi %ne3A_28, %not3A_309 : vector<16x64xi1>
    %broadcast_in_dim3A_311 = vector.shape_cast %convert_element_type3A_285 : vector<16x64xi32> to vector<16x64x1xi32>
    %broadcast_in_dim3A_312 = vector.shape_cast %convert_element_type3A_285 : vector<16x64xi32> to vector<16x1x64xi32>
    %eq3A_313 = vector.broadcast %broadcast_in_dim3A_311 : vector<16x64x1xi32> to vector<16x64x64xi32>
    %eq3A_314 = vector.broadcast %broadcast_in_dim3A_312 : vector<16x1x64xi32> to vector<16x64x64xi32>
    %eq3A_315 = arith.cmpi eq, %eq3A_313, %eq3A_314 : vector<16x64x64xi32>
    %and3A_316 = arith.andi %eq3A_295, %eq3A_315 : vector<16x64x64xi1>
    %lt3A = arith.cmpi slt, %iota3A, %iota3A_292 : vector<16x64x64xi32>
    %and3A_317 = arith.andi %and3A_316, %lt3A : vector<16x64x64xi1>
    %broadcast_in_dim3A_318 = vector.shape_cast %ne3A_28 : vector<16x64xi1> to vector<16x1x64xi1>
    %and3A_319 = vector.broadcast %broadcast_in_dim3A_318 : vector<16x1x64xi1> to vector<16x64x64xi1>
    %and3A_320 = arith.andi %and3A_317, %and3A_319 : vector<16x64x64xi1>
    %reduce_or3A_321 = arith.constant 1.000000e+00 : f32
    %reduce_or3A_322 = arith.constant 0.000000e+00 : f32
    %reduce_or3A_323 = vector.broadcast %reduce_or3A_321 : f32 to vector<16x64x64xf32>
    %reduce_or3A_324 = vector.broadcast %reduce_or3A_322 : f32 to vector<16x64x64xf32>
    %reduce_or3A_325 = arith.select %and3A_320, %reduce_or3A_323, %reduce_or3A_324 : vector<16x64x64xi1>, vector<16x64x64xf32>
    %reduce_or3A_326 = arith.constant dense<0xFF800000> : vector<16x64xf32>
    %reduce_or3A_327 = vector.multi_reduction <maximumf>, %reduce_or3A_325, %reduce_or3A_326 [2] : vector<16x64x64xf32> to vector<16x64xf32>
    %reduce_or3A_328 = arith.constant 0.000000e+00 : f32
    %reduce_or3A_329 = vector.broadcast %reduce_or3A_328 : f32 to vector<16x64xf32>
    %reduce_or3A_330 = arith.cmpf ogt, %reduce_or3A_327, %reduce_or3A_329 : vector<16x64xf32>
    %not3A_331 = arith.constant dense<true> : vector<16x64xi1>
    %not3A_332 = arith.xori %reduce_or3A_330, %not3A_331 : vector<16x64xi1>
    %and3A_333 = arith.andi %ne3A_28, %not3A_332 : vector<16x64xi1>
    %convert_element_type3A_334 = arith.extui %and3A_310 : vector<16x64xi1> to vector<16x64xi32>
    %convert_element_type3A_335 = arith.sitofp %convert_element_type3A_334 : vector<16x64xi32> to vector<16x64xf32>
    %convert_element_type3A_336 = arith.extui %and3A_333 : vector<16x64xi1> to vector<16x64xi32>
    %convert_element_type3A_337 = arith.sitofp %convert_element_type3A_336 : vector<16x64xi32> to vector<16x64xf32>
    %get3A_338 = arith.constant 0 : index
    %get3A_339 = arith.constant 0 : index
    %get3A_340 = arith.constant 0 : index
    %get3A_341 = vector.load %arg1[%get3A_338, %get3A_339, %get3A_340] : memref<16x64x85xf32, #tpu.memory_space<vmem>>, vector<16x64x85xf32>
    %iota3A_342 = tpu.iota {dimensions = array<i32: 2>} : vector<16x64x85xi32>
    %eq3A_343 = arith.constant 0 : i32
    %eq3A_344 = vector.broadcast %eq3A_343 : i32 to vector<16x64x85xi32>
    %eq3A_345 = arith.cmpi eq, %iota3A_342, %eq3A_344 : vector<16x64x85xi32>
    %jit3A_346 = arith.constant 0.000000e+00 : f32
    %broadcast_in_dim3A_347 = vector.broadcast %jit3A_346 : f32 to vector<16x64x85xf32>
    %select_n3A_348 = arith.select %eq3A_345, %get3A_341, %broadcast_in_dim3A_347 : vector<16x64x85xi1>, vector<16x64x85xf32>
    %reduce_sum3A = arith.constant dense<0.000000e+00> : vector<16x64xf32>
    %reduce_sum3A_349 = vector.multi_reduction <add>, %select_n3A_348, %reduce_sum3A [2] : vector<16x64x85xf32> to vector<16x64xf32>
    %eq3A_350 = arith.constant 1 : i32
    %eq3A_351 = vector.broadcast %eq3A_350 : i32 to vector<16x64x85xi32>
    %eq3A_352 = arith.cmpi eq, %iota3A_342, %eq3A_351 : vector<16x64x85xi32>
    %jit3A_353 = arith.constant 0.000000e+00 : f32
    %broadcast_in_dim3A_354 = vector.broadcast %jit3A_353 : f32 to vector<16x64x85xf32>
    %select_n3A_355 = arith.select %eq3A_352, %get3A_341, %broadcast_in_dim3A_354 : vector<16x64x85xi1>, vector<16x64x85xf32>
    %reduce_sum3A_356 = arith.constant dense<0.000000e+00> : vector<16x64xf32>
    %reduce_sum3A_357 = vector.multi_reduction <add>, %select_n3A_355, %reduce_sum3A_356 [2] : vector<16x64x85xf32> to vector<16x64xf32>
    %eq3A_358 = arith.constant 2 : i32
    %eq3A_359 = vector.broadcast %eq3A_358 : i32 to vector<16x64x85xi32>
    %eq3A_360 = arith.cmpi eq, %iota3A_342, %eq3A_359 : vector<16x64x85xi32>
    %jit3A_361 = arith.constant 0.000000e+00 : f32
    %broadcast_in_dim3A_362 = vector.broadcast %jit3A_361 : f32 to vector<16x64x85xf32>
    %select_n3A_363 = arith.select %eq3A_360, %get3A_341, %broadcast_in_dim3A_362 : vector<16x64x85xi1>, vector<16x64x85xf32>
    %reduce_sum3A_364 = arith.constant dense<0.000000e+00> : vector<16x64xf32>
    %reduce_sum3A_365 = vector.multi_reduction <add>, %select_n3A_363, %reduce_sum3A_364 [2] : vector<16x64x85xf32> to vector<16x64xf32>
    %eq3A_366 = arith.constant 3 : i32
    %eq3A_367 = vector.broadcast %eq3A_366 : i32 to vector<16x64x85xi32>
    %eq3A_368 = arith.cmpi eq, %iota3A_342, %eq3A_367 : vector<16x64x85xi32>
    %jit3A_369 = arith.constant 0.000000e+00 : f32
    %broadcast_in_dim3A_370 = vector.broadcast %jit3A_369 : f32 to vector<16x64x85xf32>
    %select_n3A_371 = arith.select %eq3A_368, %get3A_341, %broadcast_in_dim3A_370 : vector<16x64x85xi1>, vector<16x64x85xf32>
    %reduce_sum3A_372 = arith.constant dense<0.000000e+00> : vector<16x64xf32>
    %reduce_sum3A_373 = vector.multi_reduction <add>, %select_n3A_371, %reduce_sum3A_372 [2] : vector<16x64x85xf32> to vector<16x64xf32>
    %eq3A_374 = arith.constant 4 : i32
    %eq3A_375 = vector.broadcast %eq3A_374 : i32 to vector<16x64x85xi32>
    %eq3A_376 = arith.cmpi eq, %iota3A_342, %eq3A_375 : vector<16x64x85xi32>
    %jit3A_377 = arith.constant 0.000000e+00 : f32
    %broadcast_in_dim3A_378 = vector.broadcast %jit3A_377 : f32 to vector<16x64x85xf32>
    %select_n3A_379 = arith.select %eq3A_376, %get3A_341, %broadcast_in_dim3A_378 : vector<16x64x85xi1>, vector<16x64x85xf32>
    %reduce_sum3A_380 = arith.constant dense<0.000000e+00> : vector<16x64xf32>
    %reduce_sum3A_381 = vector.multi_reduction <add>, %select_n3A_379, %reduce_sum3A_380 [2] : vector<16x64x85xf32> to vector<16x64xf32>
    %mul3A_382 = arith.mulf %get3A_18, %get3A_23 : vector<16x64xf32>
    %sub3A_383 = arith.constant 2.000000e+00 : f32
    %sub3A_384 = vector.broadcast %sub3A_383 : f32 to vector<16x64xf32>
    %sub3A_385 = arith.subf %sub3A_384, %mul3A_382 : vector<16x64xf32>
    %mul3A_386 = arith.constant 6.080000e+02 : f32
    %mul3A_387 = vector.broadcast %mul3A_386 : f32 to vector<16x64xf32>
    %mul3A_388 = arith.mulf %get3A_8, %mul3A_387 : vector<16x64xf32>
    %mul3A_389 = arith.constant 6.080000e+02 : f32
    %mul3A_390 = vector.broadcast %mul3A_389 : f32 to vector<16x64xf32>
    %mul3A_391 = arith.mulf %get3A_13, %mul3A_390 : vector<16x64xf32>
    %mul3A_392 = arith.constant 6.080000e+02 : f32
    %mul3A_393 = vector.broadcast %mul3A_392 : f32 to vector<16x64xf32>
    %mul3A_394 = arith.mulf %get3A_18, %mul3A_393 : vector<16x64xf32>
    %mul3A_395 = arith.constant 6.080000e+02 : f32
    %mul3A_396 = vector.broadcast %mul3A_395 : f32 to vector<16x64xf32>
    %mul3A_397 = arith.mulf %get3A_23, %mul3A_396 : vector<16x64xf32>
    %mul3A_398 = arith.mulf %reduce_sum3A_349, %sub3A_385 : vector<16x64xf32>
    %mul3A_399 = arith.mulf %mul3A_388, %sub3A_385 : vector<16x64xf32>
    %sub3A_400 = arith.subf %mul3A_398, %mul3A_399 : vector<16x64xf32>
    %integer_pow3A = arith.mulf %sub3A_400, %sub3A_400 : vector<16x64xf32>
    %mul3A_401 = arith.mulf %reduce_sum3A_357, %sub3A_385 : vector<16x64xf32>
    %mul3A_402 = arith.mulf %mul3A_391, %sub3A_385 : vector<16x64xf32>
    %sub3A_403 = arith.subf %mul3A_401, %mul3A_402 : vector<16x64xf32>
    %integer_pow3A_404 = arith.mulf %sub3A_403, %sub3A_403 : vector<16x64xf32>
    %add3A_405 = arith.addf %integer_pow3A, %integer_pow3A_404 : vector<16x64xf32>
    %mul3A_406 = arith.mulf %reduce_sum3A_365, %sub3A_385 : vector<16x64xf32>
    %mul3A_407 = arith.mulf %mul3A_394, %sub3A_385 : vector<16x64xf32>
    %sub3A_408 = arith.subf %mul3A_406, %mul3A_407 : vector<16x64xf32>
    %integer_pow3A_409 = arith.mulf %sub3A_408, %sub3A_408 : vector<16x64xf32>
    %add3A_410 = arith.addf %add3A_405, %integer_pow3A_409 : vector<16x64xf32>
    %mul3A_411 = arith.mulf %reduce_sum3A_373, %sub3A_385 : vector<16x64xf32>
    %mul3A_412 = arith.mulf %mul3A_397, %sub3A_385 : vector<16x64xf32>
    %sub3A_413 = arith.subf %mul3A_411, %mul3A_412 : vector<16x64xf32>
    %integer_pow3A_414 = arith.mulf %sub3A_413, %sub3A_413 : vector<16x64xf32>
    %add3A_415 = arith.addf %add3A_410, %integer_pow3A_414 : vector<16x64xf32>
    %mul3A_416 = arith.mulf %convert_element_type3A_335, %add3A_415 : vector<16x64xf32>
    %reduce_sum3A_417 = vector.shape_cast %mul3A_416 : vector<16x64xf32> to vector<1x16x64xf32>
    %reduce_sum3A_418 = arith.constant dense<0.000000e+00> : vector<1xf32>
    %reduce_sum3A_419 = vector.multi_reduction <add>, %reduce_sum3A_417, %reduce_sum3A_418 [1, 2] : vector<1x16x64xf32> to vector<1xf32>
    %reduce_sum3A_420 = vector.shape_cast %reduce_sum3A_419 : vector<1xf32> to vector<1x1x1xf32>
    %reduce_sum3A_421 = vector.extract %reduce_sum3A_420[0, 0, 0] : f32 from vector<1x1x1xf32>
    %jit3A_422 = arith.constant 1.000000e-07 : f32
    %jit3A_423 = arith.constant 0.99999988 : f32
    %max3A_424 = vector.broadcast %jit3A_422 : f32 to vector<16x64xf32>
    %max3A_425 = arith.maximumf %max3A_424, %reduce_sum3A_381 : vector<16x64xf32>
    %min3A_426 = vector.broadcast %jit3A_423 : f32 to vector<16x64xf32>
    %min3A_427 = arith.minimumf %min3A_426, %max3A_425 : vector<16x64xf32>
    %log3A_428 = math.log %min3A_427 : vector<16x64xf32>
    %mul3A_429 = arith.mulf %select_n3A_283, %log3A_428 : vector<16x64xf32>
    %sub3A_430 = arith.constant 1.000000e+00 : f32
    %sub3A_431 = vector.broadcast %sub3A_430 : f32 to vector<16x64xf32>
    %sub3A_432 = arith.subf %sub3A_431, %select_n3A_283 : vector<16x64xf32>
    %sub3A_433 = arith.constant 1.000000e+00 : f32
    %sub3A_434 = vector.broadcast %sub3A_433 : f32 to vector<16x64xf32>
    %sub3A_435 = arith.subf %sub3A_434, %min3A_427 : vector<16x64xf32>
    %log3A_436 = math.log %sub3A_435 : vector<16x64xf32>
    %mul3A_437 = arith.mulf %sub3A_432, %log3A_436 : vector<16x64xf32>
    %add3A_438 = arith.addf %mul3A_429, %mul3A_437 : vector<16x64xf32>
    %neg3A_439 = arith.constant 0.000000e+00 : f32
    %neg3A_440 = vector.broadcast %neg3A_439 : f32 to vector<16x64xf32>
    %neg3A_441 = arith.subf %neg3A_440, %add3A_438 : vector<16x64xf32>
    %sub3A_442 = vector.broadcast %neg3A_291 : f32 to vector<16x64xf32>
    %sub3A_443 = arith.subf %neg3A_441, %sub3A_442 : vector<16x64xf32>
    %mul3A_444 = arith.mulf %convert_element_type3A_335, %sub3A_443 : vector<16x64xf32>
    %reduce_sum3A_445 = vector.shape_cast %mul3A_444 : vector<16x64xf32> to vector<1x16x64xf32>
    %reduce_sum3A_446 = arith.constant dense<0.000000e+00> : vector<1xf32>
    %reduce_sum3A_447 = vector.multi_reduction <add>, %reduce_sum3A_445, %reduce_sum3A_446 [1, 2] : vector<1x16x64xf32> to vector<1xf32>
    %reduce_sum3A_448 = vector.shape_cast %reduce_sum3A_447 : vector<1xf32> to vector<1x1x1xf32>
    %reduce_sum3A_449 = vector.extract %reduce_sum3A_448[0, 0, 0] : f32 from vector<1x1x1xf32>
    %jit3A_450 = arith.constant 1.000000e-07 : f32
    %jit3A_451 = arith.constant 0.99999988 : f32
    %max3A_452 = vector.broadcast %jit3A_450 : f32 to vector<16x64x85xf32>
    %max3A_453 = arith.maximumf %max3A_452, %get3A_341 : vector<16x64x85xf32>
    %min3A_454 = vector.broadcast %jit3A_451 : f32 to vector<16x64x85xf32>
    %min3A_455 = arith.minimumf %min3A_454, %max3A_453 : vector<16x64x85xf32>
    %sub3A_456 = arith.constant 1.000000e+00 : f32
    %sub3A_457 = vector.broadcast %sub3A_456 : f32 to vector<16x64x85xf32>
    %sub3A_458 = arith.subf %sub3A_457, %min3A_455 : vector<16x64x85xf32>
    %log3A_459 = math.log %sub3A_458 : vector<16x64x85xf32>
    %ge3A = arith.constant 5 : i32
    %ge3A_460 = vector.broadcast %ge3A : i32 to vector<16x64x85xi32>
    %ge3A_461 = arith.cmpi sge, %iota3A_342, %ge3A_460 : vector<16x64x85xi32>
    %neg3A_462 = arith.constant 0.000000e+00 : f32
    %neg3A_463 = vector.broadcast %neg3A_462 : f32 to vector<16x64x85xf32>
    %neg3A_464 = arith.subf %neg3A_463, %log3A_459 : vector<16x64x85xf32>
    %jit3A_465 = arith.constant 0.000000e+00 : f32
    %broadcast_in_dim3A_466 = vector.broadcast %jit3A_465 : f32 to vector<16x64x85xf32>
    %select_n3A_467 = arith.select %ge3A_461, %neg3A_464, %broadcast_in_dim3A_466 : vector<16x64x85xi1>, vector<16x64x85xf32>
    %reduce_sum3A_468 = arith.constant dense<0.000000e+00> : vector<16x64xf32>
    %reduce_sum3A_469 = vector.multi_reduction <add>, %select_n3A_467, %reduce_sum3A_468 [2] : vector<16x64x85xf32> to vector<16x64xf32>
    %add3A_470 = arith.constant 5 : i32
    %add3A_471 = vector.broadcast %add3A_470 : i32 to vector<16x64xi32>
    %add3A_472 = arith.addi %add3A_471, %convert_element_type3A_285 : vector<16x64xi32>
    %broadcast_in_dim3A_473 = vector.shape_cast %add3A_472 : vector<16x64xi32> to vector<16x64x1xi32>
    %eq3A_474 = vector.broadcast %broadcast_in_dim3A_473 : vector<16x64x1xi32> to vector<16x64x85xi32>
    %eq3A_475 = arith.cmpi eq, %iota3A_342, %eq3A_474 : vector<16x64x85xi32>
    %log3A_476 = math.log %min3A_455 : vector<16x64x85xf32>
    %sub3A_477 = arith.subf %log3A_459, %log3A_476 : vector<16x64x85xf32>
    %jit3A_478 = arith.constant 0.000000e+00 : f32
    %broadcast_in_dim3A_479 = vector.broadcast %jit3A_478 : f32 to vector<16x64x85xf32>
    %select_n3A_480 = arith.select %eq3A_475, %sub3A_477, %broadcast_in_dim3A_479 : vector<16x64x85xi1>, vector<16x64x85xf32>
    %reduce_sum3A_481 = arith.constant dense<0.000000e+00> : vector<16x64xf32>
    %reduce_sum3A_482 = vector.multi_reduction <add>, %select_n3A_480, %reduce_sum3A_481 [2] : vector<16x64x85xf32> to vector<16x64xf32>
    %mul3A_483 = arith.mulf %convert_element_type3A_335, %reduce_sum3A_469 : vector<16x64xf32>
    %reduce_sum3A_484 = vector.shape_cast %mul3A_483 : vector<16x64xf32> to vector<1x16x64xf32>
    %reduce_sum3A_485 = arith.constant dense<0.000000e+00> : vector<1xf32>
    %reduce_sum3A_486 = vector.multi_reduction <add>, %reduce_sum3A_484, %reduce_sum3A_485 [1, 2] : vector<1x16x64xf32> to vector<1xf32>
    %reduce_sum3A_487 = vector.shape_cast %reduce_sum3A_486 : vector<1xf32> to vector<1x1x1xf32>
    %reduce_sum3A_488 = vector.extract %reduce_sum3A_487[0, 0, 0] : f32 from vector<1x1x1xf32>
    %mul3A_489 = arith.mulf %convert_element_type3A_337, %reduce_sum3A_482 : vector<16x64xf32>
    %reduce_sum3A_490 = vector.shape_cast %mul3A_489 : vector<16x64xf32> to vector<1x16x64xf32>
    %reduce_sum3A_491 = arith.constant dense<0.000000e+00> : vector<1xf32>
    %reduce_sum3A_492 = vector.multi_reduction <add>, %reduce_sum3A_490, %reduce_sum3A_491 [1, 2] : vector<1x16x64xf32> to vector<1xf32>
    %reduce_sum3A_493 = vector.shape_cast %reduce_sum3A_492 : vector<1xf32> to vector<1x1x1xf32>
    %reduce_sum3A_494 = vector.extract %reduce_sum3A_493[0, 0, 0] : f32 from vector<1x1x1xf32>
    %add3A_495 = arith.addf %reduce_sum3A_488, %reduce_sum3A_494 : f32
    %reduce_sum3A_496 = vector.shape_cast %convert_element_type3A_335 : vector<16x64xf32> to vector<1x16x64xf32>
    %reduce_sum3A_497 = arith.constant dense<0.000000e+00> : vector<1xf32>
    %reduce_sum3A_498 = vector.multi_reduction <add>, %reduce_sum3A_496, %reduce_sum3A_497 [1, 2] : vector<1x16x64xf32> to vector<1xf32>
    %reduce_sum3A_499 = vector.shape_cast %reduce_sum3A_498 : vector<1xf32> to vector<1x1x1xf32>
    %reduce_sum3A_500 = vector.extract %reduce_sum3A_499[0, 0, 0] : f32 from vector<1x1x1xf32>
    %get3A_501 = arith.constant 0 : index
    %get3A_502 = arith.constant 0 : index
    %get3A_503 = vector.load %arg3[%get3A_501, %get3A_502] : memref<8x128xf32, #tpu.memory_space<vmem>>, vector<8x128xf32>
    %reduce_sum3A_504 = vector.shape_cast %get3A_503 : vector<8x128xf32> to vector<1x8x128xf32>
    %reduce_sum3A_505 = arith.constant dense<0.000000e+00> : vector<1xf32>
    %reduce_sum3A_506 = vector.multi_reduction <add>, %reduce_sum3A_504, %reduce_sum3A_505 [1, 2] : vector<1x8x128xf32> to vector<1xf32>
    %reduce_sum3A_507 = vector.shape_cast %reduce_sum3A_506 : vector<1xf32> to vector<1x1x1xf32>
    %reduce_sum3A_508 = vector.extract %reduce_sum3A_507[0, 0, 0] : f32 from vector<1x1x1xf32>
    %gt3A_509 = arith.constant 5.000000e-01 : f32
    %gt3A_510 = vector.broadcast %gt3A_509 : f32 to vector<16x64xf32>
    %gt3A_511 = arith.cmpf ogt, %div3A, %gt3A_510 : vector<16x64xf32>
    %and3A_512 = arith.andi %gt3A_511, %ne3A_28 : vector<16x64xi1>
    %convert_element_type3A_513 = arith.extui %and3A_512 : vector<16x64xi1> to vector<16x64xi32>
    %gt3A_514 = arith.constant 5.000000e-01 : f32
    %gt3A_515 = vector.broadcast %gt3A_514 : f32 to vector<16x64xf32>
    %gt3A_516 = arith.cmpf ogt, %div3A_80, %gt3A_515 : vector<16x64xf32>
    %and3A_517 = arith.andi %gt3A_516, %ne3A_28 : vector<16x64xi1>
    %convert_element_type3A_518 = arith.extui %and3A_517 : vector<16x64xi1> to vector<16x64xi32>
    %gt3A_519 = arith.constant 5.000000e-01 : f32
    %gt3A_520 = vector.broadcast %gt3A_519 : f32 to vector<16x64xf32>
    %gt3A_521 = arith.cmpf ogt, %div3A_100, %gt3A_520 : vector<16x64xf32>
    %and3A_522 = arith.andi %gt3A_521, %ne3A_28 : vector<16x64xi1>
    %convert_element_type3A_523 = arith.extui %and3A_522 : vector<16x64xi1> to vector<16x64xi32>
    %concatenate3A = tpu.concatenate %convert_element_type3A_513, %convert_element_type3A_518, %convert_element_type3A_523 in 1 : vector<16x64xi32>, vector<16x64xi32>, vector<16x64xi32> -> vector<16x192xi32>
    %gt3A_524 = arith.constant 0 : i32
    %gt3A_525 = vector.broadcast %gt3A_524 : i32 to vector<16x192xi32>
    %gt3A_526 = arith.cmpi sgt, %concatenate3A, %gt3A_525 : vector<16x192xi32>
    %add3A_527 = arith.constant 0 : i32
    %add3A_528 = vector.broadcast %add3A_527 : i32 to vector<16x64xi32>
    %add3A_529 = arith.addi %add3A_48, %add3A_528 : vector<16x64xi32>
    %add3A_530 = arith.constant 1 : i32
    %add3A_531 = vector.broadcast %add3A_530 : i32 to vector<16x64xi32>
    %add3A_532 = arith.addi %add3A_48, %add3A_531 : vector<16x64xi32>
    %add3A_533 = arith.constant 2 : i32
    %add3A_534 = vector.broadcast %add3A_533 : i32 to vector<16x64xi32>
    %add3A_535 = arith.addi %add3A_48, %add3A_534 : vector<16x64xi32>
    %concatenate3A_536 = tpu.concatenate %add3A_529, %add3A_532, %add3A_535 in 1 : vector<16x64xi32>, vector<16x64xi32>, vector<16x64xi32> -> vector<16x192xi32>
    %iota3A_537 = tpu.iota {dimensions = array<i32: 2>} : vector<16x192x192xi32>
    %iota3A_538 = tpu.iota {dimensions = array<i32: 1>} : vector<16x192x192xi32>
    %broadcast_in_dim3A_539 = vector.shape_cast %concatenate3A_536 : vector<16x192xi32> to vector<16x192x1xi32>
    %broadcast_in_dim3A_540 = vector.shape_cast %concatenate3A_536 : vector<16x192xi32> to vector<16x1x192xi32>
    %eq3A_541 = vector.broadcast %broadcast_in_dim3A_539 : vector<16x192x1xi32> to vector<16x192x192xi32>
    %eq3A_542 = vector.broadcast %broadcast_in_dim3A_540 : vector<16x1x192xi32> to vector<16x192x192xi32>
    %eq3A_543 = arith.cmpi eq, %eq3A_541, %eq3A_542 : vector<16x192x192xi32>
    %lt3A_544 = arith.cmpi slt, %iota3A_537, %iota3A_538 : vector<16x192x192xi32>
    %and3A_545 = arith.andi %eq3A_543, %lt3A_544 : vector<16x192x192xi1>
    %broadcast_in_dim3A_546 = vector.shape_cast %gt3A_526 : vector<16x192xi1> to vector<16x1x192xi1>
    %and3A_547 = vector.broadcast %broadcast_in_dim3A_546 : vector<16x1x192xi1> to vector<16x192x192xi1>
    %and3A_548 = arith.andi %and3A_545, %and3A_547 : vector<16x192x192xi1>
    %reduce_or3A_549 = arith.constant 1.000000e+00 : f32
    %reduce_or3A_550 = arith.constant 0.000000e+00 : f32
    %reduce_or3A_551 = vector.broadcast %reduce_or3A_549 : f32 to vector<16x192x192xf32>
    %reduce_or3A_552 = vector.broadcast %reduce_or3A_550 : f32 to vector<16x192x192xf32>
    %reduce_or3A_553 = arith.select %and3A_548, %reduce_or3A_551, %reduce_or3A_552 : vector<16x192x192xi1>, vector<16x192x192xf32>
    %reduce_or3A_554 = arith.constant dense<0xFF800000> : vector<16x192xf32>
    %reduce_or3A_555 = vector.multi_reduction <maximumf>, %reduce_or3A_553, %reduce_or3A_554 [2] : vector<16x192x192xf32> to vector<16x192xf32>
    %reduce_or3A_556 = arith.constant 0.000000e+00 : f32
    %reduce_or3A_557 = vector.broadcast %reduce_or3A_556 : f32 to vector<16x192xf32>
    %reduce_or3A_558 = arith.cmpf ogt, %reduce_or3A_555, %reduce_or3A_557 : vector<16x192xf32>
    %not3A_559 = arith.constant dense<true> : vector<16x192xi1>
    %not3A_560 = arith.xori %reduce_or3A_558, %not3A_559 : vector<16x192xi1>
    %and3A_561 = arith.andi %gt3A_526, %not3A_560 : vector<16x192xi1>
    %get3A_562 = arith.constant 0 : index
    %get3A_563 = arith.constant 0 : index
    %get3A_564 = vector.load %arg2[%get3A_562, %get3A_563] : memref<16x640xf32, #tpu.memory_space<vmem>>, vector<16x64xf32>
    %get3A_565 = arith.constant 0 : index
    %get3A_566 = arith.constant 64 : index
    %get3A_567 = vector.load %arg2[%get3A_565, %get3A_566] : memref<16x640xf32, #tpu.memory_space<vmem>>, vector<16x64xf32>
    %get3A_568 = arith.constant 0 : index
    %get3A_569 = arith.constant 128 : index
    %get3A_570 = vector.load %arg2[%get3A_568, %get3A_569] : memref<16x640xf32, #tpu.memory_space<vmem>>, vector<16x64xf32>
    %concatenate3A_571 = tpu.concatenate %get3A_564, %get3A_567, %get3A_570 in 1 : vector<16x64xf32>, vector<16x64xf32>, vector<16x64xf32> -> vector<16x192xf32>
    %convert_element_type3A_572 = arith.extui %and3A_561 : vector<16x192xi1> to vector<16x192xi32>
    %convert_element_type3A_573 = arith.sitofp %convert_element_type3A_572 : vector<16x192xi32> to vector<16x192xf32>
    %jit3A_574 = arith.constant 1.000000e-07 : f32
    %jit3A_575 = arith.constant 0.99999988 : f32
    %max3A_576 = vector.broadcast %jit3A_574 : f32 to vector<16x192xf32>
    %max3A_577 = arith.maximumf %max3A_576, %concatenate3A_571 : vector<16x192xf32>
    %min3A_578 = vector.broadcast %jit3A_575 : f32 to vector<16x192xf32>
    %min3A_579 = arith.minimumf %min3A_578, %max3A_577 : vector<16x192xf32>
    %sub3A_580 = arith.constant 1.000000e+00 : f32
    %sub3A_581 = vector.broadcast %sub3A_580 : f32 to vector<16x192xf32>
    %sub3A_582 = arith.subf %sub3A_581, %min3A_579 : vector<16x192xf32>
    %log3A_583 = math.log %sub3A_582 : vector<16x192xf32>
    %add3A_584 = vector.broadcast %neg3A_291 : f32 to vector<16x192xf32>
    %add3A_585 = arith.addf %add3A_584, %log3A_583 : vector<16x192xf32>
    %mul3A_586 = arith.mulf %convert_element_type3A_573, %add3A_585 : vector<16x192xf32>
    %reduce_sum3A_587 = vector.shape_cast %mul3A_586 : vector<16x192xf32> to vector<1x16x192xf32>
    %reduce_sum3A_588 = arith.constant dense<0.000000e+00> : vector<1xf32>
    %reduce_sum3A_589 = vector.multi_reduction <add>, %reduce_sum3A_587, %reduce_sum3A_588 [1, 2] : vector<1x16x192xf32> to vector<1xf32>
    %reduce_sum3A_590 = vector.shape_cast %reduce_sum3A_589 : vector<1xf32> to vector<1x1x1xf32>
    %reduce_sum3A_591 = vector.extract %reduce_sum3A_590[0, 0, 0] : f32 from vector<1x1x1xf32>
    %add3A_592 = arith.constant 0.000000e+00 : f32
    %add3A_593 = arith.addf %add3A_592, %reduce_sum3A_591 : f32
    %gt3A_594 = arith.constant 5.000000e-01 : f32
    %gt3A_595 = vector.broadcast %gt3A_594 : f32 to vector<16x64xf32>
    %gt3A_596 = arith.cmpf ogt, %div3A_145, %gt3A_595 : vector<16x64xf32>
    %and3A_597 = arith.andi %gt3A_596, %ne3A_28 : vector<16x64xi1>
    %convert_element_type3A_598 = arith.extui %and3A_597 : vector<16x64xi1> to vector<16x64xi32>
    %gt3A_599 = arith.constant 5.000000e-01 : f32
    %gt3A_600 = vector.broadcast %gt3A_599 : f32 to vector<16x64xf32>
    %gt3A_601 = arith.cmpf ogt, %div3A_167, %gt3A_600 : vector<16x64xf32>
    %and3A_602 = arith.andi %gt3A_601, %ne3A_28 : vector<16x64xi1>
    %convert_element_type3A_603 = arith.extui %and3A_602 : vector<16x64xi1> to vector<16x64xi32>
    %gt3A_604 = arith.constant 5.000000e-01 : f32
    %gt3A_605 = vector.broadcast %gt3A_604 : f32 to vector<16x64xf32>
    %gt3A_606 = arith.cmpf ogt, %div3A_189, %gt3A_605 : vector<16x64xf32>
    %and3A_607 = arith.andi %gt3A_606, %ne3A_28 : vector<16x64xi1>
    %convert_element_type3A_608 = arith.extui %and3A_607 : vector<16x64xi1> to vector<16x64xi32>
    %concatenate3A_609 = tpu.concatenate %convert_element_type3A_598, %convert_element_type3A_603, %convert_element_type3A_608 in 1 : vector<16x64xi32>, vector<16x64xi32>, vector<16x64xi32> -> vector<16x192xi32>
    %gt3A_610 = arith.constant 0 : i32
    %gt3A_611 = vector.broadcast %gt3A_610 : i32 to vector<16x192xi32>
    %gt3A_612 = arith.cmpi sgt, %concatenate3A_609, %gt3A_611 : vector<16x192xi32>
    %add3A_613 = arith.constant 0 : i32
    %add3A_614 = vector.broadcast %add3A_613 : i32 to vector<16x64xi32>
    %add3A_615 = arith.addi %add3A_129, %add3A_614 : vector<16x64xi32>
    %add3A_616 = arith.constant 1 : i32
    %add3A_617 = vector.broadcast %add3A_616 : i32 to vector<16x64xi32>
    %add3A_618 = arith.addi %add3A_129, %add3A_617 : vector<16x64xi32>
    %add3A_619 = arith.constant 2 : i32
    %add3A_620 = vector.broadcast %add3A_619 : i32 to vector<16x64xi32>
    %add3A_621 = arith.addi %add3A_129, %add3A_620 : vector<16x64xi32>
    %concatenate3A_622 = tpu.concatenate %add3A_615, %add3A_618, %add3A_621 in 1 : vector<16x64xi32>, vector<16x64xi32>, vector<16x64xi32> -> vector<16x192xi32>
    %iota3A_623 = tpu.iota {dimensions = array<i32: 2>} : vector<16x192x192xi32>
    %iota3A_624 = tpu.iota {dimensions = array<i32: 1>} : vector<16x192x192xi32>
    %broadcast_in_dim3A_625 = vector.shape_cast %concatenate3A_622 : vector<16x192xi32> to vector<16x192x1xi32>
    %broadcast_in_dim3A_626 = vector.shape_cast %concatenate3A_622 : vector<16x192xi32> to vector<16x1x192xi32>
    %eq3A_627 = vector.broadcast %broadcast_in_dim3A_625 : vector<16x192x1xi32> to vector<16x192x192xi32>
    %eq3A_628 = vector.broadcast %broadcast_in_dim3A_626 : vector<16x1x192xi32> to vector<16x192x192xi32>
    %eq3A_629 = arith.cmpi eq, %eq3A_627, %eq3A_628 : vector<16x192x192xi32>
    %lt3A_630 = arith.cmpi slt, %iota3A_623, %iota3A_624 : vector<16x192x192xi32>
    %and3A_631 = arith.andi %eq3A_629, %lt3A_630 : vector<16x192x192xi1>
    %broadcast_in_dim3A_632 = vector.shape_cast %gt3A_612 : vector<16x192xi1> to vector<16x1x192xi1>
    %and3A_633 = vector.broadcast %broadcast_in_dim3A_632 : vector<16x1x192xi1> to vector<16x192x192xi1>
    %and3A_634 = arith.andi %and3A_631, %and3A_633 : vector<16x192x192xi1>
    %reduce_or3A_635 = arith.constant 1.000000e+00 : f32
    %reduce_or3A_636 = arith.constant 0.000000e+00 : f32
    %reduce_or3A_637 = vector.broadcast %reduce_or3A_635 : f32 to vector<16x192x192xf32>
    %reduce_or3A_638 = vector.broadcast %reduce_or3A_636 : f32 to vector<16x192x192xf32>
    %reduce_or3A_639 = arith.select %and3A_634, %reduce_or3A_637, %reduce_or3A_638 : vector<16x192x192xi1>, vector<16x192x192xf32>
    %reduce_or3A_640 = arith.constant dense<0xFF800000> : vector<16x192xf32>
    %reduce_or3A_641 = vector.multi_reduction <maximumf>, %reduce_or3A_639, %reduce_or3A_640 [2] : vector<16x192x192xf32> to vector<16x192xf32>
    %reduce_or3A_642 = arith.constant 0.000000e+00 : f32
    %reduce_or3A_643 = vector.broadcast %reduce_or3A_642 : f32 to vector<16x192xf32>
    %reduce_or3A_644 = arith.cmpf ogt, %reduce_or3A_641, %reduce_or3A_643 : vector<16x192xf32>
    %not3A_645 = arith.constant dense<true> : vector<16x192xi1>
    %not3A_646 = arith.xori %reduce_or3A_644, %not3A_645 : vector<16x192xi1>
    %and3A_647 = arith.andi %gt3A_612, %not3A_646 : vector<16x192xi1>
    %get3A_648 = arith.constant 0 : index
    %get3A_649 = arith.constant 192 : index
    %get3A_650 = vector.load %arg2[%get3A_648, %get3A_649] : memref<16x640xf32, #tpu.memory_space<vmem>>, vector<16x64xf32>
    %get3A_651 = arith.constant 0 : index
    %get3A_652 = arith.constant 256 : index
    %get3A_653 = vector.load %arg2[%get3A_651, %get3A_652] : memref<16x640xf32, #tpu.memory_space<vmem>>, vector<16x64xf32>
    %get3A_654 = arith.constant 0 : index
    %get3A_655 = arith.constant 320 : index
    %get3A_656 = vector.load %arg2[%get3A_654, %get3A_655] : memref<16x640xf32, #tpu.memory_space<vmem>>, vector<16x64xf32>
    %concatenate3A_657 = tpu.concatenate %get3A_650, %get3A_653, %get3A_656 in 1 : vector<16x64xf32>, vector<16x64xf32>, vector<16x64xf32> -> vector<16x192xf32>
    %convert_element_type3A_658 = arith.extui %and3A_647 : vector<16x192xi1> to vector<16x192xi32>
    %convert_element_type3A_659 = arith.sitofp %convert_element_type3A_658 : vector<16x192xi32> to vector<16x192xf32>
    %jit3A_660 = arith.constant 1.000000e-07 : f32
    %jit3A_661 = arith.constant 0.99999988 : f32
    %max3A_662 = vector.broadcast %jit3A_660 : f32 to vector<16x192xf32>
    %max3A_663 = arith.maximumf %max3A_662, %concatenate3A_657 : vector<16x192xf32>
    %min3A_664 = vector.broadcast %jit3A_661 : f32 to vector<16x192xf32>
    %min3A_665 = arith.minimumf %min3A_664, %max3A_663 : vector<16x192xf32>
    %sub3A_666 = arith.constant 1.000000e+00 : f32
    %sub3A_667 = vector.broadcast %sub3A_666 : f32 to vector<16x192xf32>
    %sub3A_668 = arith.subf %sub3A_667, %min3A_665 : vector<16x192xf32>
    %log3A_669 = math.log %sub3A_668 : vector<16x192xf32>
    %add3A_670 = vector.broadcast %neg3A_291 : f32 to vector<16x192xf32>
    %add3A_671 = arith.addf %add3A_670, %log3A_669 : vector<16x192xf32>
    %mul3A_672 = arith.mulf %convert_element_type3A_659, %add3A_671 : vector<16x192xf32>
    %reduce_sum3A_673 = vector.shape_cast %mul3A_672 : vector<16x192xf32> to vector<1x16x192xf32>
    %reduce_sum3A_674 = arith.constant dense<0.000000e+00> : vector<1xf32>
    %reduce_sum3A_675 = vector.multi_reduction <add>, %reduce_sum3A_673, %reduce_sum3A_674 [1, 2] : vector<1x16x192xf32> to vector<1xf32>
    %reduce_sum3A_676 = vector.shape_cast %reduce_sum3A_675 : vector<1xf32> to vector<1x1x1xf32>
    %reduce_sum3A_677 = vector.extract %reduce_sum3A_676[0, 0, 0] : f32 from vector<1x1x1xf32>
    %add3A_678 = arith.addf %add3A_593, %reduce_sum3A_677 : f32
    %gt3A_679 = arith.constant 5.000000e-01 : f32
    %gt3A_680 = vector.broadcast %gt3A_679 : f32 to vector<16x64xf32>
    %gt3A_681 = arith.cmpf ogt, %div3A_234, %gt3A_680 : vector<16x64xf32>
    %and3A_682 = arith.andi %gt3A_681, %ne3A_28 : vector<16x64xi1>
    %convert_element_type3A_683 = arith.extui %and3A_682 : vector<16x64xi1> to vector<16x64xi32>
    %gt3A_684 = arith.constant 5.000000e-01 : f32
    %gt3A_685 = vector.broadcast %gt3A_684 : f32 to vector<16x64xf32>
    %gt3A_686 = arith.cmpf ogt, %div3A_256, %gt3A_685 : vector<16x64xf32>
    %and3A_687 = arith.andi %gt3A_686, %ne3A_28 : vector<16x64xi1>
    %convert_element_type3A_688 = arith.extui %and3A_687 : vector<16x64xi1> to vector<16x64xi32>
    %gt3A_689 = arith.constant 5.000000e-01 : f32
    %gt3A_690 = vector.broadcast %gt3A_689 : f32 to vector<16x64xf32>
    %gt3A_691 = arith.cmpf ogt, %div3A_278, %gt3A_690 : vector<16x64xf32>
    %and3A_692 = arith.andi %gt3A_691, %ne3A_28 : vector<16x64xi1>
    %convert_element_type3A_693 = arith.extui %and3A_692 : vector<16x64xi1> to vector<16x64xi32>
    %concatenate3A_694 = tpu.concatenate %convert_element_type3A_683, %convert_element_type3A_688, %convert_element_type3A_693 in 1 : vector<16x64xi32>, vector<16x64xi32>, vector<16x64xi32> -> vector<16x192xi32>
    %gt3A_695 = arith.constant 0 : i32
    %gt3A_696 = vector.broadcast %gt3A_695 : i32 to vector<16x192xi32>
    %gt3A_697 = arith.cmpi sgt, %concatenate3A_694, %gt3A_696 : vector<16x192xi32>
    %add3A_698 = arith.constant 0 : i32
    %add3A_699 = vector.broadcast %add3A_698 : i32 to vector<16x64xi32>
    %add3A_700 = arith.addi %add3A_218, %add3A_699 : vector<16x64xi32>
    %add3A_701 = arith.constant 1 : i32
    %add3A_702 = vector.broadcast %add3A_701 : i32 to vector<16x64xi32>
    %add3A_703 = arith.addi %add3A_218, %add3A_702 : vector<16x64xi32>
    %add3A_704 = arith.constant 2 : i32
    %add3A_705 = vector.broadcast %add3A_704 : i32 to vector<16x64xi32>
    %add3A_706 = arith.addi %add3A_218, %add3A_705 : vector<16x64xi32>
    %concatenate3A_707 = tpu.concatenate %add3A_700, %add3A_703, %add3A_706 in 1 : vector<16x64xi32>, vector<16x64xi32>, vector<16x64xi32> -> vector<16x192xi32>
    %iota3A_708 = tpu.iota {dimensions = array<i32: 2>} : vector<16x192x192xi32>
    %iota3A_709 = tpu.iota {dimensions = array<i32: 1>} : vector<16x192x192xi32>
    %broadcast_in_dim3A_710 = vector.shape_cast %concatenate3A_707 : vector<16x192xi32> to vector<16x192x1xi32>
    %broadcast_in_dim3A_711 = vector.shape_cast %concatenate3A_707 : vector<16x192xi32> to vector<16x1x192xi32>
    %eq3A_712 = vector.broadcast %broadcast_in_dim3A_710 : vector<16x192x1xi32> to vector<16x192x192xi32>
    %eq3A_713 = vector.broadcast %broadcast_in_dim3A_711 : vector<16x1x192xi32> to vector<16x192x192xi32>
    %eq3A_714 = arith.cmpi eq, %eq3A_712, %eq3A_713 : vector<16x192x192xi32>
    %lt3A_715 = arith.cmpi slt, %iota3A_708, %iota3A_709 : vector<16x192x192xi32>
    %and3A_716 = arith.andi %eq3A_714, %lt3A_715 : vector<16x192x192xi1>
    %broadcast_in_dim3A_717 = vector.shape_cast %gt3A_697 : vector<16x192xi1> to vector<16x1x192xi1>
    %and3A_718 = vector.broadcast %broadcast_in_dim3A_717 : vector<16x1x192xi1> to vector<16x192x192xi1>
    %and3A_719 = arith.andi %and3A_716, %and3A_718 : vector<16x192x192xi1>
    %reduce_or3A_720 = arith.constant 1.000000e+00 : f32
    %reduce_or3A_721 = arith.constant 0.000000e+00 : f32
    %reduce_or3A_722 = vector.broadcast %reduce_or3A_720 : f32 to vector<16x192x192xf32>
    %reduce_or3A_723 = vector.broadcast %reduce_or3A_721 : f32 to vector<16x192x192xf32>
    %reduce_or3A_724 = arith.select %and3A_719, %reduce_or3A_722, %reduce_or3A_723 : vector<16x192x192xi1>, vector<16x192x192xf32>
    %reduce_or3A_725 = arith.constant dense<0xFF800000> : vector<16x192xf32>
    %reduce_or3A_726 = vector.multi_reduction <maximumf>, %reduce_or3A_724, %reduce_or3A_725 [2] : vector<16x192x192xf32> to vector<16x192xf32>
    %reduce_or3A_727 = arith.constant 0.000000e+00 : f32
    %reduce_or3A_728 = vector.broadcast %reduce_or3A_727 : f32 to vector<16x192xf32>
    %reduce_or3A_729 = arith.cmpf ogt, %reduce_or3A_726, %reduce_or3A_728 : vector<16x192xf32>
    %not3A_730 = arith.constant dense<true> : vector<16x192xi1>
    %not3A_731 = arith.xori %reduce_or3A_729, %not3A_730 : vector<16x192xi1>
    %and3A_732 = arith.andi %gt3A_697, %not3A_731 : vector<16x192xi1>
    %get3A_733 = arith.constant 0 : index
    %get3A_734 = arith.constant 384 : index
    %get3A_735 = vector.load %arg2[%get3A_733, %get3A_734] : memref<16x640xf32, #tpu.memory_space<vmem>>, vector<16x64xf32>
    %get3A_736 = arith.constant 0 : index
    %get3A_737 = arith.constant 448 : index
    %get3A_738 = vector.load %arg2[%get3A_736, %get3A_737] : memref<16x640xf32, #tpu.memory_space<vmem>>, vector<16x64xf32>
    %get3A_739 = arith.constant 0 : index
    %get3A_740 = arith.constant 512 : index
    %get3A_741 = vector.load %arg2[%get3A_739, %get3A_740] : memref<16x640xf32, #tpu.memory_space<vmem>>, vector<16x64xf32>
    %concatenate3A_742 = tpu.concatenate %get3A_735, %get3A_738, %get3A_741 in 1 : vector<16x64xf32>, vector<16x64xf32>, vector<16x64xf32> -> vector<16x192xf32>
    %convert_element_type3A_743 = arith.extui %and3A_732 : vector<16x192xi1> to vector<16x192xi32>
    %convert_element_type3A_744 = arith.sitofp %convert_element_type3A_743 : vector<16x192xi32> to vector<16x192xf32>
    %jit3A_745 = arith.constant 1.000000e-07 : f32
    %jit3A_746 = arith.constant 0.99999988 : f32
    %max3A_747 = vector.broadcast %jit3A_745 : f32 to vector<16x192xf32>
    %max3A_748 = arith.maximumf %max3A_747, %concatenate3A_742 : vector<16x192xf32>
    %min3A_749 = vector.broadcast %jit3A_746 : f32 to vector<16x192xf32>
    %min3A_750 = arith.minimumf %min3A_749, %max3A_748 : vector<16x192xf32>
    %sub3A_751 = arith.constant 1.000000e+00 : f32
    %sub3A_752 = vector.broadcast %sub3A_751 : f32 to vector<16x192xf32>
    %sub3A_753 = arith.subf %sub3A_752, %min3A_750 : vector<16x192xf32>
    %log3A_754 = math.log %sub3A_753 : vector<16x192xf32>
    %add3A_755 = vector.broadcast %neg3A_291 : f32 to vector<16x192xf32>
    %add3A_756 = arith.addf %add3A_755, %log3A_754 : vector<16x192xf32>
    %mul3A_757 = arith.mulf %convert_element_type3A_744, %add3A_756 : vector<16x192xf32>
    %reduce_sum3A_758 = vector.shape_cast %mul3A_757 : vector<16x192xf32> to vector<1x16x192xf32>
    %reduce_sum3A_759 = arith.constant dense<0.000000e+00> : vector<1xf32>
    %reduce_sum3A_760 = vector.multi_reduction <add>, %reduce_sum3A_758, %reduce_sum3A_759 [1, 2] : vector<1x16x192xf32> to vector<1xf32>
    %reduce_sum3A_761 = vector.shape_cast %reduce_sum3A_760 : vector<1xf32> to vector<1x1x1xf32>
    %reduce_sum3A_762 = vector.extract %reduce_sum3A_761[0, 0, 0] : f32 from vector<1x1x1xf32>
    %add3A_763 = arith.addf %add3A_678, %reduce_sum3A_762 : f32
    %div3A_764 = arith.constant 3.638880e+05 : f32
    %div3A_765 = arith.divf %reduce_sum3A_421, %div3A_764 : f32
    %mul3A_766 = arith.constant 3.638880e+05 : f32
    %mul3A_767 = arith.mulf %mul3A_766, %neg3A_291 : f32
    %add3A_768 = arith.addf %mul3A_767, %reduce_sum3A_449 : f32
    %div3A_769 = arith.constant 3.638880e+05 : f32
    %div3A_770 = arith.divf %add3A_768, %div3A_769 : f32
    %add3A_771 = arith.addf %div3A_765, %div3A_770 : f32
    %add3A_772 = arith.addf %reduce_sum3A_508, %add3A_763 : f32
    %mul3A_773 = arith.constant 5.000000e-01 : f32
    %mul3A_774 = arith.mulf %mul3A_773, %add3A_772 : f32
    %div3A_775 = arith.constant 3.638880e+05 : f32
    %div3A_776 = arith.divf %mul3A_774, %div3A_775 : f32
    %add3A_777 = arith.addf %add3A_771, %div3A_776 : f32
    %mul3A_778 = arith.constant 8.000000e+01 : f32
    %mul3A_779 = arith.mulf %reduce_sum3A_500, %mul3A_778 : f32
    %div3A_780 = arith.divf %add3A_495, %mul3A_779 : f32
    %add3A_781 = arith.addf %add3A_777, %div3A_780 : f32
    %broadcast_in_dim3A_782 = vector.broadcast %add3A_781 : f32 to vector<8x128xf32>
    %swap3A = arith.constant 0 : index
    %swap3A_783 = arith.constant 0 : index
    %swap3A_784 = vector.load %arg4[%swap3A, %swap3A_783] : memref<8x128xf32, #tpu.memory_space<vmem>>, vector<8x128xf32>
    tpu.vector_store %arg4[%swap3A, %swap3A_783], %broadcast_in_dim3A_782 {strides = array<i32>} : memref<8x128xf32, #tpu.memory_space<vmem>>, vector<8x128xf32>,
    return
  }
}

</mosaic_0001>

<sc_bundles>
// kernel: kernel.5.cloned.1.call-start
scs
__scs_entry_jumppad:
0x0: {  	(pc) =	sbr.rel $0x88, $3  }
0x1: {  	(tag) =	ssettag $0x0;
	lr =	simm.s32 $0x1  }
0x2: {  	[smem:$0x3F9F] =	sst lr;
	_ =	strace $0xD0000000  }
0x3: {  	_ = 	snop  }
0x4: {  	_ = 	snop  }
0x5: {  	_ = 	snop  }
0x6: {  	_ = 	snop  }
0x7: {  	_ = 	snop  }
__scs_overlays_trampoline_lowered:
0x8: {  	[smem:$0x3FAE] =	sst s0  }
0x9: {  	[smem:$0x3FAF] =	sst s1  }
0xa: {  	[smem:$0x3FB0] =	sst s2  }
0xb: {  	[smem:$0x3FB1] =	sst s3  }
0xc: {  	[smem:$0x3FB2] =	sst s4  }
0xd: {  	[smem:$0x3FB3] =	sst s5  }
0xe: {  	[smem:$0x3FB4] =	sst s6  }
0xf: {  	[smem:$0x3FB5] =	sst s7  }
0x10: {  	[smem:$0x3FB6] =	sst s8  }
0x11: {  	[smem:$0x3FB7] =	sst s9;
	s0 =	simm.s32 @!p0 $0x0  }
0x12: {  	s1 =	sld [smem:$0x3F9D];
	s0 =	simm.s32 @p0 $0x1  }
0x13: {  	[smem:$0x3FB8] =	sst s0;
	s0 =	simm.s32 @!p1 $0x0  }
0x14: {  	s2 =	sld [smem:$0x3F9C];
	s0 =	simm.s32 @p1 $0x1  }
0x15: {  	[smem:$0x3FB9] =	sst s0;
	s0 =	simm.s32 @!p2 $0x0  }
0x16: {  	s3 =	sld [smem:$0x3FDB];
	s0 =	simm.s32 @p2 $0x1  }
0x17: {  	s4 =	simm.s32 $0x1BF5;
	[smem:$0x3FBB] =	sst s0  }
0x18: {  	s0 =	sld [smem:$0x3F9E];
	_ =	swait.ge [sflag:s4], $0x0  }
0x19: {  	s7 =	sld [smem:$0x3F9F]  }
0x1a: {  	s8 =	sadd.s32 $0xFFFFE003, lr  }
0x1b: {  	s9 =	sadd.s32 $0xFFFFFEF7, lr;
	s5 =	simm.s32 $0xFFFFFFFF;
	p2 =	slt.u32 s8, $0xFFFFF086  }
0x1c: {  	p1 =	slt.u32 s9, $0xF7A;
	s5 =	simm.s32 @!p2 $0x0  }
0x1d: {  	s5 =	simm.s32 @p1 $0x1;
	p0 =	seq.s32 s7, s2  }
0x1e: {  	s7 =	smul.u32 @!p0 $0xF7A, s2;
	p2 =	seq.s32 @!p0 s5, $0x0  }
0x1f: {  	s9 =	smul.u32 $0xF7A, s1;
	s8 =	simm.s32 @!p0 $0x1BF5;
	p2 =	por !p2, p0  }
0x20: {  	[sflag:s8] =	ssyncset.s32 @!p0 $0xFFFFF086;
	s6 =	sadd.s32 @!p0 s3, s7;
	s7 =	simm.s32 @!p0 $0x108  }
0x21: {  	s3 =	sadd.s32 s3, s9;
	s6 =	sadd.s32 @!p0 $0x88, s6;
	s7 =	simm.s32 @p2 $0x1082  }
0x22: {  	[simem:s7], [sflag:s8] =	dma.local @!p0 [hbm:s6], $0xF7A  }
0x23: {  	s9 =	sor.u32 $0xD0000000, s2;
	s6 =	simm.s32 $0x108;
	_ =	swait.ge @!p0 [sflag:s8], $0x0  }
0x24: {  	s3 =	sadd.s32 $0x88, s3;
	s6 =	simm.s32 @!p1 $0x1082;
	[sflag:s4] =	ssyncset.s32 $0xFFFFF086  }
0x25: {  	[simem:s6], [sflag:s4] =	dma.local [hbm:s3], $0xF7A  }
0x26: {  	[smem:$0x3F9F] =	sst s1;
	(tag) =	ssettag s2;
	_ =	strace s9  }
0x27: {  	s1 =	sld [smem:$0x3FAF]  }
0x28: {  	s2 =	sld [smem:$0x3FB0]  }
0x29: {  	s4 =	sld [smem:$0x3FB2]  }
0x2a: {  	p0 =	seq.s32 s5, $0x0;
	s5 =	sld [smem:$0x3FB3]  }
0x2b: {  	s6 =	sld [smem:$0x3FB4]  }
0x2c: {  	s7 =	sld [smem:$0x3FB5]  }
0x2d: {  	s3 =	simm.s32 $0x108;
	s8 =	sld [smem:$0x3FB6]  }
0x2e: {  	s3 =	simm.s32 @!p0 $0x1082;
	s9 =	sld [smem:$0x3FB7]  }
0x2f: {  	lr =	sadd.s32 s0, s3;
	s0 =	sld [smem:$0x3FAE]  }
0x30: {  	s3 =	sld [smem:$0x3FB1]  }
0x31: {  	[smem:$0x3FBA] =	sst s10  }
0x32: {  	s10 =	sld [smem:$0x3FB8];
	_ =	sdelay $0x3  }
0x33: {  	p0 =	seq.s32 s10, $0x1;
	s10 =	sld [smem:$0x3FBA];
	_ =	sdelay $0x3  }
0x34: {  	[smem:$0x3FBA] =	sst s10  }
0x35: {  	s10 =	sld [smem:$0x3FB9];
	_ =	sdelay $0x3  }
0x36: {  	p1 =	seq.s32 s10, $0x1;
	s10 =	sld [smem:$0x3FBA];
	_ =	sdelay $0x3  }
0x37: {  	[smem:$0x3FBA] =	sst s10  }
0x38: {  	s10 =	sld [smem:$0x3FBB]  }
0x39: {  	_ = 	snop;
	(pc) =	sbr.ind lr, $3  }
0x3a: {  	_ = 	snop  }
0x3b: {  	_ = 	snop  }
0x3c: {  	p2 =	seq.s32 s10, $0x1;
	s10 =	sld [smem:$0x3FBA]  }
0x3d: {  	_ =	shalt  }
0x3e: {  	_ =	shalt  }
0x3f: {  	_ =	shalt  }
0x40: {  	_ =	shalt  }
0x41: {  	_ =	shalt  }
0x42: {  	_ =	shalt  }
0x43: {  	_ =	shalt  }
0x44: {  	_ =	shalt  }
0x45: {  	_ =	shalt  }
0x46: {  	_ =	shalt  }
0x47: {  	_ =	shalt  }
0x48: {  	_ =	shalt  }
0x49: {  	_ =	shalt  }
0x4a: {  	_ =	shalt  }
0x4b: {  	_ =	shalt  }
0x4c: {  	_ =	shalt  }
0x4d: {  	_ =	shalt  }
0x4e: {  	_ =	shalt  }
0x4f: {  	_ =	shalt  }
0x50: {  	_ =	shalt  }
0x51: {  	_ =	shalt  }
0x52: {  	_ =	shalt  }
0x53: {  	_ =	shalt  }
0x54: {  	_ =	shalt  }
0x55: {  	_ =	shalt  }
0x56: {  	_ =	shalt  }
0x57: {  	_ =	shalt  }
0x58: {  	_ =	shalt  }
0x59: {  	_ =	shalt  }
0x5a: {  	_ =	shalt  }
0x5b: {  	_ =	shalt  }
0x5c: {  	_ =	shalt  }
0x5d: {  	_ =	shalt  }
0x5e: {  	_ =	shalt  }
0x5f: {  	_ =	shalt  }
0x60: {  	_ =	shalt  }
0x61: {  	_ =	shalt  }
0x62: {  	_ =	shalt  }
0x63: {  	_ =	shalt  }
0x64: {  	_ =	shalt  }
0x65: {  	_ =	shalt  }
0x66: {  	_ =	shalt  }
0x67: {  	_ =	shalt  }
0x68: {  	_ =	shalt  }
0x69: {  	_ =	shalt  }
0x6a: {  	_ =	shalt  }
0x6b: {  	_ =	shalt  }
0x6c: {  	_ =	shalt  }
0x6d: {  	_ =	shalt  }
0x6e: {  	_ =	shalt  }
0x6f: {  	_ =	shalt  }
0x70: {  	_ =	shalt  }
0x71: {  	_ =	shalt  }
0x72: {  	_ =	shalt  }
0x73: {  	_ =	shalt  }
0x74: {  	_ =	shalt  }
0x75: {  	_ =	shalt  }
0x76: {  	_ =	shalt  }
0x77: {  	_ =	shalt  }
0x78: {  	_ =	shalt  }
0x79: {  	_ =	shalt  }
0x7a: {  	_ =	shalt  }
0x7b: {  	_ =	shalt  }
0x7c: {  	_ =	shalt  }
0x7d: {  	_ =	shalt  }
0x7e: {  	_ =	shalt  }
0x7f: {  	_ =	shalt  }
0x80: {  	_ =	shalt  }
0x81: {  	_ =	shalt  }
0x82: {  	_ =	shalt  }
0x83: {  	_ =	shalt  }
0x84: {  	_ =	shalt  }
0x85: {  	_ =	shalt  }
0x86: {  	_ =	shalt  }
0x87: {  	_ =	shalt  }
.Lfunc_end0:
.L_simem_size_0:
called_computation_lowered:
.L_overlay_start_0:
0x88: {  	s2 =	sld [smem:$0x3FD9]  }
0x89: {  	s3 =	sld [smem:$0x3FFE];
	_ =	sdelay $0x1  }
0x8a: {  	s1 =	srdreg.scid  }
0x8b: {  	s0 =	sand.u32 $0x1, s1  }
0x8c: {  	s16 =	sshll.u32 s0, $0xA;
	s2 =	sadd.s32 s3, s2  }
0x8d: {  	s2 =	sadd.s32 s2, s16  }
0x8e: {  	[smem:$0x3FC6] =	sst s2  }
0x8f: {  	_ = 	snop  }
0x90: {  	(tm) =	ssettm $0x1  }
0x91: {  	s17 =	sld [smem:$0x3FFB];
	_ =	sdelay $0x3  }
0x92: {  	_ =	strace s17  }
0x93: {  	s2 =	sld [smem:$0x3FFC];
	_ =	sdelay $0x3  }
0x94: {  	_ =	strace s2  }
0x95: {  	s2 =	sld [smem:$0x3FFD];
	_ =	sdelay $0x3  }
0x96: {  	_ =	strace s2  }
0x97: {  	_ =	strace $0x8FFFFFFF  }
0x98: {  	s18 =	sld [smem:$0x3FDB];
	_ =	sdelay $0x1  }
0x99: {  	s19 =	simm.s32 $_scs_section_size  }
0x9a: {  	s4 =	simm.s32 $_size__tile_overlayer_lowered;
	s5 =	simm.s32 $_tile_overlayer_lowered  }
0x9b: {  	s22 =	simm.s32 $0x1BFF;
	s21 =	sshll.u32 s5, $0x1;
	s2 =	sadd.s32 s19, s18  }
0x9c: {  	s6 =	simm.s32 $0x0;
	s20 =	sshll.u32 s4, $0x1;
	s4 =	sadd.s32 s21, s2  }
0x9d: {  	[timem:s6], [sflag:s22] =	dma.local [hbm:s4], s20  }
0x9e: {  	_ =	swait.ge [sflag:s22], s20  }
0x9f: {  	s3 =	ssub.s32 $0x0, s20;
	[sflag:s22] =	ssyncset.done $0x0  }
0xa0: {  	[sflag:s22] =	ssyncadd.s32 s3;
	_ =	sdelay $0x1  }
0xa1: {  	s23 =	simm.s32 $0x1B8B  }
0xa2: {  	_ =	swait.ge [sflag:s23], $0x1  }
0xa3: {  	[sflag:s23] =	ssyncset.done $0x0  }
0xa4: {  	s25 =	simm.s32 $0x1B8E;
	s24 =	sld [smem:$0x3FFE];
	[sflag:s23] =	ssyncadd.s32 $0xFFFFFFFF  }
0xa5: {  	s26 =	simm.s32 $execute0_lowered;
	[smem:$0x3FD2] =	sst s25  }
0xa6: {  	s4 =	sshll.u32 s26, $0x1;
	_ =	strace $0x80000046;
	[dreg:$0x1] =	wrdreg $0xFFFFFFFF  }
0xa7: {  	s28 =	simm.s32 $_size_execute0_lowered;
	s2 =	sadd.s32 s2, s4;
	[dreg:$0x0] =	wrdreg $0x0  }
0xa8: {  	s4 =	sshll.u32 s28, $0x1;
	[dreg:$0x2] =	wrdreg s2  }
0xa9: {  	[dreg:$0x3] =	wrdreg s4  }
0xaa: {  	[dreg:$0x4] =	wrdreg $0xC0  }
0xab: {  	_ =	task [dreg:s6], $0x5FFFF  }
0xac: {  	[dreg:$0x1] =	wrdreg $0xFFFFFFFF  }
0xad: {  	[dreg:$0x0] =	wrdreg $0x60  }
0xae: {  	[dreg:$0x2] =	wrdreg s24  }
0xaf: {  	[dreg:$0x3] =	wrdreg $0x9  }
0xb0: {  	_ =	task.clear_ibuf [dreg:s6], $0x4FFFF;
	_ =	strace $0x90000046  }
0xb1: {  	s29 =	simm.s32 $0x9;
	_ =	strace $0x80000048  }
0xb2: {  	_ =	swait.ge [sflag:s29], $0x1  }
0xb3: {  	[sflag:s29] =	ssyncadd.s32 $0xFFFFFFFF  }
0xb4: {  	_ =	strace $0x90000048  }
0xb5: {  	_ =	sfence  }
0xb6: {  	s30 =	sld [smem:$0x0];
	_ =	sdelay $0x2  }
0xb7: {  	s31 =	sshll.u32 s1, $0xD;
	s1 =	sshrl.u32 s1, $0x2  }
0xb8: {  	s3 =	sand.u32 $0x4000, s31;
	s1 =	sadd.s32 s1, s30  }
0xb9: {  	s0 =	sor.u32 s3, s0;
	s1 =	sshll.u32 s1, $0x11  }
0xba: {  	s0 =	sor.u32 s1, s0  }
0xbb: {  	s0 =	sadd.s32 $0x8F2B, s0  }
0xbc: {  	[sflag:s0] =	ssyncadd.remote.s32 $0x1  }
0xbd: {  	_ =	sfence.sel $0xFFFF  }
0xbe: {  	[dreg:$0x0] =	wrdreg $0xFFFFFFFF;
	(pc) =	sbr.abs _section_cstart, $3  }
0xbf: {  	[dreg:$0x1] =	wrdreg $0xFFFFFFFF  }
0xc0: {  	_ =	task.clear_ibuf [dreg:s6], $0x2FFFF;
	_ =	strace $0x9FFFFFFF  }
0xc1: {  	(tm) =	ssettm $0x7FFFFFFF  }
tec
execute0_lowered:
.L_overlay_start_1:
0x0: {  	(tag) =	ssettag $0x1  }
0x1: {  	s1 =	stileid.u32  }
0x2: {  	p0 =	sgt.u32 s1, $0x7  }
.Ltmp0:
0x3: {  	_ = 	snop;
	(pc) =	sbr.rel @p0 .LBB2_3-.Ltmp0, $4  }
0x4: {  	_ = 	snop  }
0x5: {  	s4 =	rddreg [dreg:$0x0];
	s2 =	simm.s32 $0x0  }
0x6: {  	[smem:$0x7FF] =	sst s2  }
0x7: {  	s0 =	rddreg [dreg:$0x1];
	_ =	strace $0x80000047  }
0x8: {  	s3 =	srdreg.scid;
	s28 =	sshll.u32 s1, $0x1  }
0x9: {  	s8 =	sadd.s32 $0x58E000, s4;
	s9 =	simm.s32 $0x2;
	s5 =	sand.u32 $0x1, s3  }
0xa: {  	s10 =	simm.s32 $0x280;
	s12 =	simm.s32 $0x3C0;
	s6 =	sor.u32 s5, s28  }
0xb: {  	s13 =	simm.s32 $0x1;
	s5 =	ssub.s32 $0x2, s5;
	s7 =	smul.u32 $0x50, s6  }
0xc: {  	s3 =	sadd.s32 $0x800, s4;
	s11 =	smul.u32 $0x5C00, s6;
	s30 =	sshrl.u32 s5, $0x1  }
0xd: {  	s31 =	sshll.u32 s6, $0x3;
	s29 =	sadd.s32 s7, s4;
	s7 =	ssub.s32 s5, s30  }
0xe: {  	s5 =	sadd.s32 s8, s31;
	s8 =	simm.s32 $0x400;
	v0 =	vmov s11;
	s11 =	simm.s32 $0x140  }
0xf: {  	v1 =	vimm.s32 $0x0;
	s4 =	sadd.s32 $0xC000, s29;
	s6 =	smax.u32 s7, $0x1;
	s7 =	simm.s32 $0x40  }
.LBB2_2:
0x10: {  	[tilespmem:s2], [sflag:$0x2] =	stream.strided.gather [hbm4b:s5+s7], $0x140, s8, s7, $0x38;
	[tilespmem:$0x640] =	vst v63  }
0x11: {  	_ =	swait.ge [sflag:s9], $0x140  }
0x12: {  	[sflag:s9] =	ssyncset.done $0x0  }
0x13: {  	[sflag:s9] =	ssyncadd.s32 $0xFFFFFEC0  }
0x14: {  	v2 =	vld [tilespmem:$0x40]  }
0x15: {  	v3 =	vld [tilespmem:$0x80];
	_ =	sdelay $0x1  }
0x16: {  	v9 =	vld [tilespmem:$0x50]  }
0x17: {  	v10 =	vld [tilespmem:$0x90];
	_ =	sdelay $0x1  }
0x18: {  	v37 =	vld [tilespmem:$0x60];
	v4 =	vmul.f32 $1.900000000e+01, v2;
	v5 =	vmul.f32 $1.900000000e+01, v3  }
0x19: {  	v17 =	vld [tilespmem:$0xA0];
	v6 =	vmul.f32 $3.800000000e+01, v2;
	v7 =	vmul.f32 $3.800000000e+01, v3  }
0x1a: {  	v2 =	vmul.f32 $7.600000000e+01, v2;
	v3 =	vmul.f32 $7.600000000e+01, v3  }
0x1b: {  	v27 =	vld [tilespmem:$0xB0];
	v12 =	vmul.f32 $1.900000000e+01, v9;
	v13 =	vmul.f32 $1.900000000e+01, v10  }
0x1c: {  	v14 =	vmul.f32 $3.800000000e+01, v9;
	v15 =	vmul.f32 $3.800000000e+01, v10  }
0x1d: {  	v9 =	vmul.f32 $7.600000000e+01, v9;
	v10 =	vmul.f32 $7.600000000e+01, v10  }
0x1e: {  	v21 =	vmul.f32 $1.900000000e+01, v37;
	v22 =	vmul.f32 $1.900000000e+01, v17  }
0x1f: {  	v23 =	vmul.f32 $3.800000000e+01, v37;
	v24 =	vmul.f32 $3.800000000e+01, v17  }
0x20: {  	v17 =	vmul.f32 $7.600000000e+01, v17;
	v31 =	vmul.f32 $1.900000000e+01, v27  }
0x21: {  	v32 =	vmul.f32 $3.800000000e+01, v27;
	v4 =	vtrunc.f32 v4  }
0x22: {  	v5 =	vtrunc.f32 v5;
	v6 =	vtrunc.f32 v6  }
0x23: {  	v7 =	vtrunc.f32 v7;
	v2 =	vtrunc.f32 v2  }
0x24: {  	v3 =	vtrunc.f32 v3;
	v12 =	vtrunc.f32 v12  }
0x25: {  	v13 =	vtrunc.f32 v13;
	v14 =	vtrunc.f32 v14  }
0x26: {  	v15 =	vtrunc.f32 v15;
	v9 =	vtrunc.f32 v9  }
0x27: {  	v10 =	vtrunc.f32 v10;
	v21 =	vtrunc.f32 v21  }
0x28: {  	v22 =	vtrunc.f32 v22;
	v23 =	vtrunc.f32 v23  }
0x29: {  	v24 =	vtrunc.f32 v24;
	v17 =	vtrunc.f32 v17  }
0x2a: {  	v44 =	vtrunc.f32 v31;
	v47 =	vtrunc.f32 v32  }
0x2b: {  	v4 =	vcvt.f32.s32 v4;
	v5 =	vcvt.f32.s32 v5  }
0x2c: {  	v6 =	vcvt.f32.s32 v6;
	v7 =	vcvt.f32.s32 v7  }
0x2d: {  	v2 =	vcvt.f32.s32 v2;
	v3 =	vcvt.f32.s32 v3  }
0x2e: {  	v14 =	vcvt.f32.s32 v14;
	v15 =	vcvt.f32.s32 v15  }
0x2f: {  	v12 =	vcvt.f32.s32 v12;
	v13 =	vcvt.f32.s32 v13  }
0x30: {  	v9 =	vcvt.f32.s32 v9;
	v10 =	vcvt.f32.s32 v10  }
0x31: {  	v23 =	vcvt.f32.s32 v23;
	v24 =	vcvt.f32.s32 v24  }
0x32: {  	v21 =	vcvt.f32.s32 v21;
	v22 =	vcvt.f32.s32 v22  }
0x33: {  	v17 =	vcvt.f32.s32 v17;
	v48 =	vcvt.f32.s32 v47  }
0x34: {  	v4 =	vmul.u32 v5, v4;
	v59 =	vmul.u32 v7, v6;
	v2 =	vmul.u32 v3, v2  }
0x35: {  	v14 =	vmul.u32 v15, v14;
	v12 =	vmul.u32 v13, v12;
	v9 =	vmul.u32 v10, v9  }
0x36: {  	v23 =	vmul.u32 v24, v23;
	v21 =	vmul.u32 v22, v21;
	v4 =	vmul.u32 $0x3, v4  }
0x37: {  	v3 =	vmul.u32 $0x3, v59;
	v60 =	vmul.u32 $0x3, v2;
	v36 =	vmul.u32 $0x3, v14  }
0x38: {  	v12 =	vmul.u32 $0x3, v12;
	v9 =	vmul.u32 $0x3, v9;
	v39 =	vmul.u32 $0x3, v23  }
0x39: {  	v21 =	vmul.u32 $0x3, v21;
	vm0 =	vgt.s32 v4, $0x0;
	v2 =	vadd.s32 $0x1, v4  }
0x3a: {  	v61 =	vadd.s32 $0x43B, v3;
	v8 =	vadd.s32 $0x1527, v60;
	v11 =	vadd.s32 $0x43C, v3  }
0x3b: {  	v3 =	vadd.s32 $0x43D, v3;
	v16 =	vadd.s32 $0x1528, v60;
	v5 =	vadd.s32 $0x1529, v60  }
0x3c: {  	v14 =	vadd.s32 $0x43B, v36;
	vm13 =	vgt.s32 v12, $0x0;
	v38 =	vadd.s32 $0x1, v12  }
0x3d: {  	v19 =	vadd.s32 $0x1527, v9;
	v20 =	vadd.s32 $0x43C, v36;
	v13 =	vadd.s32 $0x43D, v36  }
0x3e: {  	v25 =	vadd.s32 $0x1528, v9;
	v9 =	vadd.s32 $0x1529, v9;
	v41 =	vadd.s32 $0x43B, v39  }
0x3f: {  	v26 =	vadd.s32 $0x1, v21;
	v29 =	vadd.s32 $0x43C, v39;
	v22 =	vadd.s32 $0x43D, v39  }
0x40: {  	v62 =	vnsel vm0, $0x0, v4;
	vm5 =	vgt.s32 v2, $0x0;
	v4 =	vadd.s32 $0x2, v4  }
0x41: {  	vm7 =	vgt.s32 v61, $0x0;
	vm8 =	vgt.s32 v11, $0x0;
	vm9 =	vgt.s32 v3, $0x0  }
0x42: {  	vm10 =	vgt.s32 v8, $0x0;
	vm11 =	vgt.s32 v16, $0x0;
	vm12 =	vgt.s32 v5, $0x0  }
0x43: {  	v18 =	vnsel vm13, $0x0, v12;
	vm14 =	vgt.s32 v38, $0x0;
	v12 =	vadd.s32 $0x2, v12  }
0x44: {  	vm4 =	vgt.s32 v14, $0x0;
	vm13 =	vgt.s32 v41, $0x0;
	v2 =	vnsel vm5, $0x0, v2  }
0x45: {  	v7 =	vmin.u32 v62, $0x58D6;
	vm6 =	vgt.s32 v4, $0x0;
	v6 =	vnsel vm7, $0x0, v61  }
0x46: {  	v11 =	vnsel vm8, $0x0, v11;
	v3 =	vnsel vm9, $0x0, v3;
	v8 =	vnsel vm10, $0x0, v8  }
0x47: {  	v63 =	vnsel vm11, $0x0, v16;
	v5 =	vnsel vm12, $0x0, v5;
	v10 =	vnsel vm14, $0x0, v38  }
0x48: {  	vm15 =	vgt.s32 v12, $0x0;
	v14 =	vnsel vm4, $0x0, v14;
	vm5 =	vgt.s32 v20, $0x0  }
0x49: {  	vm7 =	vgt.s32 v19, $0x0;
	vm8 =	vgt.s32 v25, $0x0;
	v16 =	vmul.f32 $7.600000000e+01, v37  }
0x4a: {  	vm9 =	vgt.s32 v9, $0x0;
	vm10 =	vgt.s32 v21, $0x0;
	vm11 =	vgt.s32 v26, $0x0  }
0x4b: {  	v24 =	vnsel vm13, $0x0, v41;
	vm14 =	vgt.s32 v29, $0x0;
	v56 =	vmin.u32 v18, $0x58D6  }
0x4c: {  	v2 =	vmin.u32 v2, $0x58D6;
	v7 =	vadd.s32 v0, v7;
	v4 =	vnsel vm6, $0x0, v4  }
0x4d: {  	v6 =	vmin.u32 v6, $0x58D6;
	v12 =	vnsel vm15, $0x0, v12;
	v11 =	vmin.u32 v11, $0x58D6  }
0x4e: {  	v20 =	vnsel vm5, $0x0, v20;
	vm6 =	vgt.s32 v13, $0x0;
	v19 =	vnsel vm7, $0x0, v19  }
0x4f: {  	v40 =	vnsel vm8, $0x0, v25;
	v9 =	vnsel vm9, $0x0, v9;
	v28 =	vnsel vm10, $0x0, v21  }
0x50: {  	v21 =	vadd.s32 $0x2, v21;
	v26 =	vnsel vm11, $0x0, v26;
	v42 =	vnsel vm14, $0x0, v29  }
0x51: {  	vm15 =	vgt.s32 v22, $0x0;
	v8 =	vmin.u32 v8, $0x58D6;
	v54 =	vmin.u32 v63, $0x58D6  }
0x52: {  	v5 =	vmin.u32 v5, $0x58D6;
	v57 =	vadd.s32 v0, v56;
	v58 =	vmin.u32 v10, $0x58D6  }
0x53: {  	v61 =	vmin.u32 v14, $0x58D6;
	v39 =	vmin.u32 v24, $0x58D6;
	v2 =	vadd.s32 v0, v2  }
0x54: {  	v4 =	vmin.u32 v4, $0x58D6;
	v6 =	vadd.s32 v0, v6;
	v13 =	vnsel vm6, $0x0, v13  }
0x55: {  	v16 =	vtrunc.f32 v16;
	vm12 =	vgt.s32 v21, $0x0;
	v22 =	vnsel vm15, $0x0, v22  }
0x56: {  	[tilespmem:$0x380] =	vst v1;
	v11 =	vadd.s32 v0, v11;
	v53 =	vadd.s32 v0, v8;
	v55 =	vadd.s32 v0, v54  }
0x57: {  	[tilespmem:$0x390] =	vst v1;
	v5 =	vadd.s32 v0, v5;
	v59 =	vadd.s32 v0, v58;
	v60 =	vmin.u32 v12, $0x58D6  }
0x58: {  	[tilespmem:$0x3A0] =	vst v1;
	v63 =	vadd.s32 v0, v61;
	v15 =	vmin.u32 v20, $0x58D6;
	v20 =	vmin.u32 v19, $0x58D6  }
0x59: {  	[tilespmem:$0x3B0] =	vst v1;
	v25 =	vld [tilespmem:$0x70];
	v31 =	vmin.u32 v40, $0x58D6;
	v9 =	vmin.u32 v9, $0x58D6;
	v33 =	vmin.u32 v28, $0x58D6  }
0x5a: {  	[tilespmem:$0x140] =	vst v7;
	v36 =	vmin.u32 v26, $0x58D6;
	v41 =	vadd.s32 v0, v39;
	v42 =	vmin.u32 v42, $0x58D6  }
0x5b: {  	[tilespmem:$0x150] =	vst v57;
	v4 =	vadd.s32 v0, v4;
	v16 =	vcvt.f32.s32 v16;
	v21 =	vnsel vm12, $0x0, v21  }
0x5c: {  	[tilespmem:$0x180] =	vst v2;
	v2 =	vmin.u32 v3, $0x58D6;
	v62 =	vadd.s32 v0, v60;
	v18 =	vmin.u32 v13, $0x58D6  }
0x5d: {  	[tilespmem:$0x200] =	vst v6;
	v32 =	vadd.s32 v0, v31;
	v34 =	vadd.s32 v0, v9;
	v35 =	vadd.s32 v0, v33  }
0x5e: {  	[tilespmem:$0x240] =	vst v11;
	v37 =	vadd.s32 v0, v36;
	v2 =	vadd.s32 v0, v2;
	v30 =	vmul.f32 $1.900000000e+01, v25  }
0x5f: {  	[tilespmem:$0x2C0] =	vst v53;
	v38 =	vmin.u32 v21, $0x58D6;
	v16 =	vmul.u32 v17, v16;
	v45 =	vmul.f32 $3.800000000e+01, v25  }
0x60: {  	[tilespmem:$0x300] =	vst v55;
	v40 =	vadd.s32 v0, v38;
	v43 =	vtrunc.f32 v30;
	v30 =	vcvt.f32.s32 v44  }
0x61: {  	[tilespmem:$0x340] =	vst v5;
	v7 =	vmul.u32 $0x3, v16;
	v46 =	vtrunc.f32 v45;
	v44 =	vmul.f32 $7.600000000e+01, v25  }
0x62: {  	[tilespmem:$0x190] =	vst v59;
	v16 =	vadd.s32 v0, v15;
	v45 =	vmul.f32 $7.600000000e+01, v27;
	v29 =	vcvt.f32.s32 v43  }
0x63: {  	[tilespmem:$0x210] =	vst v63;
	v3 =	vcvt.f32.s32 v46;
	v50 =	vadd.s32 $0x1527, v7;
	v51 =	vadd.s32 $0x1528, v7  }
0x64: {  	[tilespmem:$0x220] =	vst v41;
	v43 =	vmin.u32 v22, $0x58D6;
	v46 =	vadd.s32 v0, v42;
	v7 =	vadd.s32 $0x1529, v7  }
0x65: {  	[tilespmem:$0x1C0] =	vst v4;
	vm4 =	vgt.s32 v50, $0x0;
	vm5 =	vgt.s32 v51, $0x0;
	v8 =	vadd.s32 v0, v43  }
0x66: {  	[tilespmem:$0x1D0] =	vst v62;
	v47 =	vtrunc.f32 v44;
	vm6 =	vgt.s32 v7, $0x0;
	v49 =	vmul.u32 v30, v29  }
0x67: {  	[tilespmem:$0x280] =	vst v2;
	v3 =	vmul.u32 v48, v3;
	v52 =	vnsel vm4, $0x0, v50;
	v2 =	vnsel vm5, $0x0, v51  }
0x68: {  	[tilespmem:$0x310] =	vst v32;
	v29 =	vadd.s32 v0, v18;
	v30 =	vadd.s32 v0, v20;
	v48 =	vtrunc.f32 v45  }
0x69: {  	[tilespmem:$0x350] =	vst v34;
	v53 =	vnsel vm6, $0x0, v7;
	v11 =	vmin.u32 v52, $0x58D6;
	v2 =	vmin.u32 v2, $0x58D6  }
0x6a: {  	[tilespmem:$0x160] =	vst v35;
	v50 =	vcvt.f32.s32 v48;
	v4 =	vmul.u32 $0x3, v49;
	v49 =	vcvt.f32.s32 v47  }
0x6b: {  	[tilespmem:$0x1A0] =	vst v37;
	v5 =	vmin.u32 v53, $0x58D6;
	v51 =	vadd.s32 v0, v11;
	v3 =	vmul.u32 $0x3, v3  }
0x6c: {  	[tilespmem:$0x1E0] =	vst v40;
	v2 =	vadd.s32 v0, v2;
	v5 =	vadd.s32 v0, v5;
	v6 =	vmul.u32 v50, v49  }
0x6d: {  	[tilespmem:$0x250] =	vst v16;
	v52 =	vadd.s32 $0x1, v4;
	vm8 =	vgt.s32 v4, $0x0;
	v55 =	vadd.s32 $0x43B, v3  }
0x6e: {  	[tilespmem:$0x260] =	vst v46;
	v61 =	vadd.s32 $0x43C, v3;
	v3 =	vadd.s32 $0x43D, v3;
	vm7 =	vgt.s32 v52, $0x0  }
0x6f: {  	[tilespmem:$0x2A0] =	vst v8;
	v56 =	vnsel vm8, $0x0, v4;
	v4 =	vadd.s32 $0x2, v4;
	vm10 =	vgt.s32 v55, $0x0  }
0x70: {  	[tilespmem:$0x290] =	vst v29;
	vm11 =	vgt.s32 v61, $0x0;
	vm12 =	vgt.s32 v3, $0x0;
	v54 =	vnsel vm7, $0x0, v52  }
0x71: {  	[tilespmem:$0x320] =	vst v2;
	v2 =	vmul.u32 $0x3, v6;
	v57 =	vmin.u32 v56, $0x58D6;
	vm9 =	vgt.s32 v4, $0x0  }
0x72: {  	[tilespmem:$0x2D0] =	vst v30;
	v62 =	vnsel vm10, $0x0, v55;
	v3 =	vnsel vm12, $0x0, v3;
	v58 =	vadd.s32 v0, v57  }
0x73: {  	[tilespmem:$0x2E0] =	vst v51;
	v59 =	vmin.u32 v54, $0x58D6;
	v4 =	vnsel vm9, $0x0, v4;
	v7 =	vmin.u32 v62, $0x58D6  }
0x74: {  	[tilespmem:$0x360] =	vst v5;
	v3 =	vmin.u32 v3, $0x58D6;
	v60 =	vadd.s32 $0x1527, v2;
	v6 =	vadd.s32 v0, v59  }
0x75: {  	[tilespmem:$0x170] =	vst v58;
	v4 =	vmin.u32 v4, $0x58D6;
	v7 =	vadd.s32 v0, v7;
	v3 =	vadd.s32 v0, v3  }
0x76: {  	v63 =	vadd.s32 $0x1528, v2;
	v2 =	vadd.s32 $0x1529, v2;
	[tilespmem:$0x1B0] =	vst v6;
	v4 =	vadd.s32 v0, v4  }
0x77: {  	v6 =	vnsel vm11, $0x0, v61;
	vm13 =	vgt.s32 v60, $0x0;
	[tilespmem:$0x230] =	vst v7;
	vm14 =	vgt.s32 v63, $0x0  }
0x78: {  	vm15 =	vgt.s32 v2, $0x0;
	[tilespmem:$0x2B0] =	vst v3;
	v6 =	vmin.u32 v6, $0x58D6;
	v5 =	vnsel vm13, $0x0, v60  }
0x79: {  	[tilespmem:$0x1F0] =	vst v4;
	v2 =	vnsel vm15, $0x0, v2;
	v6 =	vadd.s32 v0, v6;
	v5 =	vmin.u32 v5, $0x58D6  }
0x7a: {  	v4 =	vnsel vm14, $0x0, v63;
	v2 =	vmin.u32 v2, $0x58D6;
	[tilespmem:$0x270] =	vst v6;
	v3 =	vadd.s32 v0, v5  }
0x7b: {  	v4 =	vmin.u32 v4, $0x58D6;
	v2 =	vadd.s32 v0, v2;
	[tilespmem:$0x2F0] =	vst v3  }
0x7c: {  	v3 =	vadd.s32 v0, v4;
	[tilespmem:$0x370] =	vst v2  }
0x7d: {  	[tilespmem:$0x330] =	vst v3  }
0x7e: {  	[tilespmem:s12], [sflag:$0x1] =	stream.indirect.gather [hbm4b:s3+s10], $0x1, s11, s10, $0xb8;
	[tilespmem:$0x640] =	vst v63  }
0x7f: {  	_ =	swait.ge [sflag:s13], $0x280  }
0x80: {  	p0 =	sne.s32 s6, $0x1;
	[sflag:s13] =	ssyncset.done $0x0  }
.Ltmp1:
0x81: {  	[sflag:s13] =	ssyncadd.s32 $0xFFFFFD80;
	(pc) =	sbr.rel @p0 .LBB2_2-.Ltmp1, $4  }
0x82: {  	[hbm4b:s4+s2] =	stream.linear.scatter [tilespmem:s12], [sflag:$0x2], $0x280, $0x38;
	[tilespmem:$0x640] =	vst v63  }
0x83: {  	_ =	swait.ge [sflag:s9], $0x280  }
0x84: {  	[sflag:s9] =	ssyncset.done $0x0  }
0x85: {  	s6 =	sadd.s32 $0xFFFFFFFF, s6;
	[sflag:s9] =	ssyncadd.s32 $0xFFFFFD80  }
.LBB2_3:
0x86: {  	_ =	sfence.sel $0x180000  }
0x87: {  	[bflag:$0x0] =	sbarrier.arrive $0xFFFF  }
0x88: {  	p0 =	sne.s32 s1, $0x0;
	_ =	strace $0x90000047  }
0x89: {  	s0 =	sadd.s32 @!p0 $0x100000, s0;
	[bflag:$0x2] =	sbarrier.arrive $0xFFFF  }
0x8a: {  	[sflag:s0] =	ssyncadd.tile.s32 @!p0 $0x1;
	_ =	shalt  }
.Lfunc_end2:
_tile_overlayer_lowered:
.L_overlay_start_2:
0x8b: {  	(tag) =	ssettag $0x2  }
0x8c: {  	s0 =	rddreg [dreg:$0x0];
	s2 =	stileid.u32  }
0x8d: {  	s1 =	rddreg [dreg:$0x1];
	p0 =	sne.s32 s2, $0x0  }
0x8e: {  	s3 =	rddreg [dreg:$0x2];
	[bflag:$0x3] =	sbarrier.arrive $0xFFFF;
	s2 =	simm.s32 @!p0 $0x1C02  }
0x8f: {  	[timem:s3], [sflag:s2] =	dma.local @!p0 [hbm:s0], s1  }
0x90: {  	s0 =	simm.s32 @!p0 $0x2  }
0x91: {  	_ =	swait.ge @!p0 [sflag:s0], s1  }
0x92: {  	s1 =	ssub.s32 @!p0 $0x0, s1;
	[sflag:s0] =	ssyncset.done @!p0 $0x0  }
0x93: {  	[sflag:s0] =	ssyncadd.s32 @!p0 s1  }
0x94: {  	[bflag:$0x3] =	sbarrier.arrive $0xFFFF  }
0x95: {  	_ =	shalt  }

</sc_bundles>
